<compile_context>
chip_gen: v7x
topology: tpu7x:2x2x1
jax: 0.10.2.dev20260603
libtpu: 0.0.44.dev20260713+nightly
codegen_flags: <defaults>
</compile_context>

<pallas_src>
import jax
import jax.numpy as jnp
from jax import lax
from jax.experimental import pallas as pl
from jax.experimental.pallas import tpu as pltpu
from jax.experimental.pallas import tpu_sc as plsc

NN = 100000
NE = 200000
SENT = 1 << 22

NB = 2000
GRID_N = NN // NB

EB = 2048

NW = 32
EPT = 6272
NE_PAD = NW * EPT
SPT = 2 * EPT
SUB = 784
NVR = SUB // 16
CHE = 8192
NENT = 409600
NCH = NENT // CHE


def _node_losses_body(pred_ref, fm_ref, bcd_ref, bcr_ref, fext_ref,
                      feid_ref, fisa_ref, acc_ref, slots_ref):
    pid = pl.program_id(0)

    @pl.when(pid == 0)
    def _init():
        for i in range(8):
            acc_ref[i] = 0.0

    p = pred_ref[...]
    fm = fm_ref[...]
    ff = p[:, 3:15]

    fext = fext_ref[...]
    free = bcd_ref[...] < 0.5
    row_sq = jnp.zeros((NB, 1), jnp.float32)
    for c in range(3):
        s = (ff[:, c:c + 1] + ff[:, 3 + c:4 + c] + ff[:, 6 + c:7 + c]
             + ff[:, 9 + c:10 + c]) - fext[:, c:c + 1]
        row_sq = row_sq + s * s
    acc_ref[0] += jnp.sum(jnp.where(free, row_sq, 0.0))
    acc_ref[1] += jnp.sum(jnp.where(free, 1.0, 0.0))

    sfree = jnp.zeros((), jnp.float32)
    for f in range(4):
        fmask = fm[:, f:f + 1] < 0.5
        blk = ff[:, 3 * f:3 * f + 3]
        sfree = sfree + jnp.sum(jnp.where(fmask, blk * blk, 0.0).sum(axis=1, keepdims=True))
    acc_ref[2] += sfree
    acc_ref[3] += jnp.sum(jnp.where(fm < 0.5, 1.0, 0.0))

    supd = bcd_ref[...] > 0.5
    supr = bcr_ref[...] > 0.5
    d01 = p[:, 0:1] * p[:, 0:1] + p[:, 1:2] * p[:, 1:2]
    acc_ref[4] += jnp.sum(jnp.where(supd, d01, 0.0))
    acc_ref[5] += jnp.sum(jnp.where(supd, 1.0, 0.0))
    acc_ref[6] += jnp.sum(jnp.where(supr, p[:, 2:3] * p[:, 2:3], 0.0))
    acc_ref[7] += jnp.sum(jnp.where(supr, 1.0, 0.0))

    feid = feid_ref[...]
    isa = fisa_ref[...]
    valid = fm > 0.5
    slot = 2 * feid + jnp.where(isa == 1, 0, 1)
    slots_ref[...] = jnp.where(valid, slot, SENT).astype(jnp.int32)


def _node_losses(pred, face_mask, bc_disp, bc_rot, F_ext, feid, fisa):
    return pl.pallas_call(
        _node_losses_body,
        grid=(GRID_N,),
        in_specs=[
            pl.BlockSpec((NB, 15), lambda j: (j, 0)),
            pl.BlockSpec((NB, 4), lambda j: (j, 0)),
            pl.BlockSpec((NB, 1), lambda j: (j, 0)),
            pl.BlockSpec((NB, 1), lambda j: (j, 0)),
            pl.BlockSpec((NB, 3), lambda j: (j, 0)),
            pl.BlockSpec((NB, 4), lambda j: (j, 0)),
            pl.BlockSpec((NB, 4), lambda j: (j, 0)),
        ],
        out_specs=[
            pl.BlockSpec(memory_space=pltpu.SMEM),
            pl.BlockSpec((NB, 4), lambda j: (j, 0)),
        ],
        out_shape=[
            jax.ShapeDtypeStruct((8,), jnp.float32),
            jax.ShapeDtypeStruct((NN, 4), jnp.int32),
        ],
    )(pred, face_mask, bc_disp, bc_rot, F_ext, feid, fisa)


def _elem_scalars_body(pe_ref, pa_ref, el_ref, load_ref, acc_ref):
    pid = pl.program_id(0)

    @pl.when(pid == 0)
    def _init():
        for i in range(4):
            acc_ref[i] = 0.0

    acc_ref[0] += jnp.sum(pe_ref[...])
    acc_ref[1] += jnp.sum(pa_ref[...])
    acc_ref[2] += jnp.sum(el_ref[...])
    ld = load_ref[...]
    q = jnp.sqrt(ld[:, 0:1] ** 2 + ld[:, 1:2] ** 2 + ld[:, 2:3] ** 2)
    acc_ref[3] = jnp.maximum(acc_ref[3], jnp.max(q))


def _elem_scalars(prop_E, prop_A, elem_lengths, elem_load):
    return pl.pallas_call(
        _elem_scalars_body,
        grid=(NE_PAD // EB,),
        in_specs=[
            pl.BlockSpec((EB,), lambda j: (j,)),
            pl.BlockSpec((EB,), lambda j: (j,)),
            pl.BlockSpec((EB,), lambda j: (j,)),
            pl.BlockSpec((EB, 3), lambda j: (j, 0)),
        ],
        out_specs=pl.BlockSpec(memory_space=pltpu.SMEM),
        out_shape=jax.ShapeDtypeStruct((4,), jnp.float32),
    )(prop_E, prop_A, elem_lengths, elem_load)


def _sc_ln_body(slots_hbm, pred_hbm, conn_hbm, dirs_hbm, pe_hbm, pa_hbm,
                el_hbm, out_hbm,
                table, sbufa, sbufb, conn_v, pe_v, pa_v, el_v, dirs_v,
                iax, iaz, ibx, ibz, idax, idaz, idbx, idbz,
                vax, vaz, vbx, vbz, vdax, vdaz, vdbx, vdbz,
                kb_a, kb_b, acc_v,
                sem_a, sem_b, sem_lin, sem_ind):
    wid = lax.axis_index("s") * 2 + lax.axis_index("c")
    iota = lax.iota(jnp.int32, 16)
    lo = wid * SPT
    hi = lo + SPT
    zero16 = jnp.zeros((16,), jnp.int32)

    e0 = wid * EPT
    cp1 = pltpu.async_copy(conn_hbm.at[pl.ds(2 * e0, 2 * EPT)], conn_v, sem_lin)
    cp2 = pltpu.async_copy(pe_hbm.at[pl.ds(e0, EPT)], pe_v, sem_lin)
    cp3 = pltpu.async_copy(pa_hbm.at[pl.ds(e0, EPT)], pa_v, sem_lin)
    cp4 = pltpu.async_copy(el_hbm.at[pl.ds(e0, EPT)], el_v, sem_lin)

    with jax.named_scope("p0_zero"):
        @plsc.parallel_loop(0, SPT // 16, unroll=8)
        def _z(i):
            table[pl.ds(i * 16, 16)] = zero16

    def _scan(buf, c):
        @plsc.parallel_loop(0, CHE // 16, unroll=16)
        def _v(i):
            s = buf[pl.ds(i * 16, 16)]
            key = (c * CHE + i * 16 + 1) + iota
            m = jnp.logical_and(s >= lo, s < hi)

            @pl.when(jnp.any(m))
            def _hit():
                li = jnp.where(m, s - lo, 0)
                plsc.store_scatter(table, [li], key, mask=m)

    with jax.named_scope("p1_scan"):
        pltpu.async_copy(slots_hbm.at[pl.ds(0, CHE)], sbufa, sem_a)

        def _chunk(k, _):
            ca = 2 * k
            cb = 2 * k + 1
            pltpu.async_copy(slots_hbm.at[pl.ds(cb * CHE, CHE)], sbufb, sem_b)
            pltpu.make_async_copy(slots_hbm.at[pl.ds(0, CHE)], sbufa, sem_a).wait()
            _scan(sbufa, ca)

            @pl.when(cb + 1 < NCH)
            def _next():
                pltpu.async_copy(slots_hbm.at[pl.ds((cb + 1) * CHE, CHE)], sbufa, sem_a)
            pltpu.make_async_copy(slots_hbm.at[pl.ds(0, CHE)], sbufb, sem_b).wait()
            _scan(sbufb, cb)
            return 0
        lax.fori_loop(0, NCH // 2, _chunk, 0)

    cp1.wait(); cp2.wait(); cp3.wait(); cp4.wait()

    def _sub(sb, acc):
        lb = sb * SUB
        cpd = pltpu.async_copy(dirs_hbm.at[pl.ds(3 * (e0 + lb), 3 * SUB)],
                               dirs_v, sem_lin)

        @plsc.parallel_loop(0, NVR, unroll=4)
        def _bld(i):
            o = i * 16
            l2 = 2 * (lb + o) + 2 * iota
            ka = plsc.load_gather(table, [l2])
            kb = plsc.load_gather(table, [l2 + 1])
            kb_a[pl.ds(o, 16)] = ka
            kb_b[pl.ds(o, 16)] = kb
            kma = jnp.maximum(ka - 1, 0)
            kmb = jnp.maximum(kb - 1, 0)
            fa = lax.div(kma, NN)
            fb = lax.div(kmb, NN)
            na = kma - fa * NN
            nb = kmb - fb * NN
            pax = na * 15 + 3 * fa + 3
            pbx = nb * 15 + 3 * fb + 3
            iax[pl.ds(o, 16)] = pax
            iaz[pl.ds(o, 16)] = pax + 1
            ibx[pl.ds(o, 16)] = pbx
            ibz[pl.ds(o, 16)] = pbx + 1
            nac = plsc.load_gather(conn_v, [l2])
            nbc = plsc.load_gather(conn_v, [l2 + 1])
            idax[pl.ds(o, 16)] = nac * 15
            idaz[pl.ds(o, 16)] = nac * 15 + 1
            idbx[pl.ds(o, 16)] = nbc * 15
            idbz[pl.ds(o, 16)] = nbc * 15 + 1

        g = [pltpu.async_copy(pred_hbm.at[ix], dv, sem_ind)
             for ix, dv in ((iax, vax), (iaz, vaz), (ibx, vbx), (ibz, vbz),
                            (idax, vdax), (idaz, vdaz), (idbx, vdbx), (idbz, vdbz))]
        cpd.wait()
        for gg in g:
            gg.wait()

        def _cmp(i, a):
            o = i * 16
            rowloc = o + iota
            ka = kb_a[pl.ds(o, 16)]
            kb = kb_b[pl.ds(o, 16)]
            cosv = plsc.load_gather(dirs_v, [3 * rowloc])
            sinv = plsc.load_gather(dirs_v, [3 * rowloc + 2])
            ev = pe_v[pl.ds(lb + o, 16)]
            av = pa_v[pl.ds(lb + o, 16)]
            lv = el_v[pl.ds(lb + o, 16)]
            nax = ev * av * ((vdbx[pl.ds(o, 16)] - vdax[pl.ds(o, 16)]) * cosv
                             + (vdbz[pl.ds(o, 16)] - vdaz[pl.ds(o, 16)]) * sinv) / lv
            fza = jnp.where(ka > 0, vax[pl.ds(o, 16)] * cosv + vaz[pl.ds(o, 16)] * sinv, 0.0)
            fzb = jnp.where(kb > 0, vbx[pl.ds(o, 16)] * cosv + vbz[pl.ds(o, 16)] * sinv, 0.0)
            ra = fza + nax
            rb = fzb - nax
            emask = (e0 + lb + rowloc) < NE
            return a + jnp.where(emask, ra * ra + rb * rb, 0.0)
        return plsc.parallel_loop(0, NVR, unroll=4, carry=acc)(_cmp)

    with jax.named_scope("p2_gather_compute"):
        acc = lax.fori_loop(0, EPT // SUB, _sub, jnp.zeros((16,), jnp.float32))
        acc_v[...] = acc
        pltpu.sync_copy(acc_v, out_hbm.at[wid])


def _sc_ln(slots1d, pred_flat, conn_flat, dirs_flat, pe_p, pa_p, el_p):
    mesh = plsc.VectorSubcoreMesh(core_axis_name="c", subcore_axis_name="s")
    f32 = jnp.float32
    i32 = jnp.int32
    kern = pl.kernel(
        _sc_ln_body,
        out_type=jax.ShapeDtypeStruct((NW, 16), f32),
        mesh=mesh,
        compiler_params=pltpu.CompilerParams(needs_layout_passes=False),
        scratch_types=(
            [pltpu.VMEM((SPT,), i32),
             pltpu.VMEM((CHE,), i32),
             pltpu.VMEM((CHE,), i32),
             pltpu.VMEM((2 * EPT,), i32),
             pltpu.VMEM((EPT,), f32),
             pltpu.VMEM((EPT,), f32),
             pltpu.VMEM((EPT,), f32),
             pltpu.VMEM((3 * SUB,), f32)]
            + [pltpu.VMEM((SUB,), i32) for _ in range(8)]
            + [pltpu.VMEM((SUB,), f32) for _ in range(8)]
            + [pltpu.VMEM((SUB,), i32),
               pltpu.VMEM((SUB,), i32),
               pltpu.VMEM((16,), f32),
               pltpu.SemaphoreType.DMA,
               pltpu.SemaphoreType.DMA,
               pltpu.SemaphoreType.DMA,
               pltpu.SemaphoreType.DMA]
        ),
    )
    return kern(slots1d, pred_flat, conn_flat, dirs_flat, pe_p, pa_p, el_p)


def kernel(pred, face_mask, bc_disp, bc_rot, F_ext, elem_directions, prop_E,
           prop_A, prop_I22, elem_lengths, elem_load, connectivity,
           face_element_id, face_is_A_end):
    acc, slots = _node_losses(pred, face_mask, bc_disp, bc_rot, F_ext,
                              face_element_id.astype(jnp.int32),
                              face_is_A_end.astype(jnp.int32))
    padn = NE_PAD - NE
    conn_flat = jnp.pad(connectivity.astype(jnp.int32).reshape(-1), (0, 2 * padn))
    dirs_flat = jnp.pad(elem_directions.reshape(-1), (0, 3 * padn))
    pe_p = jnp.pad(prop_E, (0, padn))
    pa_p = jnp.pad(prop_A, (0, padn))
    el_p = jnp.pad(elem_lengths, (0, padn))
    load_p = jnp.pad(elem_load, ((0, padn), (0, 0)))
    esc = _elem_scalars(pe_p, pa_p, el_p, load_p)

    slots1d = jnp.pad(slots.T.reshape(-1), (0, NENT - 4 * NN), constant_values=SENT)
    pred_flat = pred.reshape(-1)
    parts = _sc_ln(slots1d, pred_flat, conn_flat, dirs_flat, pe_p, pa_p, el_p)

    E_ref = esc[0] / NE
    A_ref = esc[1] / NE
    L_ref = esc[2] / NE
    q_ref = jnp.where(esc[3] < 1e-10, 1.0, esc[3])
    N_ref = jnp.maximum(E_ref * A_ref * 0.001 / L_ref, 1e-06)
    q_ref = jnp.maximum(q_ref, 1e-06)
    F_ref = jnp.maximum(q_ref * L_ref, 1e-06)
    L_eq = acc[0] / (F_ref * F_ref) / jnp.maximum(acc[1], 1.0)
    L_free = acc[2] / (F_ref * F_ref) / jnp.maximum(acc[3] * 3.0, 1.0)
    L_sup = acc[4] / jnp.maximum(acc[5], 1.0) + acc[6] / jnp.maximum(acc[7], 1.0)
    L_N = jnp.sum(parts) / (N_ref * N_ref) / NE
    return L_eq + L_free + L_sup + L_N

# --- scband reference (transcript-rebuilt; emitter-appended) ---
"""Pipeline reference for scband-method-cphysics-loss-85555748537207 (READ-ONLY COPY).

The authoritative reference and input builder live on the scoring server;
editing this copy changes nothing except your own understanding.
"""

import jax, jax.numpy as jnp
import numpy as np

N_NODES = 100000
N_ELEMS = 200000


def setup_inputs(seed: int = 0):
    key = jax.random.key(seed)
    ks = jax.random.split(key, 14)
    pred = jax.random.normal(ks[0], (N_NODES, 15), dtype=jnp.float32)
    face_mask = jax.random.uniform(ks[1], (N_NODES, 4), dtype=jnp.float32)
    bc_disp = jax.random.uniform(ks[2], (N_NODES, 1), dtype=jnp.float32)
    bc_rot = jax.random.uniform(ks[3], (N_NODES, 1), dtype=jnp.float32)
    F_ext = jax.random.normal(ks[4], (N_NODES, 3), dtype=jnp.float32)
    elem_directions = jax.random.uniform(ks[5], (N_ELEMS, 3), dtype=jnp.float32)
    prop_E = jax.random.uniform(ks[6], (N_ELEMS,), dtype=jnp.float32) + 0.5
    prop_A = jax.random.uniform(ks[7], (N_ELEMS,), dtype=jnp.float32) + 0.5
    prop_I22 = jax.random.uniform(ks[8], (N_ELEMS,), dtype=jnp.float32) + 0.5
    elem_lengths = jax.random.uniform(ks[9], (N_ELEMS,), dtype=jnp.float32) + 0.5
    elem_load = jax.random.normal(ks[10], (N_ELEMS, 3), dtype=jnp.float32)
    connectivity = jax.random.randint(ks[11], (N_ELEMS, 2), 0, N_NODES)
    face_element_id = jax.random.randint(ks[12], (N_NODES, 4), 0, N_ELEMS)
    face_is_A_end = jax.random.randint(ks[13], (N_NODES, 4), 0, 2)
    return {"pred": pred, "face_mask": face_mask, "bc_disp": bc_disp, "bc_rot": bc_rot,
            "F_ext": F_ext, "elem_directions": elem_directions, "prop_E": prop_E,
            "prop_A": prop_A, "prop_I22": prop_I22, "elem_lengths": elem_lengths,
            "elem_load": elem_load, "connectivity": connectivity,
            "face_element_id": face_element_id, "face_is_A_end": face_is_A_end}


def _forward(pred, face_mask, bc_disp, bc_rot, F_ext, elem_directions, prop_E, prop_A,
             prop_I22, elem_lengths, elem_load, connectivity, face_element_id, face_is_A_end):
    sg = jax.lax.stop_gradient
    # characteristic scales (detached, as in torch .item())
    E_ref = sg(prop_E.mean())
    A_ref = sg(prop_A.mean())
    L_ref = sg(elem_lengths.mean())
    q_mag = jnp.linalg.norm(elem_load, axis=1)
    q_ref = sg(q_mag.max())
    q_ref = jnp.where(q_ref < 1e-10, 1.0, q_ref)
    u_ref = 0.001
    N_ref = jnp.maximum(E_ref * A_ref * u_ref / L_ref, 1e-06)
    q_ref = jnp.maximum(q_ref, 1e-06)
    F_ref = jnp.maximum(q_ref * L_ref, 1e-06)
    # extract predictions
    disp = pred[:, 0:3]
    face_forces = pred[:, 3:15].reshape(-1, 4, 3)
    # element end data
    disp_A = disp[connectivity[:, 0]]
    disp_B = disp[connectivity[:, 1]]
    ff_A = jnp.zeros((N_ELEMS, 3), dtype=pred.dtype)
    ff_B = jnp.zeros((N_ELEMS, 3), dtype=pred.dtype)
    for f in range(4):
        valid = face_mask[:, f] > 0.5
        elems = face_element_id[:, f]
        isA = face_is_A_end[:, f]
        forces = face_forces[:, f, :]
        idxA = jnp.where(valid & (isA == 1), elems, N_ELEMS)
        ff_A = ff_A.at[idxA].set(forces, mode='drop')
        idxB = jnp.where(valid & (isA == 0), elems, N_ELEMS)
        ff_B = ff_B.at[idxB].set(forces, mode='drop')
    # transform to local frame
    cos_a = elem_directions[:, 0:1]
    sin_a = elem_directions[:, 2:3]
    def rotate(v):
        vx = v[:, 0:1]; vz = v[:, 1:2]; vt = v[:, 2:3]
        return jnp.concatenate([vx * cos_a + vz * sin_a, -vx * sin_a + vz * cos_a, vt], axis=1)
    disp_A_loc = rotate(disp_A)
    disp_B_loc = rotate(disp_B)
    ff_A_loc = rotate(ff_A)
    ff_B_loc = rotate(ff_B)
    # L_eq: nodal equilibrium at free nodes
    sum_forces = face_forces.sum(axis=1)
    residual = (sum_forces - F_ext) / F_ref
    free_mask = bc_disp[:, 0] < 0.5
    row_sq = residual[:, 0] ** 2 + residual[:, 1] ** 2 + residual[:, 2] ** 2
    cnt = jnp.maximum(free_mask.sum(), 1).astype(pred.dtype)
    L_eq = jnp.sum(jnp.where(free_mask, row_sq, 0.0)) / cnt
    # L_free: forces at unconnected faces = 0
    freef = face_mask < 0.5
    vals = (face_forces / F_ref) ** 2
    cnt_free = jnp.maximum(freef.sum() * 3, 1).astype(pred.dtype)
    L_free = jnp.sum(vals * freef[:, :, None]) / cnt_free
    # L_sup: support displacements = 0
    sup_d = bc_disp[:, 0] > 0.5
    sup_r = bc_rot[:, 0] > 0.5
    cnt_d = jnp.maximum(sup_d.sum(), 1).astype(pred.dtype)
    cnt_r = jnp.maximum(sup_r.sum(), 1).astype(pred.dtype)
    L_sup = jnp.sum(jnp.where(sup_d, disp[:, 0] ** 2, 0.0)) / cnt_d
    L_sup = L_sup + jnp.sum(jnp.where(sup_d, disp[:, 1] ** 2, 0.0)) / cnt_d
    L_sup = L_sup + jnp.sum(jnp.where(sup_r, disp[:, 2] ** 2, 0.0)) / cnt_r
    # L_N: axial constitutive residual
    EA = prop_E * prop_A
    Naxial = EA * (disp_B_loc[:, 0] - disp_A_loc[:, 0]) / elem_lengths
    res_A = (ff_A_loc[:, 0] + Naxial) / N_ref
    res_B = (ff_B_loc[:, 0] - Naxial) / N_ref
    L_N = (res_A ** 2 + res_B ** 2).mean()
    w_eq = 1.0; w_free = 1.0; w_sup = 1.0; w_N = 1.0
    return w_eq * L_eq + w_free * L_free + w_sup * L_sup + w_N * L_N


def reference(pred, face_mask, bc_disp, bc_rot, F_ext, elem_directions, prop_E, prop_A,
              prop_I22, elem_lengths, elem_load, connectivity, face_element_id, face_is_A_end):
    return _forward(pred=pred, face_mask=face_mask, bc_disp=bc_disp, bc_rot=bc_rot,
                    F_ext=F_ext, elem_directions=elem_directions, prop_E=prop_E,
                    prop_A=prop_A, prop_I22=prop_I22, elem_lengths=elem_lengths,
                    elem_load=elem_load, connectivity=connectivity,
                    face_element_id=face_element_id, face_is_A_end=face_is_A_end)

if __name__ == "__main__":
    import jax
    _d = setup_inputs()
    print(jax.jit(kernel)(*tuple(_d.values())))

</pallas_src>

<mosaic_0001>
#map = affine_map<(d0, d1) -> (0)>
#map1 = affine_map<(d0, d1) -> (0, 0)>
module attributes {stable_mosaic.version = 14 : i64} {
  func.func @_sc_ln_body(%arg0: i32, %arg1: i32, %arg2: memref<409600xi32, #tpu.memory_space<hbm>>, %arg3: memref<1500000xf32, #tpu.memory_space<hbm>>, %arg4: memref<401408xi32, #tpu.memory_space<hbm>>, %arg5: memref<602112xf32, #tpu.memory_space<hbm>>, %arg6: memref<200704xf32, #tpu.memory_space<hbm>>, %arg7: memref<200704xf32, #tpu.memory_space<hbm>>, %arg8: memref<200704xf32, #tpu.memory_space<hbm>>, %arg9: memref<32x16xf32, #tpu.memory_space<hbm>>, %arg10: memref<12544xi32, #tpu.memory_space<vmem>>, %arg11: memref<8192xi32, #tpu.memory_space<vmem>>, %arg12: memref<8192xi32, #tpu.memory_space<vmem>>, %arg13: memref<12544xi32, #tpu.memory_space<vmem>>, %arg14: memref<6272xf32, #tpu.memory_space<vmem>>, %arg15: memref<6272xf32, #tpu.memory_space<vmem>>, %arg16: memref<6272xf32, #tpu.memory_space<vmem>>, %arg17: memref<2352xf32, #tpu.memory_space<vmem>>, %arg18: memref<784xi32, #tpu.memory_space<vmem>>, %arg19: memref<784xi32, #tpu.memory_space<vmem>>, %arg20: memref<784xi32, #tpu.memory_space<vmem>>, %arg21: memref<784xi32, #tpu.memory_space<vmem>>, %arg22: memref<784xi32, #tpu.memory_space<vmem>>, %arg23: memref<784xi32, #tpu.memory_space<vmem>>, %arg24: memref<784xi32, #tpu.memory_space<vmem>>, %arg25: memref<784xi32, #tpu.memory_space<vmem>>, %arg26: memref<784xf32, #tpu.memory_space<vmem>>, %arg27: memref<784xf32, #tpu.memory_space<vmem>>, %arg28: memref<784xf32, #tpu.memory_space<vmem>>, %arg29: memref<784xf32, #tpu.memory_space<vmem>>, %arg30: memref<784xf32, #tpu.memory_space<vmem>>, %arg31: memref<784xf32, #tpu.memory_space<vmem>>, %arg32: memref<784xf32, #tpu.memory_space<vmem>>, %arg33: memref<784xf32, #tpu.memory_space<vmem>>, %arg34: memref<784xi32, #tpu.memory_space<vmem>>, %arg35: memref<784xi32, #tpu.memory_space<vmem>>, %arg36: memref<16xf32, #tpu.memory_space<vmem>>, %arg37: memref<!tpu.dma_semaphore, #tpu.memory_space<semaphore_mem>>, %arg38: memref<!tpu.dma_semaphore, #tpu.memory_space<semaphore_mem>>, %arg39: memref<!tpu.dma_semaphore, #tpu.memory_space<semaphore_mem>>, %arg40: memref<!tpu.dma_semaphore, #tpu.memory_space<semaphore_mem>>) attributes {dimension_semantics = [#tpu.dimension_semantics<core_parallel>, #tpu.dimension_semantics<subcore_parallel>], iteration_bounds = array<i64: 2, 16>, scalar_prefetch = 0 : i64, scratch_operands = 31 : i64, tpu.core_type = #tpu.core_type<sc_vector_subcore>, window_params = [{transform_indices = #map}, {transform_indices = #map}, {transform_indices = #map}, {transform_indices = #map}, {transform_indices = #map}, {transform_indices = #map}, {transform_indices = #map}, {transform_indices = #map1}]} {
    %mul3A = arith.constant 2 : i32
    %mul3A_0 = arith.muli %arg1, %mul3A : i32
    %add3A = arith.addi %mul3A_0, %arg0 : i32
    %iota3A = tpu.iota {dimensions = array<i32: 0>} : vector<16xi32>
    %mul3A_1 = arith.constant 12544 : i32
    %mul3A_2 = arith.muli %add3A, %mul3A_1 : i32
    %add3A_3 = arith.constant 12544 : i32
    %add3A_4 = arith.addi %mul3A_2, %add3A_3 : i32
    %broadcast_in_dim3A = arith.constant 0 : i32
    %broadcast_in_dim3A_5 = vector.broadcast %broadcast_in_dim3A : i32 to vector<16xi32>
    %mul3A_6 = arith.constant 6272 : i32
    %mul3A_7 = arith.muli %add3A, %mul3A_6 : i32
    %mul3A_8 = arith.constant 2 : i32
    %mul3A_9 = arith.muli %mul3A_8, %mul3A_7 : i32
    %dma_start3A = tpu.memref_slice %arg4[%mul3A_9] : memref<401408xi32, #tpu.memory_space<hbm>> -> memref<12544xi32, #tpu.memory_space<hbm>>
    %dma_start3A_10 = tpu.memref_slice %arg4[%mul3A_9] : memref<401408xi32, #tpu.memory_space<hbm>> -> memref<12544xi32, #tpu.memory_space<hbm>>
    tpu.enqueue_dma source(%dma_start3A_10 : memref<12544xi32, #tpu.memory_space<hbm>>) target(%arg13 : memref<12544xi32, #tpu.memory_space<vmem>>) target_semaphore(%arg39 : memref<!tpu.dma_semaphore, #tpu.memory_space<semaphore_mem>>)
    %dma_start3A_11 = tpu.memref_slice %arg6[%mul3A_7] : memref<200704xf32, #tpu.memory_space<hbm>> -> memref<6272xf32, #tpu.memory_space<hbm>>
    %dma_start3A_12 = tpu.memref_slice %arg6[%mul3A_7] : memref<200704xf32, #tpu.memory_space<hbm>> -> memref<6272xf32, #tpu.memory_space<hbm>>
    tpu.enqueue_dma source(%dma_start3A_12 : memref<6272xf32, #tpu.memory_space<hbm>>) target(%arg14 : memref<6272xf32, #tpu.memory_space<vmem>>) target_semaphore(%arg39 : memref<!tpu.dma_semaphore, #tpu.memory_space<semaphore_mem>>)
    %dma_start3A_13 = tpu.memref_slice %arg7[%mul3A_7] : memref<200704xf32, #tpu.memory_space<hbm>> -> memref<6272xf32, #tpu.memory_space<hbm>>
    %dma_start3A_14 = tpu.memref_slice %arg7[%mul3A_7] : memref<200704xf32, #tpu.memory_space<hbm>> -> memref<6272xf32, #tpu.memory_space<hbm>>
    tpu.enqueue_dma source(%dma_start3A_14 : memref<6272xf32, #tpu.memory_space<hbm>>) target(%arg15 : memref<6272xf32, #tpu.memory_space<vmem>>) target_semaphore(%arg39 : memref<!tpu.dma_semaphore, #tpu.memory_space<semaphore_mem>>)
    %dma_start3A_15 = tpu.memref_slice %arg8[%mul3A_7] : memref<200704xf32, #tpu.memory_space<hbm>> -> memref<6272xf32, #tpu.memory_space<hbm>>
    %dma_start3A_16 = tpu.memref_slice %arg8[%mul3A_7] : memref<200704xf32, #tpu.memory_space<hbm>> -> memref<6272xf32, #tpu.memory_space<hbm>>
    tpu.enqueue_dma source(%dma_start3A_16 : memref<6272xf32, #tpu.memory_space<hbm>>) target(%arg16 : memref<6272xf32, #tpu.memory_space<vmem>>) target_semaphore(%arg39 : memref<!tpu.dma_semaphore, #tpu.memory_space<semaphore_mem>>)
    %parallel_loop3A = arith.constant 0 : i32
    %parallel_loop3A_17 = arith.constant 784 : i32
    %parallel_loop3A_18 = arith.constant 1 : i32
    "tpu.trace_start"() <{level = 10 : i32, message = "p0_zero"}> : () -> ()
    scf.for %parallel_loop3A_45 = %parallel_loop3A to %parallel_loop3A_17 step %parallel_loop3A_18  : i32 {
      %parallel_loop3A_46 = arith.constant 16 : i32
      %parallel_loop3A_47 = arith.muli %parallel_loop3A_45, %parallel_loop3A_46 : i32
      %parallel_loop3A_48 = arith.index_cast %parallel_loop3A_47 : i32 to index
      %parallel_loop3A_49 = tpu.vector_load %arg10[%parallel_loop3A_48] {strides = array<i32>} : memref<12544xi32, #tpu.memory_space<vmem>>, vector<16xi32>,
      tpu.vector_store %arg10[%parallel_loop3A_48], %broadcast_in_dim3A_5 {strides = array<i32>} : memref<12544xi32, #tpu.memory_space<vmem>>, vector<16xi32>,
    } {sc.loop_unroll_factor = 8 : i64, sc.parallel_access}
    "tpu.trace_stop"() : () -> ()
    "tpu.trace_start"() <{level = 10 : i32, message = "p1_scan"}> : () -> ()
    %dma_start3A_19 = arith.constant 0 : i32
    %dma_start3A_20 = tpu.memref_slice %arg2[%dma_start3A_19] : memref<409600xi32, #tpu.memory_space<hbm>> -> memref<8192xi32, #tpu.memory_space<hbm>>
    %dma_start3A_21 = arith.constant 0 : i32
    %dma_start3A_22 = tpu.memref_slice %arg2[%dma_start3A_21] : memref<409600xi32, #tpu.memory_space<hbm>> -> memref<8192xi32, #tpu.memory_space<hbm>>
    tpu.enqueue_dma source(%dma_start3A_22 : memref<8192xi32, #tpu.memory_space<hbm>>) target(%arg11 : memref<8192xi32, #tpu.memory_space<vmem>>) target_semaphore(%arg37 : memref<!tpu.dma_semaphore, #tpu.memory_space<semaphore_mem>>)
    %scan3A = arith.constant 0 : i32
    %scan3A_23 = arith.constant 0 : i32
    %scan3A_24 = arith.constant 25 : i32
    %scan3A_25 = arith.addi %scan3A_23, %scan3A_24 : i32
    %scan3A_26 = arith.constant 1 : i32
    %scan3A_27 = scf.for %scan3A_45 = %scan3A_23 to %scan3A_25 step %scan3A_26 iter_args(%scan3A_46 = %scan3A) -> (i32)  : i32 {
      %mul3A_47 = arith.constant 2 : i32
      %mul3A_48 = arith.muli %mul3A_47, %scan3A_45 : i32
      %mul3A_49 = arith.constant 2 : i32
      %mul3A_50 = arith.muli %mul3A_49, %scan3A_45 : i32
      %add3A_51 = arith.constant 1 : i32
      %add3A_52 = arith.addi %mul3A_50, %add3A_51 : i32
      %mul3A_53 = arith.constant 8192 : i32
      %mul3A_54 = arith.muli %add3A_52, %mul3A_53 : i32
      %dma_start3A_55 = tpu.memref_slice %arg2[%mul3A_54] : memref<409600xi32, #tpu.memory_space<hbm>> -> memref<8192xi32, #tpu.memory_space<hbm>>
      %dma_start3A_56 = tpu.memref_slice %arg2[%mul3A_54] : memref<409600xi32, #tpu.memory_space<hbm>> -> memref<8192xi32, #tpu.memory_space<hbm>>
      tpu.enqueue_dma source(%dma_start3A_56 : memref<8192xi32, #tpu.memory_space<hbm>>) target(%arg12 : memref<8192xi32, #tpu.memory_space<vmem>>) target_semaphore(%arg38 : memref<!tpu.dma_semaphore, #tpu.memory_space<semaphore_mem>>)
      %dma_wait3A_57 = arith.constant 0 : i32
      %dma_wait3A_58 = tpu.memref_slice %arg2[%dma_wait3A_57] : memref<409600xi32, #tpu.memory_space<hbm>> -> memref<8192xi32, #tpu.memory_space<hbm>>
      %dma_wait3A_59 = arith.constant 0 : i32
      %dma_wait3A_60 = tpu.memref_slice %arg2[%dma_wait3A_59] : memref<409600xi32, #tpu.memory_space<hbm>> -> memref<8192xi32, #tpu.memory_space<hbm>>
      tpu.wait_dma2 semaphore(%arg37 : memref<!tpu.dma_semaphore, #tpu.memory_space<semaphore_mem>>) src(%dma_wait3A_60 : memref<8192xi32, #tpu.memory_space<hbm>>) dst(%arg11 : memref<8192xi32, #tpu.memory_space<vmem>>)
      %parallel_loop3A_61 = arith.constant 0 : i32
      %parallel_loop3A_62 = arith.constant 512 : i32
      %parallel_loop3A_63 = arith.constant 1 : i32
      scf.for %parallel_loop3A_76 = %parallel_loop3A_61 to %parallel_loop3A_62 step %parallel_loop3A_63  : i32 {
        %parallel_loop3A_77 = arith.constant 16 : i32
        %parallel_loop3A_78 = arith.muli %parallel_loop3A_76, %parallel_loop3A_77 : i32
        %parallel_loop3A_79 = arith.index_cast %parallel_loop3A_78 : i32 to index
        %parallel_loop3A_80 = tpu.vector_load %arg11[%parallel_loop3A_79] {strides = array<i32>} : memref<8192xi32, #tpu.memory_space<vmem>>, vector<16xi32>,
        %parallel_loop3A_81 = arith.constant 8192 : i32
        %parallel_loop3A_82 = arith.muli %mul3A_48, %parallel_loop3A_81 : i32
        %parallel_loop3A_83 = arith.constant 16 : i32
        %parallel_loop3A_84 = arith.muli %parallel_loop3A_76, %parallel_loop3A_83 : i32
        %parallel_loop3A_85 = arith.addi %parallel_loop3A_82, %parallel_loop3A_84 : i32
        %parallel_loop3A_86 = arith.constant 1 : i32
        %parallel_loop3A_87 = arith.addi %parallel_loop3A_85, %parallel_loop3A_86 : i32
        %parallel_loop3A_88 = vector.broadcast %parallel_loop3A_87 : i32 to vector<16xi32>
        %parallel_loop3A_89 = arith.addi %parallel_loop3A_88, %iota3A : vector<16xi32>
        %parallel_loop3A_90 = vector.broadcast %mul3A_2 : i32 to vector<16xi32>
        %parallel_loop3A_91 = arith.cmpi sge, %parallel_loop3A_80, %parallel_loop3A_90 : vector<16xi32>
        %parallel_loop3A_92 = vector.broadcast %add3A_4 : i32 to vector<16xi32>
        %parallel_loop3A_93 = arith.cmpi slt, %parallel_loop3A_80, %parallel_loop3A_92 : vector<16xi32>
        %parallel_loop3A_94 = arith.andi %parallel_loop3A_91, %parallel_loop3A_93 : vector<16xi1>
        %parallel_loop3A_95 = arith.constant 1.000000e+00 : f32
        %parallel_loop3A_96 = arith.constant 0.000000e+00 : f32
        %parallel_loop3A_97 = vector.broadcast %parallel_loop3A_95 : f32 to vector<16xf32>
        %parallel_loop3A_98 = vector.broadcast %parallel_loop3A_96 : f32 to vector<16xf32>
        %parallel_loop3A_99 = arith.select %parallel_loop3A_94, %parallel_loop3A_97, %parallel_loop3A_98 : vector<16xi1>, vector<16xf32>
        %parallel_loop3A_100 = arith.constant true
        %parallel_loop3A_101 = vector.broadcast %parallel_loop3A_100 : i1 to vector<16xi1>
        %parallel_loop3A_102 = tpu.scan <max>, %parallel_loop3A_99 masked %parallel_loop3A_101 : vector<16xf32>, vector<16xi1> -> vector<16xf32>
        %parallel_loop3A_103 = vector.extract %parallel_loop3A_102[15] : f32 from vector<16xf32>
        %parallel_loop3A_104 = arith.constant 0.000000e+00 : f32
        %parallel_loop3A_105 = arith.cmpf ogt, %parallel_loop3A_103, %parallel_loop3A_104 : f32
        %parallel_loop3A_106 = arith.extui %parallel_loop3A_105 : i1 to i32
        %parallel_loop3A_107 = arith.constant 0 : i32
        %parallel_loop3A_108 = arith.cmpi ne, %parallel_loop3A_106, %parallel_loop3A_107 : i32
        scf.if %parallel_loop3A_108 {
          %parallel_loop3A_109 = vector.broadcast %mul3A_2 : i32 to vector<16xi32>
          %parallel_loop3A_110 = arith.subi %parallel_loop3A_80, %parallel_loop3A_109 : vector<16xi32>
          %parallel_loop3A_111 = arith.constant 0 : i32
          %parallel_loop3A_112 = vector.broadcast %parallel_loop3A_111 : i32 to vector<16xi32>
          %parallel_loop3A_113 = arith.select %parallel_loop3A_94, %parallel_loop3A_110, %parallel_loop3A_112 : vector<16xi1>, vector<16xi32>
          tpu.vector_store_idx %arg10[%parallel_loop3A_113], %parallel_loop3A_89 masked %parallel_loop3A_94 : memref<12544xi32, #tpu.memory_space<vmem>>[vector<16xi32>], vector<16xi32>, vector<16xi1>
        } else {
        }
      } {sc.loop_unroll_factor = 16 : i64, sc.parallel_access}
      %add3A_64 = arith.constant 1 : i32
      %add3A_65 = arith.addi %add3A_52, %add3A_64 : i32
      %lt3A = arith.constant 50 : i32
      %lt3A_66 = arith.cmpi slt, %add3A_65, %lt3A : i32
      %convert_element_type3A = arith.extui %lt3A_66 : i1 to i32
      %cond3A = arith.constant 0 : i32
      %cond3A_67 = arith.cmpi ne, %convert_element_type3A, %cond3A : i32
      scf.if %cond3A_67 {
        %add3A_76 = arith.constant 1 : i32
        %add3A_77 = arith.addi %add3A_52, %add3A_76 : i32
        %mul3A_78 = arith.constant 8192 : i32
        %mul3A_79 = arith.muli %add3A_77, %mul3A_78 : i32
        %dma_start3A_80 = tpu.memref_slice %arg2[%mul3A_79] : memref<409600xi32, #tpu.memory_space<hbm>> -> memref<8192xi32, #tpu.memory_space<hbm>>
        %dma_start3A_81 = tpu.memref_slice %arg2[%mul3A_79] : memref<409600xi32, #tpu.memory_space<hbm>> -> memref<8192xi32, #tpu.memory_space<hbm>>
        tpu.enqueue_dma source(%dma_start3A_81 : memref<8192xi32, #tpu.memory_space<hbm>>) target(%arg11 : memref<8192xi32, #tpu.memory_space<vmem>>) target_semaphore(%arg37 : memref<!tpu.dma_semaphore, #tpu.memory_space<semaphore_mem>>)
      } else {
      }
      %dma_wait3A_68 = arith.constant 0 : i32
      %dma_wait3A_69 = tpu.memref_slice %arg2[%dma_wait3A_68] : memref<409600xi32, #tpu.memory_space<hbm>> -> memref<8192xi32, #tpu.memory_space<hbm>>
      %dma_wait3A_70 = arith.constant 0 : i32
      %dma_wait3A_71 = tpu.memref_slice %arg2[%dma_wait3A_70] : memref<409600xi32, #tpu.memory_space<hbm>> -> memref<8192xi32, #tpu.memory_space<hbm>>
      tpu.wait_dma2 semaphore(%arg38 : memref<!tpu.dma_semaphore, #tpu.memory_space<semaphore_mem>>) src(%dma_wait3A_71 : memref<8192xi32, #tpu.memory_space<hbm>>) dst(%arg12 : memref<8192xi32, #tpu.memory_space<vmem>>)
      %parallel_loop3A_72 = arith.constant 0 : i32
      %parallel_loop3A_73 = arith.constant 512 : i32
      %parallel_loop3A_74 = arith.constant 1 : i32
      scf.for %parallel_loop3A_76 = %parallel_loop3A_72 to %parallel_loop3A_73 step %parallel_loop3A_74  : i32 {
        %parallel_loop3A_77 = arith.constant 16 : i32
        %parallel_loop3A_78 = arith.muli %parallel_loop3A_76, %parallel_loop3A_77 : i32
        %parallel_loop3A_79 = arith.index_cast %parallel_loop3A_78 : i32 to index
        %parallel_loop3A_80 = tpu.vector_load %arg12[%parallel_loop3A_79] {strides = array<i32>} : memref<8192xi32, #tpu.memory_space<vmem>>, vector<16xi32>,
        %parallel_loop3A_81 = arith.constant 8192 : i32
        %parallel_loop3A_82 = arith.muli %add3A_52, %parallel_loop3A_81 : i32
        %parallel_loop3A_83 = arith.constant 16 : i32
        %parallel_loop3A_84 = arith.muli %parallel_loop3A_76, %parallel_loop3A_83 : i32
        %parallel_loop3A_85 = arith.addi %parallel_loop3A_82, %parallel_loop3A_84 : i32
        %parallel_loop3A_86 = arith.constant 1 : i32
        %parallel_loop3A_87 = arith.addi %parallel_loop3A_85, %parallel_loop3A_86 : i32
        %parallel_loop3A_88 = vector.broadcast %parallel_loop3A_87 : i32 to vector<16xi32>
        %parallel_loop3A_89 = arith.addi %parallel_loop3A_88, %iota3A : vector<16xi32>
        %parallel_loop3A_90 = vector.broadcast %mul3A_2 : i32 to vector<16xi32>
        %parallel_loop3A_91 = arith.cmpi sge, %parallel_loop3A_80, %parallel_loop3A_90 : vector<16xi32>
        %parallel_loop3A_92 = vector.broadcast %add3A_4 : i32 to vector<16xi32>
        %parallel_loop3A_93 = arith.cmpi slt, %parallel_loop3A_80, %parallel_loop3A_92 : vector<16xi32>
        %parallel_loop3A_94 = arith.andi %parallel_loop3A_91, %parallel_loop3A_93 : vector<16xi1>
        %parallel_loop3A_95 = arith.constant 1.000000e+00 : f32
        %parallel_loop3A_96 = arith.constant 0.000000e+00 : f32
        %parallel_loop3A_97 = vector.broadcast %parallel_loop3A_95 : f32 to vector<16xf32>
        %parallel_loop3A_98 = vector.broadcast %parallel_loop3A_96 : f32 to vector<16xf32>
        %parallel_loop3A_99 = arith.select %parallel_loop3A_94, %parallel_loop3A_97, %parallel_loop3A_98 : vector<16xi1>, vector<16xf32>
        %parallel_loop3A_100 = arith.constant true
        %parallel_loop3A_101 = vector.broadcast %parallel_loop3A_100 : i1 to vector<16xi1>
        %parallel_loop3A_102 = tpu.scan <max>, %parallel_loop3A_99 masked %parallel_loop3A_101 : vector<16xf32>, vector<16xi1> -> vector<16xf32>
        %parallel_loop3A_103 = vector.extract %parallel_loop3A_102[15] : f32 from vector<16xf32>
        %parallel_loop3A_104 = arith.constant 0.000000e+00 : f32
        %parallel_loop3A_105 = arith.cmpf ogt, %parallel_loop3A_103, %parallel_loop3A_104 : f32
        %parallel_loop3A_106 = arith.extui %parallel_loop3A_105 : i1 to i32
        %parallel_loop3A_107 = arith.constant 0 : i32
        %parallel_loop3A_108 = arith.cmpi ne, %parallel_loop3A_106, %parallel_loop3A_107 : i32
        scf.if %parallel_loop3A_108 {
          %parallel_loop3A_109 = vector.broadcast %mul3A_2 : i32 to vector<16xi32>
          %parallel_loop3A_110 = arith.subi %parallel_loop3A_80, %parallel_loop3A_109 : vector<16xi32>
          %parallel_loop3A_111 = arith.constant 0 : i32
          %parallel_loop3A_112 = vector.broadcast %parallel_loop3A_111 : i32 to vector<16xi32>
          %parallel_loop3A_113 = arith.select %parallel_loop3A_94, %parallel_loop3A_110, %parallel_loop3A_112 : vector<16xi1>, vector<16xi32>
          tpu.vector_store_idx %arg10[%parallel_loop3A_113], %parallel_loop3A_89 masked %parallel_loop3A_94 : memref<12544xi32, #tpu.memory_space<vmem>>[vector<16xi32>], vector<16xi32>, vector<16xi1>
        } else {
        }
      } {sc.loop_unroll_factor = 16 : i64, sc.parallel_access}
      %scan3A_75 = arith.constant 0 : i32
      scf.yield %scan3A_75 : i32
    }
    %scan3A_28 = arith.constant 25 : i32
    "tpu.trace_stop"() : () -> ()
    %dma_wait3A = tpu.memref_slice %arg4[%mul3A_9] : memref<401408xi32, #tpu.memory_space<hbm>> -> memref<12544xi32, #tpu.memory_space<hbm>>
    %dma_wait3A_29 = tpu.memref_slice %arg4[%mul3A_9] : memref<401408xi32, #tpu.memory_space<hbm>> -> memref<12544xi32, #tpu.memory_space<hbm>>
    tpu.wait_dma2 semaphore(%arg39 : memref<!tpu.dma_semaphore, #tpu.memory_space<semaphore_mem>>) src(%dma_wait3A_29 : memref<12544xi32, #tpu.memory_space<hbm>>) dst(%arg13 : memref<12544xi32, #tpu.memory_space<vmem>>)
    %dma_wait3A_30 = tpu.memref_slice %arg6[%mul3A_7] : memref<200704xf32, #tpu.memory_space<hbm>> -> memref<6272xf32, #tpu.memory_space<hbm>>
    %dma_wait3A_31 = tpu.memref_slice %arg6[%mul3A_7] : memref<200704xf32, #tpu.memory_space<hbm>> -> memref<6272xf32, #tpu.memory_space<hbm>>
    tpu.wait_dma2 semaphore(%arg39 : memref<!tpu.dma_semaphore, #tpu.memory_space<semaphore_mem>>) src(%dma_wait3A_31 : memref<6272xf32, #tpu.memory_space<hbm>>) dst(%arg14 : memref<6272xf32, #tpu.memory_space<vmem>>)
    %dma_wait3A_32 = tpu.memref_slice %arg7[%mul3A_7] : memref<200704xf32, #tpu.memory_space<hbm>> -> memref<6272xf32, #tpu.memory_space<hbm>>
    %dma_wait3A_33 = tpu.memref_slice %arg7[%mul3A_7] : memref<200704xf32, #tpu.memory_space<hbm>> -> memref<6272xf32, #tpu.memory_space<hbm>>
    tpu.wait_dma2 semaphore(%arg39 : memref<!tpu.dma_semaphore, #tpu.memory_space<semaphore_mem>>) src(%dma_wait3A_33 : memref<6272xf32, #tpu.memory_space<hbm>>) dst(%arg15 : memref<6272xf32, #tpu.memory_space<vmem>>)
    %dma_wait3A_34 = tpu.memref_slice %arg8[%mul3A_7] : memref<200704xf32, #tpu.memory_space<hbm>> -> memref<6272xf32, #tpu.memory_space<hbm>>
    %dma_wait3A_35 = tpu.memref_slice %arg8[%mul3A_7] : memref<200704xf32, #tpu.memory_space<hbm>> -> memref<6272xf32, #tpu.memory_space<hbm>>
    tpu.wait_dma2 semaphore(%arg39 : memref<!tpu.dma_semaphore, #tpu.memory_space<semaphore_mem>>) src(%dma_wait3A_35 : memref<6272xf32, #tpu.memory_space<hbm>>) dst(%arg16 : memref<6272xf32, #tpu.memory_space<vmem>>)
    %broadcast_in_dim3A_36 = arith.constant 0.000000e+00 : f32
    "tpu.trace_start"() <{level = 10 : i32, message = "p2_gather_compute"}> : () -> ()
    %broadcast_in_dim3A_37 = vector.broadcast %broadcast_in_dim3A_36 : f32 to vector<16xf32>
    %scan3A_38 = arith.constant 0 : i32
    %scan3A_39 = arith.constant 8 : i32
    %scan3A_40 = arith.addi %scan3A_38, %scan3A_39 : i32
    %scan3A_41 = arith.constant 1 : i32
    %scan3A_42 = scf.for %scan3A_45 = %scan3A_38 to %scan3A_40 step %scan3A_41 iter_args(%scan3A_46 = %broadcast_in_dim3A_37) -> (vector<16xf32>)  : i32 {
      %mul3A_47 = arith.constant 784 : i32
      %mul3A_48 = arith.muli %scan3A_45, %mul3A_47 : i32
      %add3A_49 = arith.addi %mul3A_7, %mul3A_48 : i32
      %mul3A_50 = arith.constant 3 : i32
      %mul3A_51 = arith.muli %mul3A_50, %add3A_49 : i32
      %dma_start3A_52 = tpu.memref_slice %arg5[%mul3A_51] : memref<602112xf32, #tpu.memory_space<hbm>> -> memref<2352xf32, #tpu.memory_space<hbm>>
      %dma_start3A_53 = tpu.memref_slice %arg5[%mul3A_51] : memref<602112xf32, #tpu.memory_space<hbm>> -> memref<2352xf32, #tpu.memory_space<hbm>>
      tpu.enqueue_dma source(%dma_start3A_53 : memref<2352xf32, #tpu.memory_space<hbm>>) target(%arg17 : memref<2352xf32, #tpu.memory_space<vmem>>) target_semaphore(%arg39 : memref<!tpu.dma_semaphore, #tpu.memory_space<semaphore_mem>>)
      %parallel_loop3A_54 = arith.constant 0 : i32
      %parallel_loop3A_55 = arith.constant 49 : i32
      %parallel_loop3A_56 = arith.constant 1 : i32
      scf.for %parallel_loop3A_95 = %parallel_loop3A_54 to %parallel_loop3A_55 step %parallel_loop3A_56  : i32 {
        %parallel_loop3A_96 = arith.constant 16 : i32
        %parallel_loop3A_97 = arith.muli %parallel_loop3A_95, %parallel_loop3A_96 : i32
        %parallel_loop3A_98 = arith.addi %mul3A_48, %parallel_loop3A_97 : i32
        %parallel_loop3A_99 = arith.constant 2 : i32
        %parallel_loop3A_100 = arith.muli %parallel_loop3A_99, %parallel_loop3A_98 : i32
        %parallel_loop3A_101 = arith.constant 2 : i32
        %parallel_loop3A_102 = vector.broadcast %parallel_loop3A_101 : i32 to vector<16xi32>
        %parallel_loop3A_103 = arith.muli %parallel_loop3A_102, %iota3A : vector<16xi32>
        %parallel_loop3A_104 = vector.broadcast %parallel_loop3A_100 : i32 to vector<16xi32>
        %parallel_loop3A_105 = arith.addi %parallel_loop3A_104, %parallel_loop3A_103 : vector<16xi32>
        %parallel_loop3A_106 = tpu.vector_load_idx %arg10[%parallel_loop3A_105] : memref<12544xi32, #tpu.memory_space<vmem>>[vector<16xi32>], vector<16xi32>,
        %parallel_loop3A_107 = arith.constant 1 : i32
        %parallel_loop3A_108 = vector.broadcast %parallel_loop3A_107 : i32 to vector<16xi32>
        %parallel_loop3A_109 = arith.addi %parallel_loop3A_105, %parallel_loop3A_108 : vector<16xi32>
        %parallel_loop3A_110 = tpu.vector_load_idx %arg10[%parallel_loop3A_109] : memref<12544xi32, #tpu.memory_space<vmem>>[vector<16xi32>], vector<16xi32>,
        %parallel_loop3A_111 = arith.index_cast %parallel_loop3A_97 : i32 to index
        %parallel_loop3A_112 = tpu.vector_load %arg34[%parallel_loop3A_111] {strides = array<i32>} : memref<784xi32, #tpu.memory_space<vmem>>, vector<16xi32>,
        tpu.vector_store %arg34[%parallel_loop3A_111], %parallel_loop3A_106 {strides = array<i32>} : memref<784xi32, #tpu.memory_space<vmem>>, vector<16xi32>,
        %parallel_loop3A_113 = arith.index_cast %parallel_loop3A_97 : i32 to index
        %parallel_loop3A_114 = tpu.vector_load %arg35[%parallel_loop3A_113] {strides = array<i32>} : memref<784xi32, #tpu.memory_space<vmem>>, vector<16xi32>,
        tpu.vector_store %arg35[%parallel_loop3A_113], %parallel_loop3A_110 {strides = array<i32>} : memref<784xi32, #tpu.memory_space<vmem>>, vector<16xi32>,
        %parallel_loop3A_115 = arith.constant 1 : i32
        %parallel_loop3A_116 = vector.broadcast %parallel_loop3A_115 : i32 to vector<16xi32>
        %parallel_loop3A_117 = arith.subi %parallel_loop3A_106, %parallel_loop3A_116 : vector<16xi32>
        %parallel_loop3A_118 = arith.constant 0 : i32
        %parallel_loop3A_119 = vector.broadcast %parallel_loop3A_118 : i32 to vector<16xi32>
        %parallel_loop3A_120 = arith.maxsi %parallel_loop3A_117, %parallel_loop3A_119 : vector<16xi32>
        %parallel_loop3A_121 = arith.constant 1 : i32
        %parallel_loop3A_122 = vector.broadcast %parallel_loop3A_121 : i32 to vector<16xi32>
        %parallel_loop3A_123 = arith.subi %parallel_loop3A_110, %parallel_loop3A_122 : vector<16xi32>
        %parallel_loop3A_124 = arith.constant 0 : i32
        %parallel_loop3A_125 = vector.broadcast %parallel_loop3A_124 : i32 to vector<16xi32>
        %parallel_loop3A_126 = arith.maxsi %parallel_loop3A_123, %parallel_loop3A_125 : vector<16xi32>
        %parallel_loop3A_127 = arith.constant 100000 : i32
        %parallel_loop3A_128 = vector.broadcast %parallel_loop3A_127 : i32 to vector<16xi32>
        %parallel_loop3A_129 = arith.divsi %parallel_loop3A_120, %parallel_loop3A_128 : vector<16xi32>
        %parallel_loop3A_130 = arith.constant 100000 : i32
        %parallel_loop3A_131 = vector.broadcast %parallel_loop3A_130 : i32 to vector<16xi32>
        %parallel_loop3A_132 = arith.divsi %parallel_loop3A_126, %parallel_loop3A_131 : vector<16xi32>
        %parallel_loop3A_133 = arith.constant 100000 : i32
        %parallel_loop3A_134 = vector.broadcast %parallel_loop3A_133 : i32 to vector<16xi32>
        %parallel_loop3A_135 = arith.muli %parallel_loop3A_129, %parallel_loop3A_134 : vector<16xi32>
        %parallel_loop3A_136 = arith.subi %parallel_loop3A_120, %parallel_loop3A_135 : vector<16xi32>
        %parallel_loop3A_137 = arith.constant 100000 : i32
        %parallel_loop3A_138 = vector.broadcast %parallel_loop3A_137 : i32 to vector<16xi32>
        %parallel_loop3A_139 = arith.muli %parallel_loop3A_132, %parallel_loop3A_138 : vector<16xi32>
        %parallel_loop3A_140 = arith.subi %parallel_loop3A_126, %parallel_loop3A_139 : vector<16xi32>
        %parallel_loop3A_141 = arith.constant 15 : i32
        %parallel_loop3A_142 = vector.broadcast %parallel_loop3A_141 : i32 to vector<16xi32>
        %parallel_loop3A_143 = arith.muli %parallel_loop3A_136, %parallel_loop3A_142 : vector<16xi32>
        %parallel_loop3A_144 = arith.constant 3 : i32
        %parallel_loop3A_145 = vector.broadcast %parallel_loop3A_144 : i32 to vector<16xi32>
        %parallel_loop3A_146 = arith.muli %parallel_loop3A_145, %parallel_loop3A_129 : vector<16xi32>
        %parallel_loop3A_147 = arith.addi %parallel_loop3A_143, %parallel_loop3A_146 : vector<16xi32>
        %parallel_loop3A_148 = arith.constant 3 : i32
        %parallel_loop3A_149 = vector.broadcast %parallel_loop3A_148 : i32 to vector<16xi32>
        %parallel_loop3A_150 = arith.addi %parallel_loop3A_147, %parallel_loop3A_149 : vector<16xi32>
        %parallel_loop3A_151 = arith.constant 15 : i32
        %parallel_loop3A_152 = vector.broadcast %parallel_loop3A_151 : i32 to vector<16xi32>
        %parallel_loop3A_153 = arith.muli %parallel_loop3A_140, %parallel_loop3A_152 : vector<16xi32>
        %parallel_loop3A_154 = arith.constant 3 : i32
        %parallel_loop3A_155 = vector.broadcast %parallel_loop3A_154 : i32 to vector<16xi32>
        %parallel_loop3A_156 = arith.muli %parallel_loop3A_155, %parallel_loop3A_132 : vector<16xi32>
        %parallel_loop3A_157 = arith.addi %parallel_loop3A_153, %parallel_loop3A_156 : vector<16xi32>
        %parallel_loop3A_158 = arith.constant 3 : i32
        %parallel_loop3A_159 = vector.broadcast %parallel_loop3A_158 : i32 to vector<16xi32>
        %parallel_loop3A_160 = arith.addi %parallel_loop3A_157, %parallel_loop3A_159 : vector<16xi32>
        %parallel_loop3A_161 = arith.index_cast %parallel_loop3A_97 : i32 to index
        %parallel_loop3A_162 = tpu.vector_load %arg18[%parallel_loop3A_161] {strides = array<i32>} : memref<784xi32, #tpu.memory_space<vmem>>, vector<16xi32>,
        tpu.vector_store %arg18[%parallel_loop3A_161], %parallel_loop3A_150 {strides = array<i32>} : memref<784xi32, #tpu.memory_space<vmem>>, vector<16xi32>,
        %parallel_loop3A_163 = arith.constant 1 : i32
        %parallel_loop3A_164 = vector.broadcast %parallel_loop3A_163 : i32 to vector<16xi32>
        %parallel_loop3A_165 = arith.addi %parallel_loop3A_150, %parallel_loop3A_164 : vector<16xi32>
        %parallel_loop3A_166 = arith.index_cast %parallel_loop3A_97 : i32 to index
        %parallel_loop3A_167 = tpu.vector_load %arg19[%parallel_loop3A_166] {strides = array<i32>} : memref<784xi32, #tpu.memory_space<vmem>>, vector<16xi32>,
        tpu.vector_store %arg19[%parallel_loop3A_166], %parallel_loop3A_165 {strides = array<i32>} : memref<784xi32, #tpu.memory_space<vmem>>, vector<16xi32>,
        %parallel_loop3A_168 = arith.index_cast %parallel_loop3A_97 : i32 to index
        %parallel_loop3A_169 = tpu.vector_load %arg20[%parallel_loop3A_168] {strides = array<i32>} : memref<784xi32, #tpu.memory_space<vmem>>, vector<16xi32>,
        tpu.vector_store %arg20[%parallel_loop3A_168], %parallel_loop3A_160 {strides = array<i32>} : memref<784xi32, #tpu.memory_space<vmem>>, vector<16xi32>,
        %parallel_loop3A_170 = arith.constant 1 : i32
        %parallel_loop3A_171 = vector.broadcast %parallel_loop3A_170 : i32 to vector<16xi32>
        %parallel_loop3A_172 = arith.addi %parallel_loop3A_160, %parallel_loop3A_171 : vector<16xi32>
        %parallel_loop3A_173 = arith.index_cast %parallel_loop3A_97 : i32 to index
        %parallel_loop3A_174 = tpu.vector_load %arg21[%parallel_loop3A_173] {strides = array<i32>} : memref<784xi32, #tpu.memory_space<vmem>>, vector<16xi32>,
        tpu.vector_store %arg21[%parallel_loop3A_173], %parallel_loop3A_172 {strides = array<i32>} : memref<784xi32, #tpu.memory_space<vmem>>, vector<16xi32>,
        %parallel_loop3A_175 = tpu.vector_load_idx %arg13[%parallel_loop3A_105] : memref<12544xi32, #tpu.memory_space<vmem>>[vector<16xi32>], vector<16xi32>,
        %parallel_loop3A_176 = arith.constant 1 : i32
        %parallel_loop3A_177 = vector.broadcast %parallel_loop3A_176 : i32 to vector<16xi32>
        %parallel_loop3A_178 = arith.addi %parallel_loop3A_105, %parallel_loop3A_177 : vector<16xi32>
        %parallel_loop3A_179 = tpu.vector_load_idx %arg13[%parallel_loop3A_178] : memref<12544xi32, #tpu.memory_space<vmem>>[vector<16xi32>], vector<16xi32>,
        %parallel_loop3A_180 = arith.constant 15 : i32
        %parallel_loop3A_181 = vector.broadcast %parallel_loop3A_180 : i32 to vector<16xi32>
        %parallel_loop3A_182 = arith.muli %parallel_loop3A_175, %parallel_loop3A_181 : vector<16xi32>
        %parallel_loop3A_183 = arith.index_cast %parallel_loop3A_97 : i32 to index
        %parallel_loop3A_184 = tpu.vector_load %arg22[%parallel_loop3A_183] {strides = array<i32>} : memref<784xi32, #tpu.memory_space<vmem>>, vector<16xi32>,
        tpu.vector_store %arg22[%parallel_loop3A_183], %parallel_loop3A_182 {strides = array<i32>} : memref<784xi32, #tpu.memory_space<vmem>>, vector<16xi32>,
        %parallel_loop3A_185 = arith.constant 15 : i32
        %parallel_loop3A_186 = vector.broadcast %parallel_loop3A_185 : i32 to vector<16xi32>
        %parallel_loop3A_187 = arith.muli %parallel_loop3A_175, %parallel_loop3A_186 : vector<16xi32>
        %parallel_loop3A_188 = arith.constant 1 : i32
        %parallel_loop3A_189 = vector.broadcast %parallel_loop3A_188 : i32 to vector<16xi32>
        %parallel_loop3A_190 = arith.addi %parallel_loop3A_187, %parallel_loop3A_189 : vector<16xi32>
        %parallel_loop3A_191 = arith.index_cast %parallel_loop3A_97 : i32 to index
        %parallel_loop3A_192 = tpu.vector_load %arg23[%parallel_loop3A_191] {strides = array<i32>} : memref<784xi32, #tpu.memory_space<vmem>>, vector<16xi32>,
        tpu.vector_store %arg23[%parallel_loop3A_191], %parallel_loop3A_190 {strides = array<i32>} : memref<784xi32, #tpu.memory_space<vmem>>, vector<16xi32>,
        %parallel_loop3A_193 = arith.constant 15 : i32
        %parallel_loop3A_194 = vector.broadcast %parallel_loop3A_193 : i32 to vector<16xi32>
        %parallel_loop3A_195 = arith.muli %parallel_loop3A_179, %parallel_loop3A_194 : vector<16xi32>
        %parallel_loop3A_196 = arith.index_cast %parallel_loop3A_97 : i32 to index
        %parallel_loop3A_197 = tpu.vector_load %arg24[%parallel_loop3A_196] {strides = array<i32>} : memref<784xi32, #tpu.memory_space<vmem>>, vector<16xi32>,
        tpu.vector_store %arg24[%parallel_loop3A_196], %parallel_loop3A_195 {strides = array<i32>} : memref<784xi32, #tpu.memory_space<vmem>>, vector<16xi32>,
        %parallel_loop3A_198 = arith.constant 15 : i32
        %parallel_loop3A_199 = vector.broadcast %parallel_loop3A_198 : i32 to vector<16xi32>
        %parallel_loop3A_200 = arith.muli %parallel_loop3A_179, %parallel_loop3A_199 : vector<16xi32>
        %parallel_loop3A_201 = arith.constant 1 : i32
        %parallel_loop3A_202 = vector.broadcast %parallel_loop3A_201 : i32 to vector<16xi32>
        %parallel_loop3A_203 = arith.addi %parallel_loop3A_200, %parallel_loop3A_202 : vector<16xi32>
        %parallel_loop3A_204 = arith.index_cast %parallel_loop3A_97 : i32 to index
        %parallel_loop3A_205 = tpu.vector_load %arg25[%parallel_loop3A_204] {strides = array<i32>} : memref<784xi32, #tpu.memory_space<vmem>>, vector<16xi32>,
        tpu.vector_store %arg25[%parallel_loop3A_204], %parallel_loop3A_203 {strides = array<i32>} : memref<784xi32, #tpu.memory_space<vmem>>, vector<16xi32>,
      } {sc.loop_unroll_factor = 4 : i64, sc.parallel_access}
      %dma_start3A_57 = arith.constant 0 : i32
      %dma_start3A_58 = tpu.memref_slice %arg3[%dma_start3A_57] : memref<1500000xf32, #tpu.memory_space<hbm>> -> memref<1500000xf32, #tpu.memory_space<hbm>>
      tpu.enqueue_indirect_dma source(%dma_start3A_58 : memref<1500000xf32, #tpu.memory_space<hbm>>) target(%arg26 : memref<784xf32, #tpu.memory_space<vmem>>) offsets(%arg18 : memref<784xi32, #tpu.memory_space<vmem>>) semaphore(%arg40 : memref<!tpu.dma_semaphore, #tpu.memory_space<semaphore_mem>>)
      %dma_start3A_59 = arith.constant 0 : i32
      %dma_start3A_60 = tpu.memref_slice %arg3[%dma_start3A_59] : memref<1500000xf32, #tpu.memory_space<hbm>> -> memref<1500000xf32, #tpu.memory_space<hbm>>
      tpu.enqueue_indirect_dma source(%dma_start3A_60 : memref<1500000xf32, #tpu.memory_space<hbm>>) target(%arg27 : memref<784xf32, #tpu.memory_space<vmem>>) offsets(%arg19 : memref<784xi32, #tpu.memory_space<vmem>>) semaphore(%arg40 : memref<!tpu.dma_semaphore, #tpu.memory_space<semaphore_mem>>)
      %dma_start3A_61 = arith.constant 0 : i32
      %dma_start3A_62 = tpu.memref_slice %arg3[%dma_start3A_61] : memref<1500000xf32, #tpu.memory_space<hbm>> -> memref<1500000xf32, #tpu.memory_space<hbm>>
      tpu.enqueue_indirect_dma source(%dma_start3A_62 : memref<1500000xf32, #tpu.memory_space<hbm>>) target(%arg28 : memref<784xf32, #tpu.memory_space<vmem>>) offsets(%arg20 : memref<784xi32, #tpu.memory_space<vmem>>) semaphore(%arg40 : memref<!tpu.dma_semaphore, #tpu.memory_space<semaphore_mem>>)
      %dma_start3A_63 = arith.constant 0 : i32
      %dma_start3A_64 = tpu.memref_slice %arg3[%dma_start3A_63] : memref<1500000xf32, #tpu.memory_space<hbm>> -> memref<1500000xf32, #tpu.memory_space<hbm>>
      tpu.enqueue_indirect_dma source(%dma_start3A_64 : memref<1500000xf32, #tpu.memory_space<hbm>>) target(%arg29 : memref<784xf32, #tpu.memory_space<vmem>>) offsets(%arg21 : memref<784xi32, #tpu.memory_space<vmem>>) semaphore(%arg40 : memref<!tpu.dma_semaphore, #tpu.memory_space<semaphore_mem>>)
      %dma_start3A_65 = arith.constant 0 : i32
      %dma_start3A_66 = tpu.memref_slice %arg3[%dma_start3A_65] : memref<1500000xf32, #tpu.memory_space<hbm>> -> memref<1500000xf32, #tpu.memory_space<hbm>>
      tpu.enqueue_indirect_dma source(%dma_start3A_66 : memref<1500000xf32, #tpu.memory_space<hbm>>) target(%arg30 : memref<784xf32, #tpu.memory_space<vmem>>) offsets(%arg22 : memref<784xi32, #tpu.memory_space<vmem>>) semaphore(%arg40 : memref<!tpu.dma_semaphore, #tpu.memory_space<semaphore_mem>>)
      %dma_start3A_67 = arith.constant 0 : i32
      %dma_start3A_68 = tpu.memref_slice %arg3[%dma_start3A_67] : memref<1500000xf32, #tpu.memory_space<hbm>> -> memref<1500000xf32, #tpu.memory_space<hbm>>
      tpu.enqueue_indirect_dma source(%dma_start3A_68 : memref<1500000xf32, #tpu.memory_space<hbm>>) target(%arg31 : memref<784xf32, #tpu.memory_space<vmem>>) offsets(%arg23 : memref<784xi32, #tpu.memory_space<vmem>>) semaphore(%arg40 : memref<!tpu.dma_semaphore, #tpu.memory_space<semaphore_mem>>)
      %dma_start3A_69 = arith.constant 0 : i32
      %dma_start3A_70 = tpu.memref_slice %arg3[%dma_start3A_69] : memref<1500000xf32, #tpu.memory_space<hbm>> -> memref<1500000xf32, #tpu.memory_space<hbm>>
      tpu.enqueue_indirect_dma source(%dma_start3A_70 : memref<1500000xf32, #tpu.memory_space<hbm>>) target(%arg32 : memref<784xf32, #tpu.memory_space<vmem>>) offsets(%arg24 : memref<784xi32, #tpu.memory_space<vmem>>) semaphore(%arg40 : memref<!tpu.dma_semaphore, #tpu.memory_space<semaphore_mem>>)
      %dma_start3A_71 = arith.constant 0 : i32
      %dma_start3A_72 = tpu.memref_slice %arg3[%dma_start3A_71] : memref<1500000xf32, #tpu.memory_space<hbm>> -> memref<1500000xf32, #tpu.memory_space<hbm>>
      tpu.enqueue_indirect_dma source(%dma_start3A_72 : memref<1500000xf32, #tpu.memory_space<hbm>>) target(%arg33 : memref<784xf32, #tpu.memory_space<vmem>>) offsets(%arg25 : memref<784xi32, #tpu.memory_space<vmem>>) semaphore(%arg40 : memref<!tpu.dma_semaphore, #tpu.memory_space<semaphore_mem>>)
      %dma_wait3A_73 = tpu.memref_slice %arg5[%mul3A_51] : memref<602112xf32, #tpu.memory_space<hbm>> -> memref<2352xf32, #tpu.memory_space<hbm>>
      %dma_wait3A_74 = tpu.memref_slice %arg5[%mul3A_51] : memref<602112xf32, #tpu.memory_space<hbm>> -> memref<2352xf32, #tpu.memory_space<hbm>>
      tpu.wait_dma2 semaphore(%arg39 : memref<!tpu.dma_semaphore, #tpu.memory_space<semaphore_mem>>) src(%dma_wait3A_74 : memref<2352xf32, #tpu.memory_space<hbm>>) dst(%arg17 : memref<2352xf32, #tpu.memory_space<vmem>>)
      %dma_wait3A_75 = arith.constant 0 : i32
      %dma_wait3A_76 = tpu.memref_slice %arg3[%dma_wait3A_75] : memref<1500000xf32, #tpu.memory_space<hbm>> -> memref<1500000xf32, #tpu.memory_space<hbm>>
      tpu.wait_indirect_dma semaphore(%arg40 : memref<!tpu.dma_semaphore, #tpu.memory_space<semaphore_mem>>) src(%dma_wait3A_76 : memref<1500000xf32, #tpu.memory_space<hbm>>) dst(%arg26 : memref<784xf32, #tpu.memory_space<vmem>>)
      %dma_wait3A_77 = arith.constant 0 : i32
      %dma_wait3A_78 = tpu.memref_slice %arg3[%dma_wait3A_77] : memref<1500000xf32, #tpu.memory_space<hbm>> -> memref<1500000xf32, #tpu.memory_space<hbm>>
      tpu.wait_indirect_dma semaphore(%arg40 : memref<!tpu.dma_semaphore, #tpu.memory_space<semaphore_mem>>) src(%dma_wait3A_78 : memref<1500000xf32, #tpu.memory_space<hbm>>) dst(%arg27 : memref<784xf32, #tpu.memory_space<vmem>>)
      %dma_wait3A_79 = arith.constant 0 : i32
      %dma_wait3A_80 = tpu.memref_slice %arg3[%dma_wait3A_79] : memref<1500000xf32, #tpu.memory_space<hbm>> -> memref<1500000xf32, #tpu.memory_space<hbm>>
      tpu.wait_indirect_dma semaphore(%arg40 : memref<!tpu.dma_semaphore, #tpu.memory_space<semaphore_mem>>) src(%dma_wait3A_80 : memref<1500000xf32, #tpu.memory_space<hbm>>) dst(%arg28 : memref<784xf32, #tpu.memory_space<vmem>>)
      %dma_wait3A_81 = arith.constant 0 : i32
      %dma_wait3A_82 = tpu.memref_slice %arg3[%dma_wait3A_81] : memref<1500000xf32, #tpu.memory_space<hbm>> -> memref<1500000xf32, #tpu.memory_space<hbm>>
      tpu.wait_indirect_dma semaphore(%arg40 : memref<!tpu.dma_semaphore, #tpu.memory_space<semaphore_mem>>) src(%dma_wait3A_82 : memref<1500000xf32, #tpu.memory_space<hbm>>) dst(%arg29 : memref<784xf32, #tpu.memory_space<vmem>>)
      %dma_wait3A_83 = arith.constant 0 : i32
      %dma_wait3A_84 = tpu.memref_slice %arg3[%dma_wait3A_83] : memref<1500000xf32, #tpu.memory_space<hbm>> -> memref<1500000xf32, #tpu.memory_space<hbm>>
      tpu.wait_indirect_dma semaphore(%arg40 : memref<!tpu.dma_semaphore, #tpu.memory_space<semaphore_mem>>) src(%dma_wait3A_84 : memref<1500000xf32, #tpu.memory_space<hbm>>) dst(%arg30 : memref<784xf32, #tpu.memory_space<vmem>>)
      %dma_wait3A_85 = arith.constant 0 : i32
      %dma_wait3A_86 = tpu.memref_slice %arg3[%dma_wait3A_85] : memref<1500000xf32, #tpu.memory_space<hbm>> -> memref<1500000xf32, #tpu.memory_space<hbm>>
      tpu.wait_indirect_dma semaphore(%arg40 : memref<!tpu.dma_semaphore, #tpu.memory_space<semaphore_mem>>) src(%dma_wait3A_86 : memref<1500000xf32, #tpu.memory_space<hbm>>) dst(%arg31 : memref<784xf32, #tpu.memory_space<vmem>>)
      %dma_wait3A_87 = arith.constant 0 : i32
      %dma_wait3A_88 = tpu.memref_slice %arg3[%dma_wait3A_87] : memref<1500000xf32, #tpu.memory_space<hbm>> -> memref<1500000xf32, #tpu.memory_space<hbm>>
      tpu.wait_indirect_dma semaphore(%arg40 : memref<!tpu.dma_semaphore, #tpu.memory_space<semaphore_mem>>) src(%dma_wait3A_88 : memref<1500000xf32, #tpu.memory_space<hbm>>) dst(%arg32 : memref<784xf32, #tpu.memory_space<vmem>>)
      %dma_wait3A_89 = arith.constant 0 : i32
      %dma_wait3A_90 = tpu.memref_slice %arg3[%dma_wait3A_89] : memref<1500000xf32, #tpu.memory_space<hbm>> -> memref<1500000xf32, #tpu.memory_space<hbm>>
      tpu.wait_indirect_dma semaphore(%arg40 : memref<!tpu.dma_semaphore, #tpu.memory_space<semaphore_mem>>) src(%dma_wait3A_90 : memref<1500000xf32, #tpu.memory_space<hbm>>) dst(%arg33 : memref<784xf32, #tpu.memory_space<vmem>>)
      %parallel_loop3A_91 = arith.constant 0 : i32
      %parallel_loop3A_92 = arith.constant 49 : i32
      %parallel_loop3A_93 = arith.constant 1 : i32
      %parallel_loop3A_94 = scf.for %parallel_loop3A_95 = %parallel_loop3A_91 to %parallel_loop3A_92 step %parallel_loop3A_93 iter_args(%parallel_loop3A_96 = %scan3A_46) -> (vector<16xf32>)  : i32 {
        %parallel_loop3A_97 = arith.constant 16 : i32
        %parallel_loop3A_98 = arith.muli %parallel_loop3A_95, %parallel_loop3A_97 : i32
        %parallel_loop3A_99 = vector.broadcast %parallel_loop3A_98 : i32 to vector<16xi32>
        %parallel_loop3A_100 = arith.addi %parallel_loop3A_99, %iota3A : vector<16xi32>
        %parallel_loop3A_101 = arith.index_cast %parallel_loop3A_98 : i32 to index
        %parallel_loop3A_102 = tpu.vector_load %arg34[%parallel_loop3A_101] {strides = array<i32>} : memref<784xi32, #tpu.memory_space<vmem>>, vector<16xi32>,
        %parallel_loop3A_103 = arith.index_cast %parallel_loop3A_98 : i32 to index
        %parallel_loop3A_104 = tpu.vector_load %arg35[%parallel_loop3A_103] {strides = array<i32>} : memref<784xi32, #tpu.memory_space<vmem>>, vector<16xi32>,
        %parallel_loop3A_105 = arith.constant 3 : i32
        %parallel_loop3A_106 = vector.broadcast %parallel_loop3A_105 : i32 to vector<16xi32>
        %parallel_loop3A_107 = arith.muli %parallel_loop3A_106, %parallel_loop3A_100 : vector<16xi32>
        %parallel_loop3A_108 = tpu.vector_load_idx %arg17[%parallel_loop3A_107] : memref<2352xf32, #tpu.memory_space<vmem>>[vector<16xi32>], vector<16xf32>,
        %parallel_loop3A_109 = arith.constant 3 : i32
        %parallel_loop3A_110 = vector.broadcast %parallel_loop3A_109 : i32 to vector<16xi32>
        %parallel_loop3A_111 = arith.muli %parallel_loop3A_110, %parallel_loop3A_100 : vector<16xi32>
        %parallel_loop3A_112 = arith.constant 2 : i32
        %parallel_loop3A_113 = vector.broadcast %parallel_loop3A_112 : i32 to vector<16xi32>
        %parallel_loop3A_114 = arith.addi %parallel_loop3A_111, %parallel_loop3A_113 : vector<16xi32>
        %parallel_loop3A_115 = tpu.vector_load_idx %arg17[%parallel_loop3A_114] : memref<2352xf32, #tpu.memory_space<vmem>>[vector<16xi32>], vector<16xf32>,
        %parallel_loop3A_116 = arith.addi %mul3A_48, %parallel_loop3A_98 : i32
        %parallel_loop3A_117 = arith.index_cast %parallel_loop3A_116 : i32 to index
        %parallel_loop3A_118 = tpu.vector_load %arg14[%parallel_loop3A_117] {strides = array<i32>} : memref<6272xf32, #tpu.memory_space<vmem>>, vector<16xf32>,
        %parallel_loop3A_119 = arith.addi %mul3A_48, %parallel_loop3A_98 : i32
        %parallel_loop3A_120 = arith.index_cast %parallel_loop3A_119 : i32 to index
        %parallel_loop3A_121 = tpu.vector_load %arg15[%parallel_loop3A_120] {strides = array<i32>} : memref<6272xf32, #tpu.memory_space<vmem>>, vector<16xf32>,
        %parallel_loop3A_122 = arith.addi %mul3A_48, %parallel_loop3A_98 : i32
        %parallel_loop3A_123 = arith.index_cast %parallel_loop3A_122 : i32 to index
        %parallel_loop3A_124 = tpu.vector_load %arg16[%parallel_loop3A_123] {strides = array<i32>} : memref<6272xf32, #tpu.memory_space<vmem>>, vector<16xf32>,
        %parallel_loop3A_125 = arith.mulf %parallel_loop3A_118, %parallel_loop3A_121 : vector<16xf32>
        %parallel_loop3A_126 = arith.index_cast %parallel_loop3A_98 : i32 to index
        %parallel_loop3A_127 = tpu.vector_load %arg32[%parallel_loop3A_126] {strides = array<i32>} : memref<784xf32, #tpu.memory_space<vmem>>, vector<16xf32>,
        %parallel_loop3A_128 = arith.index_cast %parallel_loop3A_98 : i32 to index
        %parallel_loop3A_129 = tpu.vector_load %arg30[%parallel_loop3A_128] {strides = array<i32>} : memref<784xf32, #tpu.memory_space<vmem>>, vector<16xf32>,
        %parallel_loop3A_130 = arith.subf %parallel_loop3A_127, %parallel_loop3A_129 : vector<16xf32>
        %parallel_loop3A_131 = arith.mulf %parallel_loop3A_130, %parallel_loop3A_108 : vector<16xf32>
        %parallel_loop3A_132 = arith.index_cast %parallel_loop3A_98 : i32 to index
        %parallel_loop3A_133 = tpu.vector_load %arg33[%parallel_loop3A_132] {strides = array<i32>} : memref<784xf32, #tpu.memory_space<vmem>>, vector<16xf32>,
        %parallel_loop3A_134 = arith.index_cast %parallel_loop3A_98 : i32 to index
        %parallel_loop3A_135 = tpu.vector_load %arg31[%parallel_loop3A_134] {strides = array<i32>} : memref<784xf32, #tpu.memory_space<vmem>>, vector<16xf32>,
        %parallel_loop3A_136 = arith.subf %parallel_loop3A_133, %parallel_loop3A_135 : vector<16xf32>
        %parallel_loop3A_137 = arith.mulf %parallel_loop3A_136, %parallel_loop3A_115 : vector<16xf32>
        %parallel_loop3A_138 = arith.addf %parallel_loop3A_131, %parallel_loop3A_137 : vector<16xf32>
        %parallel_loop3A_139 = arith.mulf %parallel_loop3A_125, %parallel_loop3A_138 : vector<16xf32>
        %parallel_loop3A_140 = arith.divf %parallel_loop3A_139, %parallel_loop3A_124 : vector<16xf32>
        %parallel_loop3A_141 = arith.constant 0 : i32
        %parallel_loop3A_142 = vector.broadcast %parallel_loop3A_141 : i32 to vector<16xi32>
        %parallel_loop3A_143 = arith.cmpi sgt, %parallel_loop3A_102, %parallel_loop3A_142 : vector<16xi32>
        %parallel_loop3A_144 = arith.index_cast %parallel_loop3A_98 : i32 to index
        %parallel_loop3A_145 = tpu.vector_load %arg26[%parallel_loop3A_144] {strides = array<i32>} : memref<784xf32, #tpu.memory_space<vmem>>, vector<16xf32>,
        %parallel_loop3A_146 = arith.mulf %parallel_loop3A_145, %parallel_loop3A_108 : vector<16xf32>
        %parallel_loop3A_147 = arith.index_cast %parallel_loop3A_98 : i32 to index
        %parallel_loop3A_148 = tpu.vector_load %arg27[%parallel_loop3A_147] {strides = array<i32>} : memref<784xf32, #tpu.memory_space<vmem>>, vector<16xf32>,
        %parallel_loop3A_149 = arith.mulf %parallel_loop3A_148, %parallel_loop3A_115 : vector<16xf32>
        %parallel_loop3A_150 = arith.addf %parallel_loop3A_146, %parallel_loop3A_149 : vector<16xf32>
        %parallel_loop3A_151 = arith.constant 0.000000e+00 : f32
        %parallel_loop3A_152 = vector.broadcast %parallel_loop3A_151 : f32 to vector<16xf32>
        %parallel_loop3A_153 = arith.select %parallel_loop3A_143, %parallel_loop3A_150, %parallel_loop3A_152 : vector<16xi1>, vector<16xf32>
        %parallel_loop3A_154 = arith.constant 0 : i32
        %parallel_loop3A_155 = vector.broadcast %parallel_loop3A_154 : i32 to vector<16xi32>
        %parallel_loop3A_156 = arith.cmpi sgt, %parallel_loop3A_104, %parallel_loop3A_155 : vector<16xi32>
        %parallel_loop3A_157 = arith.index_cast %parallel_loop3A_98 : i32 to index
        %parallel_loop3A_158 = tpu.vector_load %arg28[%parallel_loop3A_157] {strides = array<i32>} : memref<784xf32, #tpu.memory_space<vmem>>, vector<16xf32>,
        %parallel_loop3A_159 = arith.mulf %parallel_loop3A_158, %parallel_loop3A_108 : vector<16xf32>
        %parallel_loop3A_160 = arith.index_cast %parallel_loop3A_98 : i32 to index
        %parallel_loop3A_161 = tpu.vector_load %arg29[%parallel_loop3A_160] {strides = array<i32>} : memref<784xf32, #tpu.memory_space<vmem>>, vector<16xf32>,
        %parallel_loop3A_162 = arith.mulf %parallel_loop3A_161, %parallel_loop3A_115 : vector<16xf32>
        %parallel_loop3A_163 = arith.addf %parallel_loop3A_159, %parallel_loop3A_162 : vector<16xf32>
        %parallel_loop3A_164 = arith.constant 0.000000e+00 : f32
        %parallel_loop3A_165 = vector.broadcast %parallel_loop3A_164 : f32 to vector<16xf32>
        %parallel_loop3A_166 = arith.select %parallel_loop3A_156, %parallel_loop3A_163, %parallel_loop3A_165 : vector<16xi1>, vector<16xf32>
        %parallel_loop3A_167 = arith.addf %parallel_loop3A_153, %parallel_loop3A_140 : vector<16xf32>
        %parallel_loop3A_168 = arith.subf %parallel_loop3A_166, %parallel_loop3A_140 : vector<16xf32>
        %parallel_loop3A_169 = arith.addi %mul3A_7, %mul3A_48 : i32
        %parallel_loop3A_170 = vector.broadcast %parallel_loop3A_169 : i32 to vector<16xi32>
        %parallel_loop3A_171 = arith.addi %parallel_loop3A_170, %parallel_loop3A_100 : vector<16xi32>
        %parallel_loop3A_172 = arith.constant 200000 : i32
        %parallel_loop3A_173 = vector.broadcast %parallel_loop3A_172 : i32 to vector<16xi32>
        %parallel_loop3A_174 = arith.cmpi slt, %parallel_loop3A_171, %parallel_loop3A_173 : vector<16xi32>
        %parallel_loop3A_175 = arith.mulf %parallel_loop3A_167, %parallel_loop3A_167 : vector<16xf32>
        %parallel_loop3A_176 = arith.mulf %parallel_loop3A_168, %parallel_loop3A_168 : vector<16xf32>
        %parallel_loop3A_177 = arith.addf %parallel_loop3A_175, %parallel_loop3A_176 : vector<16xf32>
        %parallel_loop3A_178 = arith.constant 0.000000e+00 : f32
        %parallel_loop3A_179 = vector.broadcast %parallel_loop3A_178 : f32 to vector<16xf32>
        %parallel_loop3A_180 = arith.select %parallel_loop3A_174, %parallel_loop3A_177, %parallel_loop3A_179 : vector<16xi1>, vector<16xf32>
        %parallel_loop3A_181 = arith.addf %parallel_loop3A_96, %parallel_loop3A_180 : vector<16xf32>
        scf.yield %parallel_loop3A_181 : vector<16xf32>
      } {sc.loop_unroll_factor = 4 : i64, sc.parallel_access}
      scf.yield %parallel_loop3A_94 : vector<16xf32>
    }
    %scan3A_43 = arith.constant 8 : i32
    %swap3A = arith.constant 0 : index
    %swap3A_44 = tpu.vector_load %arg36[%swap3A] {strides = array<i32>} : memref<16xf32, #tpu.memory_space<vmem>>, vector<16xf32>,
    tpu.vector_store %arg36[%swap3A], %scan3A_42 {strides = array<i32>} : memref<16xf32, #tpu.memory_space<vmem>>, vector<16xf32>,
    "tpu.region"() ({
      %run_scoped3A = tpu.sem_alloc : memref<!tpu.dma_semaphore, #tpu.memory_space<semaphore_mem>>
      %dma_start3A_45 = arith.constant 0 : i32
      %dma_start3A_46 = tpu.memref_slice %arg9[%add3A, %dma_start3A_45] : memref<32x16xf32, #tpu.memory_space<hbm>> -> memref<1x16xf32, #tpu.memory_space<hbm>>
      %dma_start3A_47 = tpu.memref_squeeze %dma_start3A_46 : memref<1x16xf32, #tpu.memory_space<hbm>> -> memref<16xf32, #tpu.memory_space<hbm>>
      %dma_start3A_48 = arith.constant 0 : i32
      %dma_start3A_49 = tpu.memref_slice %arg9[%add3A, %dma_start3A_48] : memref<32x16xf32, #tpu.memory_space<hbm>> -> memref<1x16xf32, #tpu.memory_space<hbm>>
      %dma_start3A_50 = tpu.memref_squeeze %dma_start3A_49 : memref<1x16xf32, #tpu.memory_space<hbm>> -> memref<16xf32, #tpu.memory_space<hbm>>
      tpu.enqueue_dma source(%arg36 : memref<16xf32, #tpu.memory_space<vmem>>) target(%dma_start3A_50 : memref<16xf32, #tpu.memory_space<hbm>>) target_semaphore(%run_scoped3A : memref<!tpu.dma_semaphore, #tpu.memory_space<semaphore_mem>>)
      %dma_wait3A_51 = arith.constant 0 : i32
      %dma_wait3A_52 = tpu.memref_slice %arg9[%add3A, %dma_wait3A_51] : memref<32x16xf32, #tpu.memory_space<hbm>> -> memref<1x16xf32, #tpu.memory_space<hbm>>
      %dma_wait3A_53 = tpu.memref_squeeze %dma_wait3A_52 : memref<1x16xf32, #tpu.memory_space<hbm>> -> memref<16xf32, #tpu.memory_space<hbm>>
      %dma_wait3A_54 = arith.constant 0 : i32
      %dma_wait3A_55 = tpu.memref_slice %arg9[%add3A, %dma_wait3A_54] : memref<32x16xf32, #tpu.memory_space<hbm>> -> memref<1x16xf32, #tpu.memory_space<hbm>>
      %dma_wait3A_56 = tpu.memref_squeeze %dma_wait3A_55 : memref<1x16xf32, #tpu.memory_space<hbm>> -> memref<16xf32, #tpu.memory_space<hbm>>
      tpu.wait_dma2 semaphore(%run_scoped3A : memref<!tpu.dma_semaphore, #tpu.memory_space<semaphore_mem>>) src(%arg36 : memref<16xf32, #tpu.memory_space<vmem>>) dst(%dma_wait3A_56 : memref<16xf32, #tpu.memory_space<hbm>>)
      tpu.yield
    }) : () -> ()
    "tpu.trace_stop"() : () -> ()
    return
  }
}

module attributes {stable_mosaic.version = 14 : i64} {
  func.func @_node_losses_body(%arg0: i32, %arg1: memref<2000x15xf32, #tpu.memory_space<vmem>>, %arg2: memref<2000x4xf32, #tpu.memory_space<vmem>>, %arg3: memref<2000x1xf32, #tpu.memory_space<vmem>>, %arg4: memref<2000x1xf32, #tpu.memory_space<vmem>>, %arg5: memref<2000x3xf32, #tpu.memory_space<vmem>>, %arg6: memref<2000x4xi32, #tpu.memory_space<vmem>>, %arg7: memref<2000x4xi32, #tpu.memory_space<vmem>>, %arg8: memref<8xf32, #tpu.memory_space<smem>>, %arg9: memref<2000x4xi32, #tpu.memory_space<vmem>>) attributes {dimension_semantics = [#tpu.dimension_semantics<arbitrary>], iteration_bounds = array<i64: 50>, scalar_prefetch = 0 : i64, scratch_operands = 0 : i64, tpu.core_type = #tpu.core_type<tc>, window_params = [{transform_indices = @transform_0, window_bounds = array<i64: 2000, 15>}, {transform_indices = @transform_1, window_bounds = array<i64: 2000, 4>}, {transform_indices = @transform_2, window_bounds = array<i64: 2000, 1>}, {transform_indices = @transform_3, window_bounds = array<i64: 2000, 1>}, {transform_indices = @transform_4, window_bounds = array<i64: 2000, 3>}, {transform_indices = @transform_5, window_bounds = array<i64: 2000, 4>}, {transform_indices = @transform_6, window_bounds = array<i64: 2000, 4>}, {transform_indices = @transform_7, window_bounds = array<i64: 8>}, {transform_indices = @transform_8, window_bounds = array<i64: 2000, 4>}]} {
    %eq3A = arith.constant 0 : i32
    %eq3A_0 = arith.cmpi eq, %arg0, %eq3A : i32
    %convert_element_type3A = arith.extui %eq3A_0 : i1 to i32
    %cond3A = arith.constant 0 : i32
    %cond3A_1 = arith.cmpi ne, %convert_element_type3A, %cond3A : i32
    scf.if %cond3A_1 {
      %swap3A_278 = arith.constant 0.000000e+00 : f32
      %swap3A_279 = arith.constant 0 : index
      %swap3A_280 = memref.load %arg8[%swap3A_279] : memref<8xf32, #tpu.memory_space<smem>>
      memref.store %swap3A_278, %arg8[%swap3A_279] : memref<8xf32, #tpu.memory_space<smem>>
      %swap3A_281 = arith.constant 0.000000e+00 : f32
      %swap3A_282 = arith.constant 1 : index
      %swap3A_283 = memref.load %arg8[%swap3A_282] : memref<8xf32, #tpu.memory_space<smem>>
      memref.store %swap3A_281, %arg8[%swap3A_282] : memref<8xf32, #tpu.memory_space<smem>>
      %swap3A_284 = arith.constant 0.000000e+00 : f32
      %swap3A_285 = arith.constant 2 : index
      %swap3A_286 = memref.load %arg8[%swap3A_285] : memref<8xf32, #tpu.memory_space<smem>>
      memref.store %swap3A_284, %arg8[%swap3A_285] : memref<8xf32, #tpu.memory_space<smem>>
      %swap3A_287 = arith.constant 0.000000e+00 : f32
      %swap3A_288 = arith.constant 3 : index
      %swap3A_289 = memref.load %arg8[%swap3A_288] : memref<8xf32, #tpu.memory_space<smem>>
      memref.store %swap3A_287, %arg8[%swap3A_288] : memref<8xf32, #tpu.memory_space<smem>>
      %swap3A_290 = arith.constant 0.000000e+00 : f32
      %swap3A_291 = arith.constant 4 : index
      %swap3A_292 = memref.load %arg8[%swap3A_291] : memref<8xf32, #tpu.memory_space<smem>>
      memref.store %swap3A_290, %arg8[%swap3A_291] : memref<8xf32, #tpu.memory_space<smem>>
      %swap3A_293 = arith.constant 0.000000e+00 : f32
      %swap3A_294 = arith.constant 5 : index
      %swap3A_295 = memref.load %arg8[%swap3A_294] : memref<8xf32, #tpu.memory_space<smem>>
      memref.store %swap3A_293, %arg8[%swap3A_294] : memref<8xf32, #tpu.memory_space<smem>>
      %swap3A_296 = arith.constant 0.000000e+00 : f32
      %swap3A_297 = arith.constant 6 : index
      %swap3A_298 = memref.load %arg8[%swap3A_297] : memref<8xf32, #tpu.memory_space<smem>>
      memref.store %swap3A_296, %arg8[%swap3A_297] : memref<8xf32, #tpu.memory_space<smem>>
      %swap3A_299 = arith.constant 0.000000e+00 : f32
      %swap3A_300 = arith.constant 7 : index
      %swap3A_301 = memref.load %arg8[%swap3A_300] : memref<8xf32, #tpu.memory_space<smem>>
      memref.store %swap3A_299, %arg8[%swap3A_300] : memref<8xf32, #tpu.memory_space<smem>>
    } else {
    }
    %get3A = arith.constant 0 : index
    %get3A_2 = arith.constant 0 : index
    %get3A_3 = vector.load %arg1[%get3A, %get3A_2] : memref<2000x15xf32, #tpu.memory_space<vmem>>, vector<2000x15xf32>
    %get3A_4 = arith.constant 0 : index
    %get3A_5 = arith.constant 0 : index
    %get3A_6 = vector.load %arg2[%get3A_4, %get3A_5] : memref<2000x4xf32, #tpu.memory_space<vmem>>, vector<2000x4xf32>
    %slice3A = vector.extract_strided_slice %get3A_3 {offsets = [0, 3], sizes = [2000, 12], strides = [1, 1]} : vector<2000x15xf32> to vector<2000x12xf32>
    %get3A_7 = arith.constant 0 : index
    %get3A_8 = arith.constant 0 : index
    %get3A_9 = vector.load %arg5[%get3A_7, %get3A_8] : memref<2000x3xf32, #tpu.memory_space<vmem>>, vector<2000x3xf32>
    %get3A_10 = arith.constant 0 : index
    %get3A_11 = arith.constant 0 : index
    %get3A_12 = vector.load %arg3[%get3A_10, %get3A_11] : memref<2000x1xf32, #tpu.memory_space<vmem>>, vector<2000x1xf32>
    %lt3A = arith.constant 5.000000e-01 : f32
    %lt3A_13 = vector.broadcast %lt3A : f32 to vector<2000x1xf32>
    %lt3A_14 = arith.cmpf olt, %get3A_12, %lt3A_13 : vector<2000x1xf32>
    %broadcast_in_dim3A = arith.constant 0.000000e+00 : f32
    %broadcast_in_dim3A_15 = vector.broadcast %broadcast_in_dim3A : f32 to vector<2000x1xf32>
    %slice3A_16 = vector.extract_strided_slice %slice3A {offsets = [0, 0], sizes = [2000, 1], strides = [1, 1]} : vector<2000x12xf32> to vector<2000x1xf32>
    %slice3A_17 = vector.extract_strided_slice %slice3A {offsets = [0, 3], sizes = [2000, 1], strides = [1, 1]} : vector<2000x12xf32> to vector<2000x1xf32>
    %add3A = arith.addf %slice3A_16, %slice3A_17 : vector<2000x1xf32>
    %slice3A_18 = vector.extract_strided_slice %slice3A {offsets = [0, 6], sizes = [2000, 1], strides = [1, 1]} : vector<2000x12xf32> to vector<2000x1xf32>
    %add3A_19 = arith.addf %add3A, %slice3A_18 : vector<2000x1xf32>
    %slice3A_20 = vector.extract_strided_slice %slice3A {offsets = [0, 9], sizes = [2000, 1], strides = [1, 1]} : vector<2000x12xf32> to vector<2000x1xf32>
    %add3A_21 = arith.addf %add3A_19, %slice3A_20 : vector<2000x1xf32>
    %slice3A_22 = vector.extract_strided_slice %get3A_9 {offsets = [0, 0], sizes = [2000, 1], strides = [1, 1]} : vector<2000x3xf32> to vector<2000x1xf32>
    %sub3A = arith.subf %add3A_21, %slice3A_22 : vector<2000x1xf32>
    %mul3A = arith.mulf %sub3A, %sub3A : vector<2000x1xf32>
    %add3A_23 = arith.addf %broadcast_in_dim3A_15, %mul3A : vector<2000x1xf32>
    %slice3A_24 = vector.extract_strided_slice %slice3A {offsets = [0, 1], sizes = [2000, 1], strides = [1, 1]} : vector<2000x12xf32> to vector<2000x1xf32>
    %slice3A_25 = vector.extract_strided_slice %slice3A {offsets = [0, 4], sizes = [2000, 1], strides = [1, 1]} : vector<2000x12xf32> to vector<2000x1xf32>
    %add3A_26 = arith.addf %slice3A_24, %slice3A_25 : vector<2000x1xf32>
    %slice3A_27 = vector.extract_strided_slice %slice3A {offsets = [0, 7], sizes = [2000, 1], strides = [1, 1]} : vector<2000x12xf32> to vector<2000x1xf32>
    %add3A_28 = arith.addf %add3A_26, %slice3A_27 : vector<2000x1xf32>
    %slice3A_29 = vector.extract_strided_slice %slice3A {offsets = [0, 10], sizes = [2000, 1], strides = [1, 1]} : vector<2000x12xf32> to vector<2000x1xf32>
    %add3A_30 = arith.addf %add3A_28, %slice3A_29 : vector<2000x1xf32>
    %slice3A_31 = vector.extract_strided_slice %get3A_9 {offsets = [0, 1], sizes = [2000, 1], strides = [1, 1]} : vector<2000x3xf32> to vector<2000x1xf32>
    %sub3A_32 = arith.subf %add3A_30, %slice3A_31 : vector<2000x1xf32>
    %mul3A_33 = arith.mulf %sub3A_32, %sub3A_32 : vector<2000x1xf32>
    %add3A_34 = arith.addf %add3A_23, %mul3A_33 : vector<2000x1xf32>
    %slice3A_35 = vector.extract_strided_slice %slice3A {offsets = [0, 2], sizes = [2000, 1], strides = [1, 1]} : vector<2000x12xf32> to vector<2000x1xf32>
    %slice3A_36 = vector.extract_strided_slice %slice3A {offsets = [0, 5], sizes = [2000, 1], strides = [1, 1]} : vector<2000x12xf32> to vector<2000x1xf32>
    %add3A_37 = arith.addf %slice3A_35, %slice3A_36 : vector<2000x1xf32>
    %slice3A_38 = vector.extract_strided_slice %slice3A {offsets = [0, 8], sizes = [2000, 1], strides = [1, 1]} : vector<2000x12xf32> to vector<2000x1xf32>
    %add3A_39 = arith.addf %add3A_37, %slice3A_38 : vector<2000x1xf32>
    %slice3A_40 = vector.extract_strided_slice %slice3A {offsets = [0, 11], sizes = [2000, 1], strides = [1, 1]} : vector<2000x12xf32> to vector<2000x1xf32>
    %add3A_41 = arith.addf %add3A_39, %slice3A_40 : vector<2000x1xf32>
    %slice3A_42 = vector.extract_strided_slice %get3A_9 {offsets = [0, 2], sizes = [2000, 1], strides = [1, 1]} : vector<2000x3xf32> to vector<2000x1xf32>
    %sub3A_43 = arith.subf %add3A_41, %slice3A_42 : vector<2000x1xf32>
    %mul3A_44 = arith.mulf %sub3A_43, %sub3A_43 : vector<2000x1xf32>
    %add3A_45 = arith.addf %add3A_34, %mul3A_44 : vector<2000x1xf32>
    %get3A_46 = arith.constant 0 : index
    %get3A_47 = memref.load %arg8[%get3A_46] : memref<8xf32, #tpu.memory_space<smem>>
    %jit3A = arith.constant 0.000000e+00 : f32
    %broadcast_in_dim3A_48 = vector.broadcast %jit3A : f32 to vector<2000x1xf32>
    %select_n3A = arith.select %lt3A_14, %add3A_45, %broadcast_in_dim3A_48 : vector<2000x1xi1>, vector<2000x1xf32>
    %reduce_sum3A = vector.shape_cast %select_n3A : vector<2000x1xf32> to vector<1x2000x1xf32>
    %reduce_sum3A_49 = arith.constant dense<0.000000e+00> : vector<1xf32>
    %reduce_sum3A_50 = vector.multi_reduction <add>, %reduce_sum3A, %reduce_sum3A_49 [1, 2] : vector<1x2000x1xf32> to vector<1xf32>
    %reduce_sum3A_51 = vector.shape_cast %reduce_sum3A_50 : vector<1xf32> to vector<1x1x1xf32>
    %reduce_sum3A_52 = vector.extract %reduce_sum3A_51[0, 0, 0] : f32 from vector<1x1x1xf32>
    %add3A_53 = arith.addf %get3A_47, %reduce_sum3A_52 : f32
    %swap3A = arith.constant 0 : index
    %swap3A_54 = memref.load %arg8[%swap3A] : memref<8xf32, #tpu.memory_space<smem>>
    memref.store %add3A_53, %arg8[%swap3A] : memref<8xf32, #tpu.memory_space<smem>>
    %get3A_55 = arith.constant 1 : index
    %get3A_56 = memref.load %arg8[%get3A_55] : memref<8xf32, #tpu.memory_space<smem>>
    %jit3A_57 = arith.constant 1.000000e+00 : f32
    %jit3A_58 = arith.constant 0.000000e+00 : f32
    %broadcast_in_dim3A_59 = vector.broadcast %jit3A_57 : f32 to vector<2000x1xf32>
    %broadcast_in_dim3A_60 = vector.broadcast %jit3A_58 : f32 to vector<2000x1xf32>
    %select_n3A_61 = arith.select %lt3A_14, %broadcast_in_dim3A_59, %broadcast_in_dim3A_60 : vector<2000x1xi1>, vector<2000x1xf32>
    %reduce_sum3A_62 = vector.shape_cast %select_n3A_61 : vector<2000x1xf32> to vector<1x2000x1xf32>
    %reduce_sum3A_63 = arith.constant dense<0.000000e+00> : vector<1xf32>
    %reduce_sum3A_64 = vector.multi_reduction <add>, %reduce_sum3A_62, %reduce_sum3A_63 [1, 2] : vector<1x2000x1xf32> to vector<1xf32>
    %reduce_sum3A_65 = vector.shape_cast %reduce_sum3A_64 : vector<1xf32> to vector<1x1x1xf32>
    %reduce_sum3A_66 = vector.extract %reduce_sum3A_65[0, 0, 0] : f32 from vector<1x1x1xf32>
    %add3A_67 = arith.addf %get3A_56, %reduce_sum3A_66 : f32
    %swap3A_68 = arith.constant 1 : index
    %swap3A_69 = memref.load %arg8[%swap3A_68] : memref<8xf32, #tpu.memory_space<smem>>
    memref.store %add3A_67, %arg8[%swap3A_68] : memref<8xf32, #tpu.memory_space<smem>>
    %slice3A_70 = vector.extract_strided_slice %get3A_6 {offsets = [0, 0], sizes = [2000, 1], strides = [1, 1]} : vector<2000x4xf32> to vector<2000x1xf32>
    %lt3A_71 = arith.constant 5.000000e-01 : f32
    %lt3A_72 = vector.broadcast %lt3A_71 : f32 to vector<2000x1xf32>
    %lt3A_73 = arith.cmpf olt, %slice3A_70, %lt3A_72 : vector<2000x1xf32>
    %slice3A_74 = vector.extract_strided_slice %slice3A {offsets = [0, 0], sizes = [2000, 3], strides = [1, 1]} : vector<2000x12xf32> to vector<2000x3xf32>
    %mul3A_75 = arith.mulf %slice3A_74, %slice3A_74 : vector<2000x3xf32>
    %jit3A_76 = arith.constant 0.000000e+00 : f32
    %broadcast_in_dim3A_77 = vector.shape_cast %lt3A_73 : vector<2000x1xi1> to vector<2000x1xi1>
    %broadcast_in_dim3A_78 = vector.broadcast %broadcast_in_dim3A_77 : vector<2000x1xi1> to vector<2000x3xi1>
    %broadcast_in_dim3A_79 = vector.broadcast %jit3A_76 : f32 to vector<2000x3xf32>
    %select_n3A_80 = arith.select %broadcast_in_dim3A_78, %mul3A_75, %broadcast_in_dim3A_79 : vector<2000x3xi1>, vector<2000x3xf32>
    %reduce_sum3A_81 = arith.constant dense<0.000000e+00> : vector<2000xf32>
    %reduce_sum3A_82 = vector.multi_reduction <add>, %select_n3A_80, %reduce_sum3A_81 [1] : vector<2000x3xf32> to vector<2000xf32>
    %broadcast_in_dim3A_83 = vector.shape_cast %reduce_sum3A_82 : vector<2000xf32> to vector<2000x1xf32>
    %reduce_sum3A_84 = vector.shape_cast %broadcast_in_dim3A_83 : vector<2000x1xf32> to vector<1x2000x1xf32>
    %reduce_sum3A_85 = arith.constant dense<0.000000e+00> : vector<1xf32>
    %reduce_sum3A_86 = vector.multi_reduction <add>, %reduce_sum3A_84, %reduce_sum3A_85 [1, 2] : vector<1x2000x1xf32> to vector<1xf32>
    %reduce_sum3A_87 = vector.shape_cast %reduce_sum3A_86 : vector<1xf32> to vector<1x1x1xf32>
    %reduce_sum3A_88 = vector.extract %reduce_sum3A_87[0, 0, 0] : f32 from vector<1x1x1xf32>
    %add3A_89 = arith.constant 0.000000e+00 : f32
    %add3A_90 = arith.addf %add3A_89, %reduce_sum3A_88 : f32
    %slice3A_91 = vector.extract_strided_slice %get3A_6 {offsets = [0, 1], sizes = [2000, 1], strides = [1, 1]} : vector<2000x4xf32> to vector<2000x1xf32>
    %lt3A_92 = arith.constant 5.000000e-01 : f32
    %lt3A_93 = vector.broadcast %lt3A_92 : f32 to vector<2000x1xf32>
    %lt3A_94 = arith.cmpf olt, %slice3A_91, %lt3A_93 : vector<2000x1xf32>
    %slice3A_95 = vector.extract_strided_slice %slice3A {offsets = [0, 3], sizes = [2000, 3], strides = [1, 1]} : vector<2000x12xf32> to vector<2000x3xf32>
    %mul3A_96 = arith.mulf %slice3A_95, %slice3A_95 : vector<2000x3xf32>
    %jit3A_97 = arith.constant 0.000000e+00 : f32
    %broadcast_in_dim3A_98 = vector.shape_cast %lt3A_94 : vector<2000x1xi1> to vector<2000x1xi1>
    %broadcast_in_dim3A_99 = vector.broadcast %broadcast_in_dim3A_98 : vector<2000x1xi1> to vector<2000x3xi1>
    %broadcast_in_dim3A_100 = vector.broadcast %jit3A_97 : f32 to vector<2000x3xf32>
    %select_n3A_101 = arith.select %broadcast_in_dim3A_99, %mul3A_96, %broadcast_in_dim3A_100 : vector<2000x3xi1>, vector<2000x3xf32>
    %reduce_sum3A_102 = arith.constant dense<0.000000e+00> : vector<2000xf32>
    %reduce_sum3A_103 = vector.multi_reduction <add>, %select_n3A_101, %reduce_sum3A_102 [1] : vector<2000x3xf32> to vector<2000xf32>
    %broadcast_in_dim3A_104 = vector.shape_cast %reduce_sum3A_103 : vector<2000xf32> to vector<2000x1xf32>
    %reduce_sum3A_105 = vector.shape_cast %broadcast_in_dim3A_104 : vector<2000x1xf32> to vector<1x2000x1xf32>
    %reduce_sum3A_106 = arith.constant dense<0.000000e+00> : vector<1xf32>
    %reduce_sum3A_107 = vector.multi_reduction <add>, %reduce_sum3A_105, %reduce_sum3A_106 [1, 2] : vector<1x2000x1xf32> to vector<1xf32>
    %reduce_sum3A_108 = vector.shape_cast %reduce_sum3A_107 : vector<1xf32> to vector<1x1x1xf32>
    %reduce_sum3A_109 = vector.extract %reduce_sum3A_108[0, 0, 0] : f32 from vector<1x1x1xf32>
    %add3A_110 = arith.addf %add3A_90, %reduce_sum3A_109 : f32
    %slice3A_111 = vector.extract_strided_slice %get3A_6 {offsets = [0, 2], sizes = [2000, 1], strides = [1, 1]} : vector<2000x4xf32> to vector<2000x1xf32>
    %lt3A_112 = arith.constant 5.000000e-01 : f32
    %lt3A_113 = vector.broadcast %lt3A_112 : f32 to vector<2000x1xf32>
    %lt3A_114 = arith.cmpf olt, %slice3A_111, %lt3A_113 : vector<2000x1xf32>
    %slice3A_115 = vector.extract_strided_slice %slice3A {offsets = [0, 6], sizes = [2000, 3], strides = [1, 1]} : vector<2000x12xf32> to vector<2000x3xf32>
    %mul3A_116 = arith.mulf %slice3A_115, %slice3A_115 : vector<2000x3xf32>
    %jit3A_117 = arith.constant 0.000000e+00 : f32
    %broadcast_in_dim3A_118 = vector.shape_cast %lt3A_114 : vector<2000x1xi1> to vector<2000x1xi1>
    %broadcast_in_dim3A_119 = vector.broadcast %broadcast_in_dim3A_118 : vector<2000x1xi1> to vector<2000x3xi1>
    %broadcast_in_dim3A_120 = vector.broadcast %jit3A_117 : f32 to vector<2000x3xf32>
    %select_n3A_121 = arith.select %broadcast_in_dim3A_119, %mul3A_116, %broadcast_in_dim3A_120 : vector<2000x3xi1>, vector<2000x3xf32>
    %reduce_sum3A_122 = arith.constant dense<0.000000e+00> : vector<2000xf32>
    %reduce_sum3A_123 = vector.multi_reduction <add>, %select_n3A_121, %reduce_sum3A_122 [1] : vector<2000x3xf32> to vector<2000xf32>
    %broadcast_in_dim3A_124 = vector.shape_cast %reduce_sum3A_123 : vector<2000xf32> to vector<2000x1xf32>
    %reduce_sum3A_125 = vector.shape_cast %broadcast_in_dim3A_124 : vector<2000x1xf32> to vector<1x2000x1xf32>
    %reduce_sum3A_126 = arith.constant dense<0.000000e+00> : vector<1xf32>
    %reduce_sum3A_127 = vector.multi_reduction <add>, %reduce_sum3A_125, %reduce_sum3A_126 [1, 2] : vector<1x2000x1xf32> to vector<1xf32>
    %reduce_sum3A_128 = vector.shape_cast %reduce_sum3A_127 : vector<1xf32> to vector<1x1x1xf32>
    %reduce_sum3A_129 = vector.extract %reduce_sum3A_128[0, 0, 0] : f32 from vector<1x1x1xf32>
    %add3A_130 = arith.addf %add3A_110, %reduce_sum3A_129 : f32
    %slice3A_131 = vector.extract_strided_slice %get3A_6 {offsets = [0, 3], sizes = [2000, 1], strides = [1, 1]} : vector<2000x4xf32> to vector<2000x1xf32>
    %lt3A_132 = arith.constant 5.000000e-01 : f32
    %lt3A_133 = vector.broadcast %lt3A_132 : f32 to vector<2000x1xf32>
    %lt3A_134 = arith.cmpf olt, %slice3A_131, %lt3A_133 : vector<2000x1xf32>
    %slice3A_135 = vector.extract_strided_slice %slice3A {offsets = [0, 9], sizes = [2000, 3], strides = [1, 1]} : vector<2000x12xf32> to vector<2000x3xf32>
    %mul3A_136 = arith.mulf %slice3A_135, %slice3A_135 : vector<2000x3xf32>
    %jit3A_137 = arith.constant 0.000000e+00 : f32
    %broadcast_in_dim3A_138 = vector.shape_cast %lt3A_134 : vector<2000x1xi1> to vector<2000x1xi1>
    %broadcast_in_dim3A_139 = vector.broadcast %broadcast_in_dim3A_138 : vector<2000x1xi1> to vector<2000x3xi1>
    %broadcast_in_dim3A_140 = vector.broadcast %jit3A_137 : f32 to vector<2000x3xf32>
    %select_n3A_141 = arith.select %broadcast_in_dim3A_139, %mul3A_136, %broadcast_in_dim3A_140 : vector<2000x3xi1>, vector<2000x3xf32>
    %reduce_sum3A_142 = arith.constant dense<0.000000e+00> : vector<2000xf32>
    %reduce_sum3A_143 = vector.multi_reduction <add>, %select_n3A_141, %reduce_sum3A_142 [1] : vector<2000x3xf32> to vector<2000xf32>
    %broadcast_in_dim3A_144 = vector.shape_cast %reduce_sum3A_143 : vector<2000xf32> to vector<2000x1xf32>
    %reduce_sum3A_145 = vector.shape_cast %broadcast_in_dim3A_144 : vector<2000x1xf32> to vector<1x2000x1xf32>
    %reduce_sum3A_146 = arith.constant dense<0.000000e+00> : vector<1xf32>
    %reduce_sum3A_147 = vector.multi_reduction <add>, %reduce_sum3A_145, %reduce_sum3A_146 [1, 2] : vector<1x2000x1xf32> to vector<1xf32>
    %reduce_sum3A_148 = vector.shape_cast %reduce_sum3A_147 : vector<1xf32> to vector<1x1x1xf32>
    %reduce_sum3A_149 = vector.extract %reduce_sum3A_148[0, 0, 0] : f32 from vector<1x1x1xf32>
    %add3A_150 = arith.addf %add3A_130, %reduce_sum3A_149 : f32
    %get3A_151 = arith.constant 2 : index
    %get3A_152 = memref.load %arg8[%get3A_151] : memref<8xf32, #tpu.memory_space<smem>>
    %add3A_153 = arith.addf %get3A_152, %add3A_150 : f32
    %swap3A_154 = arith.constant 2 : index
    %swap3A_155 = memref.load %arg8[%swap3A_154] : memref<8xf32, #tpu.memory_space<smem>>
    memref.store %add3A_153, %arg8[%swap3A_154] : memref<8xf32, #tpu.memory_space<smem>>
    %get3A_156 = arith.constant 3 : index
    %get3A_157 = memref.load %arg8[%get3A_156] : memref<8xf32, #tpu.memory_space<smem>>
    %lt3A_158 = arith.constant 5.000000e-01 : f32
    %lt3A_159 = vector.broadcast %lt3A_158 : f32 to vector<2000x4xf32>
    %lt3A_160 = arith.cmpf olt, %get3A_6, %lt3A_159 : vector<2000x4xf32>
    %jit3A_161 = arith.constant 1.000000e+00 : f32
    %jit3A_162 = arith.constant 0.000000e+00 : f32
    %broadcast_in_dim3A_163 = vector.broadcast %jit3A_161 : f32 to vector<2000x4xf32>
    %broadcast_in_dim3A_164 = vector.broadcast %jit3A_162 : f32 to vector<2000x4xf32>
    %select_n3A_165 = arith.select %lt3A_160, %broadcast_in_dim3A_163, %broadcast_in_dim3A_164 : vector<2000x4xi1>, vector<2000x4xf32>
    %reduce_sum3A_166 = vector.shape_cast %select_n3A_165 : vector<2000x4xf32> to vector<1x2000x4xf32>
    %reduce_sum3A_167 = arith.constant dense<0.000000e+00> : vector<1xf32>
    %reduce_sum3A_168 = vector.multi_reduction <add>, %reduce_sum3A_166, %reduce_sum3A_167 [1, 2] : vector<1x2000x4xf32> to vector<1xf32>
    %reduce_sum3A_169 = vector.shape_cast %reduce_sum3A_168 : vector<1xf32> to vector<1x1x1xf32>
    %reduce_sum3A_170 = vector.extract %reduce_sum3A_169[0, 0, 0] : f32 from vector<1x1x1xf32>
    %add3A_171 = arith.addf %get3A_157, %reduce_sum3A_170 : f32
    %swap3A_172 = arith.constant 3 : index
    %swap3A_173 = memref.load %arg8[%swap3A_172] : memref<8xf32, #tpu.memory_space<smem>>
    memref.store %add3A_171, %arg8[%swap3A_172] : memref<8xf32, #tpu.memory_space<smem>>
    %get3A_174 = arith.constant 0 : index
    %get3A_175 = arith.constant 0 : index
    %get3A_176 = vector.load %arg3[%get3A_174, %get3A_175] : memref<2000x1xf32, #tpu.memory_space<vmem>>, vector<2000x1xf32>
    %gt3A = arith.constant 5.000000e-01 : f32
    %gt3A_177 = vector.broadcast %gt3A : f32 to vector<2000x1xf32>
    %gt3A_178 = arith.cmpf ogt, %get3A_176, %gt3A_177 : vector<2000x1xf32>
    %get3A_179 = arith.constant 0 : index
    %get3A_180 = arith.constant 0 : index
    %get3A_181 = vector.load %arg4[%get3A_179, %get3A_180] : memref<2000x1xf32, #tpu.memory_space<vmem>>, vector<2000x1xf32>
    %gt3A_182 = arith.constant 5.000000e-01 : f32
    %gt3A_183 = vector.broadcast %gt3A_182 : f32 to vector<2000x1xf32>
    %gt3A_184 = arith.cmpf ogt, %get3A_181, %gt3A_183 : vector<2000x1xf32>
    %slice3A_185 = vector.extract_strided_slice %get3A_3 {offsets = [0, 0], sizes = [2000, 1], strides = [1, 1]} : vector<2000x15xf32> to vector<2000x1xf32>
    %slice3A_186 = vector.extract_strided_slice %get3A_3 {offsets = [0, 0], sizes = [2000, 1], strides = [1, 1]} : vector<2000x15xf32> to vector<2000x1xf32>
    %mul3A_187 = arith.mulf %slice3A_185, %slice3A_186 : vector<2000x1xf32>
    %slice3A_188 = vector.extract_strided_slice %get3A_3 {offsets = [0, 1], sizes = [2000, 1], strides = [1, 1]} : vector<2000x15xf32> to vector<2000x1xf32>
    %slice3A_189 = vector.extract_strided_slice %get3A_3 {offsets = [0, 1], sizes = [2000, 1], strides = [1, 1]} : vector<2000x15xf32> to vector<2000x1xf32>
    %mul3A_190 = arith.mulf %slice3A_188, %slice3A_189 : vector<2000x1xf32>
    %add3A_191 = arith.addf %mul3A_187, %mul3A_190 : vector<2000x1xf32>
    %get3A_192 = arith.constant 4 : index
    %get3A_193 = memref.load %arg8[%get3A_192] : memref<8xf32, #tpu.memory_space<smem>>
    %jit3A_194 = arith.constant 0.000000e+00 : f32
    %broadcast_in_dim3A_195 = vector.broadcast %jit3A_194 : f32 to vector<2000x1xf32>
    %select_n3A_196 = arith.select %gt3A_178, %add3A_191, %broadcast_in_dim3A_195 : vector<2000x1xi1>, vector<2000x1xf32>
    %reduce_sum3A_197 = vector.shape_cast %select_n3A_196 : vector<2000x1xf32> to vector<1x2000x1xf32>
    %reduce_sum3A_198 = arith.constant dense<0.000000e+00> : vector<1xf32>
    %reduce_sum3A_199 = vector.multi_reduction <add>, %reduce_sum3A_197, %reduce_sum3A_198 [1, 2] : vector<1x2000x1xf32> to vector<1xf32>
    %reduce_sum3A_200 = vector.shape_cast %reduce_sum3A_199 : vector<1xf32> to vector<1x1x1xf32>
    %reduce_sum3A_201 = vector.extract %reduce_sum3A_200[0, 0, 0] : f32 from vector<1x1x1xf32>
    %add3A_202 = arith.addf %get3A_193, %reduce_sum3A_201 : f32
    %swap3A_203 = arith.constant 4 : index
    %swap3A_204 = memref.load %arg8[%swap3A_203] : memref<8xf32, #tpu.memory_space<smem>>
    memref.store %add3A_202, %arg8[%swap3A_203] : memref<8xf32, #tpu.memory_space<smem>>
    %get3A_205 = arith.constant 5 : index
    %get3A_206 = memref.load %arg8[%get3A_205] : memref<8xf32, #tpu.memory_space<smem>>
    %jit3A_207 = arith.constant 1.000000e+00 : f32
    %jit3A_208 = arith.constant 0.000000e+00 : f32
    %broadcast_in_dim3A_209 = vector.broadcast %jit3A_207 : f32 to vector<2000x1xf32>
    %broadcast_in_dim3A_210 = vector.broadcast %jit3A_208 : f32 to vector<2000x1xf32>
    %select_n3A_211 = arith.select %gt3A_178, %broadcast_in_dim3A_209, %broadcast_in_dim3A_210 : vector<2000x1xi1>, vector<2000x1xf32>
    %reduce_sum3A_212 = vector.shape_cast %select_n3A_211 : vector<2000x1xf32> to vector<1x2000x1xf32>
    %reduce_sum3A_213 = arith.constant dense<0.000000e+00> : vector<1xf32>
    %reduce_sum3A_214 = vector.multi_reduction <add>, %reduce_sum3A_212, %reduce_sum3A_213 [1, 2] : vector<1x2000x1xf32> to vector<1xf32>
    %reduce_sum3A_215 = vector.shape_cast %reduce_sum3A_214 : vector<1xf32> to vector<1x1x1xf32>
    %reduce_sum3A_216 = vector.extract %reduce_sum3A_215[0, 0, 0] : f32 from vector<1x1x1xf32>
    %add3A_217 = arith.addf %get3A_206, %reduce_sum3A_216 : f32
    %swap3A_218 = arith.constant 5 : index
    %swap3A_219 = memref.load %arg8[%swap3A_218] : memref<8xf32, #tpu.memory_space<smem>>
    memref.store %add3A_217, %arg8[%swap3A_218] : memref<8xf32, #tpu.memory_space<smem>>
    %get3A_220 = arith.constant 6 : index
    %get3A_221 = memref.load %arg8[%get3A_220] : memref<8xf32, #tpu.memory_space<smem>>
    %slice3A_222 = vector.extract_strided_slice %get3A_3 {offsets = [0, 2], sizes = [2000, 1], strides = [1, 1]} : vector<2000x15xf32> to vector<2000x1xf32>
    %slice3A_223 = vector.extract_strided_slice %get3A_3 {offsets = [0, 2], sizes = [2000, 1], strides = [1, 1]} : vector<2000x15xf32> to vector<2000x1xf32>
    %mul3A_224 = arith.mulf %slice3A_222, %slice3A_223 : vector<2000x1xf32>
    %jit3A_225 = arith.constant 0.000000e+00 : f32
    %broadcast_in_dim3A_226 = vector.broadcast %jit3A_225 : f32 to vector<2000x1xf32>
    %select_n3A_227 = arith.select %gt3A_184, %mul3A_224, %broadcast_in_dim3A_226 : vector<2000x1xi1>, vector<2000x1xf32>
    %reduce_sum3A_228 = vector.shape_cast %select_n3A_227 : vector<2000x1xf32> to vector<1x2000x1xf32>
    %reduce_sum3A_229 = arith.constant dense<0.000000e+00> : vector<1xf32>
    %reduce_sum3A_230 = vector.multi_reduction <add>, %reduce_sum3A_228, %reduce_sum3A_229 [1, 2] : vector<1x2000x1xf32> to vector<1xf32>
    %reduce_sum3A_231 = vector.shape_cast %reduce_sum3A_230 : vector<1xf32> to vector<1x1x1xf32>
    %reduce_sum3A_232 = vector.extract %reduce_sum3A_231[0, 0, 0] : f32 from vector<1x1x1xf32>
    %add3A_233 = arith.addf %get3A_221, %reduce_sum3A_232 : f32
    %swap3A_234 = arith.constant 6 : index
    %swap3A_235 = memref.load %arg8[%swap3A_234] : memref<8xf32, #tpu.memory_space<smem>>
    memref.store %add3A_233, %arg8[%swap3A_234] : memref<8xf32, #tpu.memory_space<smem>>
    %get3A_236 = arith.constant 7 : index
    %get3A_237 = memref.load %arg8[%get3A_236] : memref<8xf32, #tpu.memory_space<smem>>
    %jit3A_238 = arith.constant 1.000000e+00 : f32
    %jit3A_239 = arith.constant 0.000000e+00 : f32
    %broadcast_in_dim3A_240 = vector.broadcast %jit3A_238 : f32 to vector<2000x1xf32>
    %broadcast_in_dim3A_241 = vector.broadcast %jit3A_239 : f32 to vector<2000x1xf32>
    %select_n3A_242 = arith.select %gt3A_184, %broadcast_in_dim3A_240, %broadcast_in_dim3A_241 : vector<2000x1xi1>, vector<2000x1xf32>
    %reduce_sum3A_243 = vector.shape_cast %select_n3A_242 : vector<2000x1xf32> to vector<1x2000x1xf32>
    %reduce_sum3A_244 = arith.constant dense<0.000000e+00> : vector<1xf32>
    %reduce_sum3A_245 = vector.multi_reduction <add>, %reduce_sum3A_243, %reduce_sum3A_244 [1, 2] : vector<1x2000x1xf32> to vector<1xf32>
    %reduce_sum3A_246 = vector.shape_cast %reduce_sum3A_245 : vector<1xf32> to vector<1x1x1xf32>
    %reduce_sum3A_247 = vector.extract %reduce_sum3A_246[0, 0, 0] : f32 from vector<1x1x1xf32>
    %add3A_248 = arith.addf %get3A_237, %reduce_sum3A_247 : f32
    %swap3A_249 = arith.constant 7 : index
    %swap3A_250 = memref.load %arg8[%swap3A_249] : memref<8xf32, #tpu.memory_space<smem>>
    memref.store %add3A_248, %arg8[%swap3A_249] : memref<8xf32, #tpu.memory_space<smem>>
    %get3A_251 = arith.constant 0 : index
    %get3A_252 = arith.constant 0 : index
    %get3A_253 = vector.load %arg6[%get3A_251, %get3A_252] : memref<2000x4xi32, #tpu.memory_space<vmem>>, vector<2000x4xi32>
    %get3A_254 = arith.constant 0 : index
    %get3A_255 = arith.constant 0 : index
    %get3A_256 = vector.load %arg7[%get3A_254, %get3A_255] : memref<2000x4xi32, #tpu.memory_space<vmem>>, vector<2000x4xi32>
    %gt3A_257 = arith.constant 5.000000e-01 : f32
    %gt3A_258 = vector.broadcast %gt3A_257 : f32 to vector<2000x4xf32>
    %gt3A_259 = arith.cmpf ogt, %get3A_6, %gt3A_258 : vector<2000x4xf32>
    %mul3A_260 = arith.constant 2 : i32
    %mul3A_261 = vector.broadcast %mul3A_260 : i32 to vector<2000x4xi32>
    %mul3A_262 = arith.muli %mul3A_261, %get3A_253 : vector<2000x4xi32>
    %eq3A_263 = arith.constant 1 : i32
    %eq3A_264 = vector.broadcast %eq3A_263 : i32 to vector<2000x4xi32>
    %eq3A_265 = arith.cmpi eq, %get3A_256, %eq3A_264 : vector<2000x4xi32>
    %jit3A_266 = arith.constant 0 : i32
    %jit3A_267 = arith.constant 1 : i32
    %broadcast_in_dim3A_268 = vector.broadcast %jit3A_266 : i32 to vector<2000x4xi32>
    %broadcast_in_dim3A_269 = vector.broadcast %jit3A_267 : i32 to vector<2000x4xi32>
    %select_n3A_270 = arith.select %eq3A_265, %broadcast_in_dim3A_268, %broadcast_in_dim3A_269 : vector<2000x4xi1>, vector<2000x4xi32>
    %add3A_271 = arith.addi %mul3A_262, %select_n3A_270 : vector<2000x4xi32>
    %jit3A_272 = arith.constant 4194304 : i32
    %broadcast_in_dim3A_273 = vector.broadcast %jit3A_272 : i32 to vector<2000x4xi32>
    %select_n3A_274 = arith.select %gt3A_259, %add3A_271, %broadcast_in_dim3A_273 : vector<2000x4xi1>, vector<2000x4xi32>
    %swap3A_275 = arith.constant 0 : index
    %swap3A_276 = arith.constant 0 : index
    %swap3A_277 = vector.load %arg9[%swap3A_275, %swap3A_276] : memref<2000x4xi32, #tpu.memory_space<vmem>>, vector<2000x4xi32>
    tpu.vector_store %arg9[%swap3A_275, %swap3A_276], %select_n3A_274 {strides = array<i32>} : memref<2000x4xi32, #tpu.memory_space<vmem>>, vector<2000x4xi32>,
    return
  }
  func.func @transform_0(%arg0: i32) -> (i32, i32) {
    %c0_i32 = arith.constant 0 : i32
    %c0_i32_0 = arith.constant 0 : i32
    return %arg0, %c0_i32 : i32, i32
  }
  func.func @transform_1(%arg0: i32) -> (i32, i32) {
    %c0_i32 = arith.constant 0 : i32
    %c0_i32_0 = arith.constant 0 : i32
    return %arg0, %c0_i32 : i32, i32
  }
  func.func @transform_2(%arg0: i32) -> (i32, i32) {
    %c0_i32 = arith.constant 0 : i32
    %c0_i32_0 = arith.constant 0 : i32
    return %arg0, %c0_i32 : i32, i32
  }
  func.func @transform_3(%arg0: i32) -> (i32, i32) {
    %c0_i32 = arith.constant 0 : i32
    %c0_i32_0 = arith.constant 0 : i32
    return %arg0, %c0_i32 : i32, i32
  }
  func.func @transform_4(%arg0: i32) -> (i32, i32) {
    %c0_i32 = arith.constant 0 : i32
    %c0_i32_0 = arith.constant 0 : i32
    return %arg0, %c0_i32 : i32, i32
  }
  func.func @transform_5(%arg0: i32) -> (i32, i32) {
    %c0_i32 = arith.constant 0 : i32
    %c0_i32_0 = arith.constant 0 : i32
    return %arg0, %c0_i32 : i32, i32
  }
  func.func @transform_6(%arg0: i32) -> (i32, i32) {
    %c0_i32 = arith.constant 0 : i32
    %c0_i32_0 = arith.constant 0 : i32
    return %arg0, %c0_i32 : i32, i32
  }
  func.func @transform_7(%arg0: i32) -> i32 {
    %c0_i32 = arith.constant 0 : i32
    %c0_i32_0 = arith.constant 0 : i32
    return %c0_i32 : i32
  }
  func.func @transform_8(%arg0: i32) -> (i32, i32) {
    %c0_i32 = arith.constant 0 : i32
    %c0_i32_0 = arith.constant 0 : i32
    return %arg0, %c0_i32 : i32, i32
  }
}

module attributes {stable_mosaic.version = 14 : i64} {
  func.func @_elem_scalars_body(%arg0: i32, %arg1: memref<2048xf32, #tpu.memory_space<vmem>>, %arg2: memref<2048xf32, #tpu.memory_space<vmem>>, %arg3: memref<2048xf32, #tpu.memory_space<vmem>>, %arg4: memref<2048x3xf32, #tpu.memory_space<vmem>>, %arg5: memref<4xf32, #tpu.memory_space<smem>>) attributes {dimension_semantics = [#tpu.dimension_semantics<arbitrary>], iteration_bounds = array<i64: 98>, scalar_prefetch = 0 : i64, scratch_operands = 0 : i64, tpu.core_type = #tpu.core_type<tc>, window_params = [{transform_indices = @transform_0, window_bounds = array<i64: 2048>}, {transform_indices = @transform_1, window_bounds = array<i64: 2048>}, {transform_indices = @transform_2, window_bounds = array<i64: 2048>}, {transform_indices = @transform_3, window_bounds = array<i64: 2048, 3>}, {transform_indices = @transform_4, window_bounds = array<i64: 4>}]} {
    %eq3A = arith.constant 0 : i32
    %eq3A_0 = arith.cmpi eq, %arg0, %eq3A : i32
    %convert_element_type3A = arith.extui %eq3A_0 : i1 to i32
    %cond3A = arith.constant 0 : i32
    %cond3A_1 = arith.cmpi ne, %convert_element_type3A, %cond3A : i32
    scf.if %cond3A_1 {
      %swap3A_51 = arith.constant 0.000000e+00 : f32
      %swap3A_52 = arith.constant 0 : index
      %swap3A_53 = memref.load %arg5[%swap3A_52] : memref<4xf32, #tpu.memory_space<smem>>
      memref.store %swap3A_51, %arg5[%swap3A_52] : memref<4xf32, #tpu.memory_space<smem>>
      %swap3A_54 = arith.constant 0.000000e+00 : f32
      %swap3A_55 = arith.constant 1 : index
      %swap3A_56 = memref.load %arg5[%swap3A_55] : memref<4xf32, #tpu.memory_space<smem>>
      memref.store %swap3A_54, %arg5[%swap3A_55] : memref<4xf32, #tpu.memory_space<smem>>
      %swap3A_57 = arith.constant 0.000000e+00 : f32
      %swap3A_58 = arith.constant 2 : index
      %swap3A_59 = memref.load %arg5[%swap3A_58] : memref<4xf32, #tpu.memory_space<smem>>
      memref.store %swap3A_57, %arg5[%swap3A_58] : memref<4xf32, #tpu.memory_space<smem>>
      %swap3A_60 = arith.constant 0.000000e+00 : f32
      %swap3A_61 = arith.constant 3 : index
      %swap3A_62 = memref.load %arg5[%swap3A_61] : memref<4xf32, #tpu.memory_space<smem>>
      memref.store %swap3A_60, %arg5[%swap3A_61] : memref<4xf32, #tpu.memory_space<smem>>
    } else {
    }
    %get3A = arith.constant 0 : index
    %get3A_2 = memref.load %arg5[%get3A] : memref<4xf32, #tpu.memory_space<smem>>
    %get3A_3 = arith.constant 0 : index
    %get3A_4 = vector.load %arg1[%get3A_3] : memref<2048xf32, #tpu.memory_space<vmem>>, vector<2048xf32>
    %reduce_sum3A = vector.shape_cast %get3A_4 : vector<2048xf32> to vector<1x2048xf32>
    %reduce_sum3A_5 = arith.constant dense<0.000000e+00> : vector<1xf32>
    %reduce_sum3A_6 = vector.multi_reduction <add>, %reduce_sum3A, %reduce_sum3A_5 [1] : vector<1x2048xf32> to vector<1xf32>
    %reduce_sum3A_7 = vector.shape_cast %reduce_sum3A_6 : vector<1xf32> to vector<1x1xf32>
    %reduce_sum3A_8 = vector.extract %reduce_sum3A_7[0, 0] : f32 from vector<1x1xf32>
    %add3A = arith.addf %get3A_2, %reduce_sum3A_8 : f32
    %swap3A = arith.constant 0 : index
    %swap3A_9 = memref.load %arg5[%swap3A] : memref<4xf32, #tpu.memory_space<smem>>
    memref.store %add3A, %arg5[%swap3A] : memref<4xf32, #tpu.memory_space<smem>>
    %get3A_10 = arith.constant 1 : index
    %get3A_11 = memref.load %arg5[%get3A_10] : memref<4xf32, #tpu.memory_space<smem>>
    %get3A_12 = arith.constant 0 : index
    %get3A_13 = vector.load %arg2[%get3A_12] : memref<2048xf32, #tpu.memory_space<vmem>>, vector<2048xf32>
    %reduce_sum3A_14 = vector.shape_cast %get3A_13 : vector<2048xf32> to vector<1x2048xf32>
    %reduce_sum3A_15 = arith.constant dense<0.000000e+00> : vector<1xf32>
    %reduce_sum3A_16 = vector.multi_reduction <add>, %reduce_sum3A_14, %reduce_sum3A_15 [1] : vector<1x2048xf32> to vector<1xf32>
    %reduce_sum3A_17 = vector.shape_cast %reduce_sum3A_16 : vector<1xf32> to vector<1x1xf32>
    %reduce_sum3A_18 = vector.extract %reduce_sum3A_17[0, 0] : f32 from vector<1x1xf32>
    %add3A_19 = arith.addf %get3A_11, %reduce_sum3A_18 : f32
    %swap3A_20 = arith.constant 1 : index
    %swap3A_21 = memref.load %arg5[%swap3A_20] : memref<4xf32, #tpu.memory_space<smem>>
    memref.store %add3A_19, %arg5[%swap3A_20] : memref<4xf32, #tpu.memory_space<smem>>
    %get3A_22 = arith.constant 2 : index
    %get3A_23 = memref.load %arg5[%get3A_22] : memref<4xf32, #tpu.memory_space<smem>>
    %get3A_24 = arith.constant 0 : index
    %get3A_25 = vector.load %arg3[%get3A_24] : memref<2048xf32, #tpu.memory_space<vmem>>, vector<2048xf32>
    %reduce_sum3A_26 = vector.shape_cast %get3A_25 : vector<2048xf32> to vector<1x2048xf32>
    %reduce_sum3A_27 = arith.constant dense<0.000000e+00> : vector<1xf32>
    %reduce_sum3A_28 = vector.multi_reduction <add>, %reduce_sum3A_26, %reduce_sum3A_27 [1] : vector<1x2048xf32> to vector<1xf32>
    %reduce_sum3A_29 = vector.shape_cast %reduce_sum3A_28 : vector<1xf32> to vector<1x1xf32>
    %reduce_sum3A_30 = vector.extract %reduce_sum3A_29[0, 0] : f32 from vector<1x1xf32>
    %add3A_31 = arith.addf %get3A_23, %reduce_sum3A_30 : f32
    %swap3A_32 = arith.constant 2 : index
    %swap3A_33 = memref.load %arg5[%swap3A_32] : memref<4xf32, #tpu.memory_space<smem>>
    memref.store %add3A_31, %arg5[%swap3A_32] : memref<4xf32, #tpu.memory_space<smem>>
    %get3A_34 = arith.constant 0 : index
    %get3A_35 = arith.constant 0 : index
    %get3A_36 = vector.load %arg4[%get3A_34, %get3A_35] : memref<2048x3xf32, #tpu.memory_space<vmem>>, vector<2048x3xf32>
    %slice3A = vector.extract_strided_slice %get3A_36 {offsets = [0, 0], sizes = [2048, 1], strides = [1, 1]} : vector<2048x3xf32> to vector<2048x1xf32>
    %integer_pow3A = arith.mulf %slice3A, %slice3A : vector<2048x1xf32>
    %slice3A_37 = vector.extract_strided_slice %get3A_36 {offsets = [0, 1], sizes = [2048, 1], strides = [1, 1]} : vector<2048x3xf32> to vector<2048x1xf32>
    %integer_pow3A_38 = arith.mulf %slice3A_37, %slice3A_37 : vector<2048x1xf32>
    %add3A_39 = arith.addf %integer_pow3A, %integer_pow3A_38 : vector<2048x1xf32>
    %slice3A_40 = vector.extract_strided_slice %get3A_36 {offsets = [0, 2], sizes = [2048, 1], strides = [1, 1]} : vector<2048x3xf32> to vector<2048x1xf32>
    %integer_pow3A_41 = arith.mulf %slice3A_40, %slice3A_40 : vector<2048x1xf32>
    %add3A_42 = arith.addf %add3A_39, %integer_pow3A_41 : vector<2048x1xf32>
    %sqrt3A = math.sqrt %add3A_42 : vector<2048x1xf32>
    %get3A_43 = arith.constant 3 : index
    %get3A_44 = memref.load %arg5[%get3A_43] : memref<4xf32, #tpu.memory_space<smem>>
    %reduce_max3A = vector.shape_cast %sqrt3A : vector<2048x1xf32> to vector<1x2048x1xf32>
    %reduce_max3A_45 = arith.constant dense<0xFF800000> : vector<1xf32>
    %reduce_max3A_46 = vector.multi_reduction <maximumf>, %reduce_max3A, %reduce_max3A_45 [1, 2] : vector<1x2048x1xf32> to vector<1xf32>
    %reduce_max3A_47 = vector.shape_cast %reduce_max3A_46 : vector<1xf32> to vector<1x1x1xf32>
    %reduce_max3A_48 = vector.extract %reduce_max3A_47[0, 0, 0] : f32 from vector<1x1x1xf32>
    %max3A = arith.maximumf %get3A_44, %reduce_max3A_48 : f32
    %swap3A_49 = arith.constant 3 : index
    %swap3A_50 = memref.load %arg5[%swap3A_49] : memref<4xf32, #tpu.memory_space<smem>>
    memref.store %max3A, %arg5[%swap3A_49] : memref<4xf32, #tpu.memory_space<smem>>
    return
  }
  func.func @transform_0(%arg0: i32) -> i32 {
    %c0_i32 = arith.constant 0 : i32
    return %arg0 : i32
  }
  func.func @transform_1(%arg0: i32) -> i32 {
    %c0_i32 = arith.constant 0 : i32
    return %arg0 : i32
  }
  func.func @transform_2(%arg0: i32) -> i32 {
    %c0_i32 = arith.constant 0 : i32
    return %arg0 : i32
  }
  func.func @transform_3(%arg0: i32) -> (i32, i32) {
    %c0_i32 = arith.constant 0 : i32
    %c0_i32_0 = arith.constant 0 : i32
    return %arg0, %c0_i32 : i32, i32
  }
  func.func @transform_4(%arg0: i32) -> i32 {
    %c0_i32 = arith.constant 0 : i32
    %c0_i32_0 = arith.constant 0 : i32
    return %c0_i32 : i32
  }
}

</mosaic_0001>

<sc_bundles>
// kernel: kernel.5.cloned.1.call-start
scs
__scs_entry_jumppad:
0x0: {  	(pc) =	sbr.rel $0x88, $3  }
0x1: {  	(tag) =	ssettag $0x0;
	lr =	simm.s32 $0x1  }
0x2: {  	[smem:$0x3F94] =	sst lr;
	_ =	strace $0xD0000000  }
0x3: {  	_ = 	snop  }
0x4: {  	_ = 	snop  }
0x5: {  	_ = 	snop  }
0x6: {  	_ = 	snop  }
0x7: {  	_ = 	snop  }
__scs_overlays_trampoline_lowered:
0x8: {  	[smem:$0x3FA3] =	sst s0  }
0x9: {  	[smem:$0x3FA4] =	sst s1  }
0xa: {  	[smem:$0x3FA5] =	sst s2  }
0xb: {  	[smem:$0x3FA6] =	sst s3  }
0xc: {  	[smem:$0x3FA7] =	sst s4  }
0xd: {  	[smem:$0x3FA8] =	sst s5  }
0xe: {  	[smem:$0x3FA9] =	sst s6  }
0xf: {  	[smem:$0x3FAA] =	sst s7  }
0x10: {  	[smem:$0x3FAB] =	sst s8  }
0x11: {  	[smem:$0x3FAC] =	sst s9;
	s0 =	simm.s32 @!p0 $0x0  }
0x12: {  	s1 =	sld [smem:$0x3F92];
	s0 =	simm.s32 @p0 $0x1  }
0x13: {  	[smem:$0x3FAD] =	sst s0;
	s0 =	simm.s32 @!p1 $0x0  }
0x14: {  	s2 =	sld [smem:$0x3F91];
	s0 =	simm.s32 @p1 $0x1  }
0x15: {  	[smem:$0x3FAE] =	sst s0;
	s0 =	simm.s32 @!p2 $0x0  }
0x16: {  	s3 =	sld [smem:$0x3FDB];
	s0 =	simm.s32 @p2 $0x1  }
0x17: {  	s4 =	simm.s32 $0x1BF5;
	[smem:$0x3FB0] =	sst s0  }
0x18: {  	s0 =	sld [smem:$0x3F93];
	_ =	swait.ge [sflag:s4], $0x0  }
0x19: {  	s7 =	sld [smem:$0x3F94]  }
0x1a: {  	s8 =	sadd.s32 $0xFFFFE003, lr  }
0x1b: {  	s9 =	sadd.s32 $0xFFFFFEF7, lr;
	s5 =	simm.s32 $0xFFFFFFFF;
	p2 =	slt.u32 s8, $0xFFFFF086  }
0x1c: {  	p1 =	slt.u32 s9, $0xF7A;
	s5 =	simm.s32 @!p2 $0x0  }
0x1d: {  	s5 =	simm.s32 @p1 $0x1;
	p0 =	seq.s32 s7, s2  }
0x1e: {  	s7 =	smul.u32 @!p0 $0xF7A, s2;
	p2 =	seq.s32 @!p0 s5, $0x0  }
0x1f: {  	s9 =	smul.u32 $0xF7A, s1;
	s8 =	simm.s32 @!p0 $0x1BF5;
	p2 =	por !p2, p0  }
0x20: {  	[sflag:s8] =	ssyncset.s32 @!p0 $0xFFFFF086;
	s6 =	sadd.s32 @!p0 s3, s7;
	s7 =	simm.s32 @!p0 $0x108  }
0x21: {  	s3 =	sadd.s32 s3, s9;
	s6 =	sadd.s32 @!p0 $0x88, s6;
	s7 =	simm.s32 @p2 $0x1082  }
0x22: {  	[simem:s7], [sflag:s8] =	dma.local @!p0 [hbm:s6], $0xF7A  }
0x23: {  	s9 =	sor.u32 $0xD0000000, s2;
	s6 =	simm.s32 $0x108;
	_ =	swait.ge @!p0 [sflag:s8], $0x0  }
0x24: {  	s3 =	sadd.s32 $0x88, s3;
	s6 =	simm.s32 @!p1 $0x1082;
	[sflag:s4] =	ssyncset.s32 $0xFFFFF086  }
0x25: {  	[simem:s6], [sflag:s4] =	dma.local [hbm:s3], $0xF7A  }
0x26: {  	[smem:$0x3F94] =	sst s1;
	(tag) =	ssettag s2;
	_ =	strace s9  }
0x27: {  	s1 =	sld [smem:$0x3FA4]  }
0x28: {  	s2 =	sld [smem:$0x3FA5]  }
0x29: {  	s4 =	sld [smem:$0x3FA7]  }
0x2a: {  	p0 =	seq.s32 s5, $0x0;
	s5 =	sld [smem:$0x3FA8]  }
0x2b: {  	s6 =	sld [smem:$0x3FA9]  }
0x2c: {  	s7 =	sld [smem:$0x3FAA]  }
0x2d: {  	s3 =	simm.s32 $0x108;
	s8 =	sld [smem:$0x3FAB]  }
0x2e: {  	s3 =	simm.s32 @!p0 $0x1082;
	s9 =	sld [smem:$0x3FAC]  }
0x2f: {  	lr =	sadd.s32 s0, s3;
	s0 =	sld [smem:$0x3FA3]  }
0x30: {  	s3 =	sld [smem:$0x3FA6]  }
0x31: {  	[smem:$0x3FAF] =	sst s10  }
0x32: {  	s10 =	sld [smem:$0x3FAD];
	_ =	sdelay $0x3  }
0x33: {  	p0 =	seq.s32 s10, $0x1;
	s10 =	sld [smem:$0x3FAF];
	_ =	sdelay $0x3  }
0x34: {  	[smem:$0x3FAF] =	sst s10  }
0x35: {  	s10 =	sld [smem:$0x3FAE];
	_ =	sdelay $0x3  }
0x36: {  	p1 =	seq.s32 s10, $0x1;
	s10 =	sld [smem:$0x3FAF];
	_ =	sdelay $0x3  }
0x37: {  	[smem:$0x3FAF] =	sst s10  }
0x38: {  	s10 =	sld [smem:$0x3FB0]  }
0x39: {  	_ = 	snop;
	(pc) =	sbr.ind lr, $3  }
0x3a: {  	_ = 	snop  }
0x3b: {  	_ = 	snop  }
0x3c: {  	p2 =	seq.s32 s10, $0x1;
	s10 =	sld [smem:$0x3FAF]  }
0x3d: {  	_ =	shalt  }
0x3e: {  	_ =	shalt  }
0x3f: {  	_ =	shalt  }
0x40: {  	_ =	shalt  }
0x41: {  	_ =	shalt  }
0x42: {  	_ =	shalt  }
0x43: {  	_ =	shalt  }
0x44: {  	_ =	shalt  }
0x45: {  	_ =	shalt  }
0x46: {  	_ =	shalt  }
0x47: {  	_ =	shalt  }
0x48: {  	_ =	shalt  }
0x49: {  	_ =	shalt  }
0x4a: {  	_ =	shalt  }
0x4b: {  	_ =	shalt  }
0x4c: {  	_ =	shalt  }
0x4d: {  	_ =	shalt  }
0x4e: {  	_ =	shalt  }
0x4f: {  	_ =	shalt  }
0x50: {  	_ =	shalt  }
0x51: {  	_ =	shalt  }
0x52: {  	_ =	shalt  }
0x53: {  	_ =	shalt  }
0x54: {  	_ =	shalt  }
0x55: {  	_ =	shalt  }
0x56: {  	_ =	shalt  }
0x57: {  	_ =	shalt  }
0x58: {  	_ =	shalt  }
0x59: {  	_ =	shalt  }
0x5a: {  	_ =	shalt  }
0x5b: {  	_ =	shalt  }
0x5c: {  	_ =	shalt  }
0x5d: {  	_ =	shalt  }
0x5e: {  	_ =	shalt  }
0x5f: {  	_ =	shalt  }
0x60: {  	_ =	shalt  }
0x61: {  	_ =	shalt  }
0x62: {  	_ =	shalt  }
0x63: {  	_ =	shalt  }
0x64: {  	_ =	shalt  }
0x65: {  	_ =	shalt  }
0x66: {  	_ =	shalt  }
0x67: {  	_ =	shalt  }
0x68: {  	_ =	shalt  }
0x69: {  	_ =	shalt  }
0x6a: {  	_ =	shalt  }
0x6b: {  	_ =	shalt  }
0x6c: {  	_ =	shalt  }
0x6d: {  	_ =	shalt  }
0x6e: {  	_ =	shalt  }
0x6f: {  	_ =	shalt  }
0x70: {  	_ =	shalt  }
0x71: {  	_ =	shalt  }
0x72: {  	_ =	shalt  }
0x73: {  	_ =	shalt  }
0x74: {  	_ =	shalt  }
0x75: {  	_ =	shalt  }
0x76: {  	_ =	shalt  }
0x77: {  	_ =	shalt  }
0x78: {  	_ =	shalt  }
0x79: {  	_ =	shalt  }
0x7a: {  	_ =	shalt  }
0x7b: {  	_ =	shalt  }
0x7c: {  	_ =	shalt  }
0x7d: {  	_ =	shalt  }
0x7e: {  	_ =	shalt  }
0x7f: {  	_ =	shalt  }
0x80: {  	_ =	shalt  }
0x81: {  	_ =	shalt  }
0x82: {  	_ =	shalt  }
0x83: {  	_ =	shalt  }
0x84: {  	_ =	shalt  }
0x85: {  	_ =	shalt  }
0x86: {  	_ =	shalt  }
0x87: {  	_ =	shalt  }
.Lfunc_end0:
.L_simem_size_0:
called_computation_lowered:
.L_overlay_start_0:
0x88: {  	s2 =	sld [smem:$0x3FD9]  }
0x89: {  	s3 =	sld [smem:$0x3FFE];
	_ =	sdelay $0x1  }
0x8a: {  	s1 =	srdreg.scid  }
0x8b: {  	s0 =	sand.u32 $0x1, s1  }
0x8c: {  	s16 =	sshll.u32 s0, $0xA;
	s2 =	sadd.s32 s3, s2  }
0x8d: {  	s2 =	sadd.s32 s2, s16  }
0x8e: {  	[smem:$0x3FBB] =	sst s2  }
0x8f: {  	_ = 	snop  }
0x90: {  	(tm) =	ssettm $0x1  }
0x91: {  	s17 =	sld [smem:$0x3FFB];
	_ =	sdelay $0x3  }
0x92: {  	_ =	strace s17  }
0x93: {  	s2 =	sld [smem:$0x3FFC];
	_ =	sdelay $0x3  }
0x94: {  	_ =	strace s2  }
0x95: {  	s2 =	sld [smem:$0x3FFD];
	_ =	sdelay $0x3  }
0x96: {  	_ =	strace s2  }
0x97: {  	_ =	strace $0x8FFFFFFF  }
0x98: {  	s18 =	sld [smem:$0x3FDB];
	_ =	sdelay $0x1  }
0x99: {  	s19 =	simm.s32 $_scs_section_size  }
0x9a: {  	s4 =	simm.s32 $_size__tile_overlayer_lowered;
	s5 =	simm.s32 $_tile_overlayer_lowered  }
0x9b: {  	s22 =	simm.s32 $0x1BFF;
	s21 =	sshll.u32 s5, $0x1;
	s2 =	sadd.s32 s19, s18  }
0x9c: {  	s6 =	simm.s32 $0x0;
	s20 =	sshll.u32 s4, $0x1;
	s4 =	sadd.s32 s21, s2  }
0x9d: {  	[timem:s6], [sflag:s22] =	dma.local [hbm:s4], s20  }
0x9e: {  	_ =	swait.ge [sflag:s22], s20  }
0x9f: {  	s3 =	ssub.s32 $0x0, s20;
	[sflag:s22] =	ssyncset.done $0x0  }
0xa0: {  	[sflag:s22] =	ssyncadd.s32 s3;
	_ =	sdelay $0x1  }
0xa1: {  	s23 =	simm.s32 $0x1B8B  }
0xa2: {  	_ =	swait.ge [sflag:s23], $0x1  }
0xa3: {  	[sflag:s23] =	ssyncset.done $0x0  }
0xa4: {  	s25 =	simm.s32 $0x1B8E;
	s24 =	sld [smem:$0x3FFE];
	[sflag:s23] =	ssyncadd.s32 $0xFFFFFFFF  }
0xa5: {  	s26 =	simm.s32 $execute0_lowered;
	[smem:$0x3FD2] =	sst s25  }
0xa6: {  	s4 =	sshll.u32 s26, $0x1;
	_ =	strace $0x80000046;
	[dreg:$0x1] =	wrdreg $0xFFFFFFFF  }
0xa7: {  	s28 =	simm.s32 $_size_execute0_lowered;
	s2 =	sadd.s32 s2, s4;
	[dreg:$0x0] =	wrdreg $0x0  }
0xa8: {  	s4 =	sshll.u32 s28, $0x1;
	[dreg:$0x2] =	wrdreg s2  }
0xa9: {  	[dreg:$0x3] =	wrdreg s4  }
0xaa: {  	[dreg:$0x4] =	wrdreg $0xC0  }
0xab: {  	_ =	task [dreg:s6], $0x5FFFF  }
0xac: {  	[dreg:$0x1] =	wrdreg $0xFFFFFFFF  }
0xad: {  	[dreg:$0x0] =	wrdreg $0x60  }
0xae: {  	[dreg:$0x2] =	wrdreg s24  }
0xaf: {  	[dreg:$0x3] =	wrdreg $0x9  }
0xb0: {  	_ =	task.clear_ibuf [dreg:s6], $0x4FFFF;
	_ =	strace $0x90000046  }
0xb1: {  	s29 =	simm.s32 $0x9;
	_ =	strace $0x8000004B  }
0xb2: {  	_ =	swait.ge [sflag:s29], $0x1  }
0xb3: {  	[sflag:s29] =	ssyncadd.s32 $0xFFFFFFFF  }
0xb4: {  	_ =	strace $0x9000004B  }
0xb5: {  	_ =	sfence  }
0xb6: {  	s30 =	sld [smem:$0x0];
	_ =	sdelay $0x2  }
0xb7: {  	s31 =	sshll.u32 s1, $0xD;
	s1 =	sshrl.u32 s1, $0x2  }
0xb8: {  	s3 =	sand.u32 $0x4000, s31;
	s1 =	sadd.s32 s1, s30  }
0xb9: {  	s0 =	sor.u32 s3, s0;
	s1 =	sshll.u32 s1, $0x11  }
0xba: {  	s0 =	sor.u32 s1, s0  }
0xbb: {  	s0 =	sadd.s32 $0x8F2B, s0  }
0xbc: {  	[sflag:s0] =	ssyncadd.remote.s32 $0x1  }
0xbd: {  	_ =	sfence.sel $0xFFFF  }
0xbe: {  	[dreg:$0x0] =	wrdreg $0xFFFFFFFF;
	(pc) =	sbr.abs _section_cstart, $3  }
0xbf: {  	[dreg:$0x1] =	wrdreg $0xFFFFFFFF  }
0xc0: {  	_ =	task.clear_ibuf [dreg:s6], $0x2FFFF;
	_ =	strace $0x9FFFFFFF  }
0xc1: {  	(tm) =	ssettm $0x7FFFFFFF  }
tec
execute0_lowered:
.L_overlay_start_1:
0x0: {  	(tag) =	ssettag $0x1  }
0x1: {  	s0 =	srdreg.scid;
	s2 =	stileid.u32  }
0x2: {  	s1 =	rddreg [dreg:$0x0];
	s7 =	simm.s32 $0x0;
	s0 =	sand.u32 $0x1, s0  }
0x3: {  	s2 =	sshll.u32 s2, $0x1;
	[smem:$0x7FF] =	sst s7;
	s4 =	sadd.s32 $0x14E00, s1  }
0x4: {  	s8 =	sadd.s32 $0xAC3400, s1;
	_ =	strace $0x80000047;
	[dreg:$0x7] =	wrdreg s4  }
0x5: {  	s10 =	sadd.s32 $0x2800, s1;
	s2 =	sor.u32 s0, s2;
	[dreg:$0x8] =	wrdreg s8  }
0x6: {  	s0 =	ssub.s32 $0x2, s0;
	[dreg:$0xa] =	wrdreg s10;
	s3 =	smul.u32 $0x3100, s2  }
0x7: {  	s9 =	smul.u32 $0x1880, s2;
	s2 =	sshll.u32 s2, $0x4;
	s6 =	sshrl.u32 s0, $0x1  }
0x8: {  	s2 =	sadd.s32 s2, s1;
	s0 =	ssub.s32 s0, s6;
	s25 =	sshrl.u32 s3, $0x3  }
0x9: {  	s5 =	sshrl.u32 s9, $0x3;
	s31 =	sadd.s32 $0x2DA00, s2;
	[dreg:$0x9] =	wrdreg s9  }
0xa: {  	s0 =	smax.u32 s0, $0x1;
	s4 =	sadd.s32 s25, s1;
	[dreg:$0x10] =	wrdreg s31  }
0xb: {  	s5 =	sadd.s32 s5, s1;
	s1 =	sadd.s32 $0x15600, s1;
	[dreg:$0x11] =	wrdreg s0  }
0xc: {  	s4 =	sadd.s32 $0x21600, s4;
	[dreg:$0xf] =	wrdreg s1  }
0xd: {  	v63 =	vlaneseq.u32;
	s28 =	sadd.s32 $0xAB0E00, s5;
	[dreg:$0xb] =	wrdreg s4  }
0xe: {  	v4 =	vmul.u32 $0x2, v63;
	s29 =	sadd.s32 $0xAB7000, s5;
	[dreg:$0xc] =	wrdreg s28  }
0xf: {  	v2 =	vimm.s32 $0x0;
	s26 =	sadd.s32 $0x3100, s3;
	s30 =	sadd.s32 $0xABD200, s5;
	[dreg:$0xd] =	wrdreg s29  }
0x10: {  	v3 =	vimm.f32 $0.0e+00;
	[tilespmem:$0x1FFF0] =	vst v4;
	v0 =	vmov s3;
	v1 =	vmov s26;
	s5 =	simm.s32 $0x7100;
	s1 =	simm.s32 $0x0;
	[dreg:$0xe] =	wrdreg s30  }
.LBB2_1:
0x11: {  	[dreg:$0x12] =	wrdreg s1  }
0x12: {  	s0 =	rddreg [dreg:$0xb]  }
0x13: {  	[tilespmem:s5], [sflag:$0x3] =	stream.linear.gather [hbm4b:s0+s7], $0x3100, $0x38;
	[tilespmem:$0x13480] =	vst v63  }
0x14: {  	s25 =	rddreg [dreg:$0xc];
	s26 =	simm.s32 $0xA200  }
0x15: {  	[tilespmem:s26], [sflag:$0x3] =	stream.linear.gather [hbm4b:s25+s7], $0x1880, $0x38;
	[tilespmem:$0x13480] =	vst v63  }
0x16: {  	s28 =	rddreg [dreg:$0xd];
	s29 =	simm.s32 $0xBA80  }
0x17: {  	[tilespmem:s29], [sflag:$0x3] =	stream.linear.gather [hbm4b:s28+s7], $0x1880, $0x38;
	[tilespmem:$0x13480] =	vst v63  }
0x18: {  	s30 =	rddreg [dreg:$0xe];
	s31 =	simm.s32 $0xD300;
	s0 =	simm.s32 $0x40  }
0x19: {  	[tilespmem:s31], [sflag:$0x3] =	stream.linear.gather [hbm4b:s30+s7], $0x1880, $0x38;
	[tilespmem:$0x13480] =	vst v63  }
0x1a: {  	_ =	strace $0x80000048;
	[tilespmem:s0+$0xFFFFFFC0] =	vst v2  }
0x1b: {  	[tilespmem:s0+$0x30] =	vst v2  }
0x1c: {  	[tilespmem:s0+$0x20] =	vst v2  }
0x1d: {  	[tilespmem:s0+$0x10] =	vst v2  }
0x1e: {  	[tilespmem:s0+$0x0] =	vst v2  }
0x1f: {  	[tilespmem:s0+$0xFFFFFFF0] =	vst v2  }
0x20: {  	s1 =	simm.s32 $0x0;
	[tilespmem:s0+$0xFFFFFFE0] =	vst v2  }
.LBB2_2:
0x21: {  	s1 =	sadd.s32 $0x8, s1;
	[tilespmem:s0+$0xFFFFFFD0] =	vst v2;
	s0 =	sadd.s32 $0x80, s0  }
0x22: {  	[tilespmem:s0+$0xFFFFFFC0] =	vst v2;
	p0 =	slt.u32 s1, $0x308  }
0x23: {  	[tilespmem:s0+$0x30] =	vst v2  }
.Ltmp0:
0x24: {  	[tilespmem:s0+$0x20] =	vst v2;
	(pc) =	sbr.rel @p0 .LBB2_2-.Ltmp0, $4  }
0x25: {  	[tilespmem:s0+$0x10] =	vst v2  }
0x26: {  	[tilespmem:s0+$0x0] =	vst v2  }
0x27: {  	[tilespmem:s0+$0xFFFFFFF0] =	vst v2  }
0x28: {  	[tilespmem:s0+$0xFFFFFFE0] =	vst v2  }
0x29: {  	[tilespmem:s0+$0xFFFFFFD0] =	vst v2  }
0x2a: {  	s31 =	simm.s32 $0x2001;
	_ =	strace $0x90000048  }
0x2b: {  	s2 =	simm.s32 $0x0;
	_ =	strace $0x80000049;
	[dreg:$0x15] =	wrdreg s31  }
0x2c: {  	s1 =	simm.s32 $0x3100;
	s4 =	simm.s32 $0xF1;
	s30 =	rddreg [dreg:$0x7]  }
0x2d: {  	[tilespmem:s1], [sflag:$0x1] =	stream.linear.gather [hbm4b:s30+s2], $0x2000, $0x200038;
	[tilespmem:$0x13480] =	vst v63  }
.LBB2_4:
0x2e: {  	s1 =	sshll.u32 s2, $0xB;
	s0 =	rddreg [dreg:$0x7]  }
0x2f: {  	[dreg:$0x13] =	wrdreg s2;
	s15 =	simm.s32 $0x5100;
	s0 =	sadd.s32 s1, s0  }
0x30: {  	s16 =	simm.s32 $0x1;
	[dreg:$0x16] =	wrdreg s1;
	s0 =	sadd.s32 $0x400, s0  }
0x31: {  	[tilespmem:s15], [sflag:$0x2] =	stream.linear.gather [hbm4b:s0+s7], $0x2000, $0x200038;
	[tilespmem:$0x13480] =	vst v63  }
0x32: {  	_ =	swait.ge [sflag:s16], $0x2000  }
0x33: {  	[sflag:s16] =	ssyncset.done $0x0  }
0x34: {  	s17 =	simm.s32 $0x3180;
	[sflag:s16] =	ssyncadd.s32 $0xFFFFE000  }
0x35: {  	v20 =	vld [tilespmem:s17+$0x70]  }
0x36: {  	v15 =	vld [tilespmem:s17+$0xFFFFFF90]  }
0x37: {  	v16 =	vld [tilespmem:s17+$0xFFFFFFA0]  }
0x38: {  	v17 =	vld [tilespmem:s17+$0xFFFFFFB0];
	_ =	sdelay $0x1  }
0x39: {  	v2 =	vimm.s32 $0x0;
	v21 =	vld [tilespmem:s17+$0xFFFFFFD0]  }
0x3a: {  	v12 =	vld [tilespmem:s17+$0xFFFFFFE0];
	vm0 =	vge.s32 v20, v0;
	vm1 =	vlt.s32 v20, v1;
	vm2 =	vge.s32 v15, v0  }
0x3b: {  	vm3 =	vlt.s32 v15, v1;
	vm4 =	vge.s32 v16, v0;
	vm0 =	vmand vm0, vm1  }
0x3c: {  	v19 =	vld [tilespmem:s17+$0xFFFFFFC0];
	vm5 =	vlt.s32 v16, v1;
	vm6 =	vlt.s32 v17, v1;
	v2 =	vsel vm0, $0xFFFFFFFF, v2  }
0x3d: {  	v6 =	vsel vm0, $0x3F800000, v3;
	vm0 =	vmand vm2, vm3;
	[tilespmem:$0x1FF70] =	vst v2;
	v2 =	vimm.s32 $0x0  }
0x3e: {  	vm7 =	vlt.s32 v21, v1;
	vm3 =	vge.s32 v17, v0;
	(xrf0) =	vmax.scan.msk.f32 $0xffff, v6;
	v18 =	vld [tilespmem:s17+$0xFFFFFF80];
	v2 =	vsel vm0, $0xFFFFFFFF, v2  }
0x3f: {  	vm8 =	vge.s32 v12, v0;
	vm2 =	vmand vm3, vm6;
	v11 =	vld [tilespmem:s17+$0xFFFFFFF0];
	[tilespmem:$0x1FF80] =	vst v2;
	v2 =	vimm.s32 $0x0  }
0x40: {  	vm9 =	vlt.s32 v12, v1;
	vm1 =	vmand vm4, vm5;
	v2 =	vsel vm2, $0xFFFFFFFF, v2  }
0x41: {  	vm4 =	vge.s32 v19, v0;
	vm5 =	vlt.s32 v19, v1;
	vm6 =	vge.s32 v21, v0;
	v9 =	vld [tilespmem:s17+$0x0];
	[tilespmem:$0x1FF90] =	vst v2  }
0x42: {  	vm4 =	vmand vm4, vm5;
	vm5 =	vmand vm6, vm7;
	v22 =	vsel vm2, $0x3F800000, v3;
	v10 =	vld [tilespmem:s17+$0x10]  }
0x43: {  	v2 =	vimm.s32 $0x0;
	v7 =	vld [tilespmem:s17+$0x20];
	vm6 =	vge.s32 v18, v0;
	vm7 =	vlt.s32 v18, v1  }
0x44: {  	v8 =	vld [tilespmem:s17+$0x30];
	vm10 =	vge.s32 v11, v0;
	vm11 =	vlt.s32 v11, v1;
	v13, _, _ =	vpop (xrf0);
	vm6 =	vmand vm6, vm7  }
0x45: {  	vm7 =	vmand vm8, vm9;
	(v2sf) =	vpush v13, $0xF;
	v13 =	vsel vm0, $0x3F800000, v3  }
0x46: {  	v6 =	vld [tilespmem:s17+$0x40];
	vm9 =	vge.s32 v9, v0;
	v14 =	vsel vm6, $0x3F800000, v3;
	vm12 =	vlt.s32 v9, v1  }
0x47: {  	vm8 =	vmand vm10, vm11;
	(xrf0) =	vmax.scan.msk.f32 $0xffff, v14;
	v14 =	vsel vm1, $0x3F800000, v3;
	vm9 =	vmand vm9, vm12  }
0x48: {  	vm10 =	vge.s32 v10, v0;
	vm11 =	vlt.s32 v10, v1;
	vm13 =	vge.s32 v7, v0  }
0x49: {  	(xrf0) =	vmax.scan.msk.f32 $0xffff, v13;
	vm14 =	vlt.s32 v7, v1;
	vm15 =	vge.s32 v8, v0;
	vm0 =	vlt.s32 v8, v1  }
0x4a: {  	(xrf0) =	vmax.scan.msk.f32 $0xffff, v14;
	v14 =	vsel vm4, $0x3F800000, v3;
	vm10 =	vmand vm10, vm11;
	vm2 =	vmand vm13, vm14  }
0x4b: {  	v13 =	vld [tilespmem:s17+$0x50];
	vm11 =	vge.s32 v6, v0;
	vm12 =	vmand vm15, vm0;
	(xrf0) =	vmax.scan.msk.f32 $0xffff, v22;
	v2 =	vsel vm2, $0xFFFFFFFF, v2  }
0x4c: {  	v22 =	vsel vm5, $0x3F800000, v3;
	(xrf0) =	vmax.scan.msk.f32 $0xffff, v14;
	v14 =	vld [tilespmem:s17+$0x60];
	[tilespmem:$0x1FF40] =	vst v2;
	v2 =	vimm.s32 $0x0  }
0x4d: {  	vm14 =	vlt.s32 v6, v1;
	(xrf0) =	vmax.scan.msk.f32 $0xffff, v22;
	v22 =	vsel vm8, $0x3F800000, v3;
	v2 =	vsel vm12, $0xFFFFFFFF, v2  }
0x4e: {  	v23 =	vsel vm7, $0x3F800000, v3;
	vm13 =	vmand vm11, vm14;
	v24, _, _ =	vpop (xrf0);
	[tilespmem:$0x1FF50] =	vst v2;
	v2 =	vimm.s32 $0x0  }
0x4f: {  	(xrf0) =	vmax.scan.msk.f32 $0xffff, v23;
	(v2sf) =	vpush v24, $0xF;
	v24, _, _ =	vpop (xrf0);
	v2 =	vsel vm13, $0xFFFFFFFF, v2  }
0x50: {  	(xrf0) =	vmax.scan.msk.f32 $0xffff, v22;
	(v2sf) =	vpush v24, $0xF;
	v22, _, _ =	vpop (xrf0);
	[tilespmem:$0x1FF60] =	vst v2;
	v2 =	vld [tilespmem:$0x1FF70]  }
0x51: {  	(v2sf) =	vpush v22, $0xF  }
0x52: {  	v23 =	vsel vm9, $0x3F800000, v3;
	v22, _, _ =	vpop (xrf0)  }
0x53: {  	(xrf0) =	vmax.scan.msk.f32 $0xffff, v23;
	v23 =	vsel vm10, $0x3F800000, v3;
	(v2sf) =	vpush v22, $0xF  }
0x54: {  	v24 =	vsel vm2, $0x3F800000, v3;
	(xrf0) =	vmax.scan.msk.f32 $0xffff, v23;
	v22, _, _ =	vpop (xrf0)  }
0x55: {  	(xrf0) =	vmax.scan.msk.f32 $0xffff, v24;
	v24 =	vsel vm13, $0x3F800000, v3;
	(v2sf) =	vpush v22, $0xF;
	v22, _, _ =	vpop (xrf0);
	vm13 =	vnez.u8 v2;
	v2 =	vld [tilespmem:$0x1FF80]  }
0x56: {  	(v2sf) =	vpush v22, $0xF  }
0x57: {  	vm0 =	vge.s32 v13, v0;
	vm11 =	vlt.s32 v13, v1;
	v22, _, _ =	vpop (xrf0)  }
0x58: {  	vm3 =	vmand vm0, vm11;
	v23 =	vsel vm12, $0x3F800000, v3;
	(v2sf) =	vpush v22, $0xF;
	v22, _, _ =	vpop (xrf0)  }
0x59: {  	vm0 =	vge.s32 v14, v0;
	vm15 =	vlt.s32 v14, v1;
	(xrf0) =	vmax.scan.msk.f32 $0xffff, v23;
	(v2sf) =	vpush v22, $0xF  }
0x5a: {  	vm15 =	vmand vm0, vm15;
	v23 =	vsel vm3, $0x3F800000, v3;
	(xrf0) =	vmax.scan.msk.f32 $0xffff, v24;
	s18 =	spop (v2sf);
	vm0 =	vnez.u8 v2;
	v2 =	vld [tilespmem:$0x1FF90]  }
0x5b: {  	vm14 =	vmmov vm1;
	vm11 =	vmmov vm7;
	vm7 =	vmmov vm9;
	(xrf0) =	vmax.scan.msk.f32 $0xffff, v23;
	v22, _, _ =	vpop (xrf0);
	p0 =	sgt.f32 s18, $0.0e+00  }
0x5c: {  	vm12 =	vmmov vm5;
	v24 =	vsel vm15, $0x3F800000, v3;
	(v2sf) =	vpush v22, $0xF;
	v22, _, _ =	vpop (xrf0)  }
0x5d: {  	vm3 =	vmmov vm3;
	(xrf0) =	vmax.scan.msk.f32 $0xffff, v24;
	(v2sf) =	vpush v22, $0xF;
	v22, _, _ =	vpop (xrf0);
	v20 =	vsub.s32 @p0 v20, v0  }
0x5e: {  	s1 =	simm.s32 $0x0;
	(v2sf) =	vpush v22, $0xF;
	v23 =	vnsel @p0 vm13, $0x0, v20;
	v20 =	vlaneseq.u32 @p0;
	s19 =	spop (v2sf)  }
0x5f: {  	s15 =	simm.s32 $0x3280;
	v22, _, _ =	vpop (xrf0);
	vm2 =	vmmov vm0;
	vm0 =	vnez.u8 v2;
	v2 =	vimm.s32 $0x0;
	p1 =	sgt.f32 s19, $0.0e+00;
	s20 =	spop (v2sf)  }
0x60: {  	vm5 =	vmmov vm15;
	s2 =	simm.s32 @p0 $0x0;
	(v2sf) =	vpush v22, $0xF;
	v22, _, _ =	vpop (xrf0);
	v2 =	vsel vm3, $0xFFFFFFFF, v2;
	p4 =	sgt.f32 s20, $0.0e+00;
	s21 =	spop (v2sf)  }
0x61: {  	v24 =	vadd.s32 @p0 s4, v20;
	(v2sf) =	vpush v22, $0xF;
	v20, _, _ =	vpop (xrf0);
	[tilespmem:$0x1FFA0] =	vst v2;
	v2 =	vimm.s32 $0x0;
	s18 =	sadd.s32 @p1 $0xFFFFFF10, s4;
	p2 =	sgt.f32 s21, $0.0e+00;
	s3 =	simm.s32 @!p1 $0x0  }
0x62: {  	(v2sf) =	vpush v20, $0xF;
	vm1 =	vmmov vm0;
	s22 =	spop (v2sf);
	v2 =	vsel vm5, $0xFFFFFFFF, v2;
	s3 =	simm.s32 @p1 $0x1;
	s28 =	sadd.s32 @p4 $0xFFFFFF20, s4  }
0x63: {  	v20, _, _ =	vpop (xrf0);
	vm0 =	vmmov vm4;
	vm4 =	vmmov vm6;
	p3 =	sgt.f32 s22, $0.0e+00;
	[tilespmem:$0x1FFB0] =	vst v2;
	v2 =	vimm.s32 $0x0;
	[smem:$0x7F9] =	sst s3;
	s3 =	simm.s32 @!p4 $0x0  }
0x64: {  	vm9 =	vmmov vm10;
	(v2sf) =	vpush v20, $0xF;
	s23 =	spop (v2sf);
	s29 =	sadd.s32 @p2 $0xFFFFFF30, s4;
	v2 =	vsel vm4, $0xFFFFFFFF, v2;
	s3 =	simm.s32 @p4 $0x1  }
0x65: {  	vm3 =	vmmov vm8;
	v15 =	vsub.s32 @p4 v15, v0;
	s24 =	spop (v2sf);
	[tilespmem:$0x1FFC0] =	vst v2;
	v2 =	vimm.s32 $0x0;
	[smem:$0x7FA] =	sst s3;
	s3 =	simm.s32 @!p2 $0x0  }
0x66: {  	v25 =	vlaneseq.u32 @p4;
	v15 =	vnsel @p4 vm2, $0x0, v15;
	p4 =	sgt.f32 s23, $0.0e+00;
	s30 =	sadd.s32 @p3 $0xFFFFFF40, s4;
	v2 =	vsel vm2, $0xFFFFFFFF, v2;
	s3 =	simm.s32 @p2 $0x1  }
0x67: {  	v18 =	vsub.s32 @p1 v18, v0;
	v16 =	vsub.s32 @p2 v16, v0;
	s25 =	spop (v2sf);
	[tilespmem:$0x1FFD0] =	vst v2;
	v2 =	vimm.s32 $0x0;
	[smem:$0x7FB] =	sst s3;
	s3 =	simm.s32 @!p3 $0x0  }
0x68: {  	v27 =	vlaneseq.u32 @p2;
	v16 =	vnsel @p2 vm14, $0x0, v16;
	s26 =	spop (v2sf);
	p2 =	sgt.f32 s24, $0.0e+00;
	v2 =	vsel vm14, $0xFFFFFFFF, v2;
	s3 =	simm.s32 @p3 $0x1  }
0x69: {  	vm15 =	vmmov vm1;
	v20 =	vlaneseq.u32 @p1;
	v18 =	vnsel @p1 vm4, $0x0, v18;
	p6 =	sgt.f32 s25, $0.0e+00;
	s0 =	simm.s32 @!p4 $0x0;
	[tilespmem:$0x1FFE0] =	vst v2;
	[smem:$0x7FC] =	sst s3  }
0x6a: {  	v28 =	vlaneseq.u32 @p3;
	v17 =	vsub.s32 @p3 v17, v0;
	vm4 =	vmmov vm0;
	s31 =	sadd.s32 @p4 $0xFFFFFF50, s4;
	s0 =	simm.s32 @p4 $0x1;
	p5 =	por p2, p2;
	[tilespmem:v23+s2+$0x0] =	vst.idx.msk @p0 vm13, v24  }
0x6b: {  	v17 =	vnsel @p3 vm1, $0x0, v17;
	v29 =	vlaneseq.u32 @p4;
	v19 =	vsub.s32 @p4 v19, v0;
	p0 =	por p6, p6;
	s2 =	spop (v2sf);
	[smem:$0x7FD] =	sst s0  }
0x6c: {  	v19 =	vnsel @p4 vm0, $0x0, v19;
	v30 =	vlaneseq.u32 @p2;
	v21 =	vsub.s32 @p2 v21, v0;
	p6 =	sgt.f32 s26, $0.0e+00;
	[dreg:$0x14] =	wrdreg s4;
	s0 =	smov.u32 s4  }
.LBB2_5:
0x6d: {  	v2 =	vimm.s32 $0x0  }
0x6e: {  	v2 =	vsel vm4, $0xFFFFFFFF, v2  }
0x6f: {  	[tilespmem:$0x1FE90] =	vst v2;
	v2 =	vimm.s32 $0x0  }
0x70: {  	v2 =	vsel vm9, $0xFFFFFFFF, v2  }
0x71: {  	[tilespmem:$0x1FF20] =	vst v2;
	v2 =	vimm.s32 $0x0  }
0x72: {  	v2 =	vsel vm7, $0xFFFFFFFF, v2  }
0x73: {  	[tilespmem:$0x1FF00] =	vst v2;
	v2 =	vimm.s32 $0x0  }
0x74: {  	v2 =	vsel vm15, $0xFFFFFFFF, v2  }
0x75: {  	[tilespmem:$0x1FE80] =	vst v2;
	v2 =	vimm.s32 $0x0  }
0x76: {  	v2 =	vsel vm3, $0xFFFFFFFF, v2  }
0x77: {  	[tilespmem:$0x1FEE0] =	vst v2;
	v2 =	vimm.s32 $0x0  }
0x78: {  	v2 =	vsel vm12, $0xFFFFFFFF, v2  }
0x79: {  	[tilespmem:$0x1FEC0] =	vst v2;
	v2 =	vld [tilespmem:$0x1FF40];
	_ =	sdelay $0x4  }
0x7a: {  	vm0 =	vnez.u8 v2  }
0x7b: {  	v2 =	vimm.s32 $0x0;
	vm1 =	vmmov vm0  }
0x7c: {  	v2 =	vsel vm1, $0xFFFFFFFF, v2  }
0x7d: {  	[tilespmem:$0x1FE40] =	vst v2;
	v2 =	vld [tilespmem:$0x1FF50];
	_ =	sdelay $0x4  }
0x7e: {  	vm0 =	vnez.u8 v2  }
0x7f: {  	v2 =	vimm.s32 $0x0;
	vm1 =	vmmov vm0  }
0x80: {  	v2 =	vsel vm1, $0xFFFFFFFF, v2  }
0x81: {  	[tilespmem:$0x1FE50] =	vst v2;
	v2 =	vld [tilespmem:$0x1FF60];
	_ =	sdelay $0x3  }
0x82: {  	v38 =	vld [tilespmem:s15+$0x70]  }
0x83: {  	vm0 =	vnez.u8 v2  }
0x84: {  	v2 =	vimm.s32 $0x0;
	vm1 =	vmmov vm0  }
0x85: {  	v2 =	vsel vm1, $0xFFFFFFFF, v2  }
0x86: {  	[tilespmem:$0x1FE60] =	vst v2;
	v2 =	vimm.s32 $0x0  }
0x87: {  	vm0 =	vge.s32 v38, v0;
	vm1 =	vlt.s32 v38, v1;
	v2 =	vsel vm11, $0xFFFFFFFF, v2  }
0x88: {  	vm0 =	vmand vm0, vm1;
	[tilespmem:$0x1FED0] =	vst v2;
	v2 =	vimm.s32 $0x0  }
0x89: {  	v2 =	vsel vm0, $0xFFFFFFFF, v2  }
0x8a: {  	[tilespmem:$0x1FE70] =	vst v2;
	v2 =	vld [tilespmem:$0x1FFA0];
	_ =	sdelay $0x3  }
0x8b: {  	v31 =	vnsel @p5 vm12, $0x0, v21;
	v21 =	vld [tilespmem:s15+$0xFFFFFF90]  }
0x8c: {  	s1 =	sadd.s32 $0x10, s1;
	s3 =	simm.s32 @!p5 $0x0;
	v22 =	vld [tilespmem:s15+$0xFFFFFFA0];
	vm1 =	vnez.u8 v2;
	v2 =	vimm.s32 $0x0  }
0x8d: {  	p3 =	sgt.f32 s2, $0.0e+00;
	v26 =	vld [tilespmem:s15+$0xFFFFFFD0];
	s3 =	simm.s32 @p5 $0x1;
	p2 =	slt.u32 s1, $0x1F0;
	v2 =	vsel vm1, $0xFFFFFFFF, v2  }
0x8e: {  	s23 =	spop (v2sf);
	[smem:$0x7F2] =	sst s3;
	s3 =	simm.s32 @!p2 $0x0;
	[tilespmem:$0x1FFA0] =	vst v2;
	v2 =	vld [tilespmem:$0x1FFB0]  }
0x8f: {  	v12 =	vsub.s32 @p0 v12, v0;
	v37 =	vlaneseq.u32 @p6;
	v11 =	vsub.s32 @p6 v11, v0;
	s3 =	simm.s32 @p2 $0x1;
	p2 =	por p6, p6;
	p6 =	sgt.f32 s23, $0.0e+00  }
0x90: {  	v32 =	vnsel @p0 vm11, $0x0, v12;
	v9 =	vsub.s32 @p3 v9, v0  }
0x91: {  	s24 =	spop (v2sf);
	v34 =	vnsel @p3 vm7, $0x0, v9;
	v33 =	vnsel @p2 vm3, $0x0, v11;
	v9 =	vsub.s32 @p6 v10, v0  }
0x92: {  	s6 =	sadd.s32 @p5 $0xFFFFFF60, s0;
	v12 =	vld [tilespmem:s15+$0xFFFFFFE0];
	p5 =	por p2, p2;
	p2 =	sgt.f32 s24, $0.0e+00;
	vm2 =	vge.s32 v21, v0;
	vm4 =	vge.s32 v22, v0;
	vm5 =	vlt.s32 v22, v1  }
0x93: {  	v23 =	vld [tilespmem:s15+$0xFFFFFFB0];
	vm6 =	vge.s32 v26, v0;
	vm1 =	vnez.u8 v2;
	v2 =	vimm.s32 $0x0  }
0x94: {  	v11 =	vld [tilespmem:s15+$0xFFFFFFF0];
	v45 =	vsub.s32 @p2 v7, v0;
	vm3 =	vlt.s32 v21, v1;
	v2 =	vsel vm1, $0xFFFFFFFF, v2  }
0x95: {  	v24 =	vld [tilespmem:s15+$0xFFFFFFC0];
	v7 =	vsel vm0, $0x3F800000, v3;
	vm0 =	vmand vm2, vm3;
	[tilespmem:$0x1FFB0] =	vst v2;
	v2 =	vimm.s32 $0x0  }
0x96: {  	vm7 =	vlt.s32 v26, v1;
	v35 =	vnsel @p6 vm9, $0x0, v9;
	v2 =	vsel vm0, $0xFFFFFFFF, v2  }
0x97: {  	vm8 =	vlt.s32 v12, v1;
	vm0 =	vmand vm4, vm5;
	[tilespmem:$0x1FE20] =	vst v2;
	v2 =	vimm.s32 $0x0  }
0x98: {  	vm2 =	vge.s32 v23, v0;
	vm3 =	vlt.s32 v23, v1;
	v2 =	vsel vm0, $0xFFFFFFFF, v2  }
0x99: {  	v9 =	vld [tilespmem:s15+$0x0];
	vm9 =	vlt.s32 v11, v1;
	vm0 =	vmand vm2, vm3;
	[tilespmem:$0x1FE30] =	vst v2;
	v2 =	vimm.s32 $0x0  }
0x9a: {  	vm4 =	vge.s32 v24, v0;
	vm5 =	vlt.s32 v24, v1;
	v2 =	vsel vm0, $0xFFFFFFFF, v2  }
0x9b: {  	v10 =	vld [tilespmem:s15+$0x10];
	vm15 =	vmand vm4, vm5;
	vm5 =	vge.s32 v12, v0;
	[tilespmem:$0x1FEA0] =	vst v2;
	v2 =	vimm.s32 $0x0  }
0x9c: {  	vm4 =	vmand vm6, vm7;
	vm6 =	vge.s32 v11, v0;
	v2 =	vsel vm15, $0xFFFFFFFF, v2  }
0x9d: {  	[smem:$0x7F8] =	sst s3;
	s3 =	simm.s32 @!p0 $0x0;
	vm7 =	vmand vm5, vm8;
	vm5 =	vmand vm6, vm9;
	[tilespmem:$0x1FEB0] =	vst v2;
	v2 =	vimm.s32 $0x0  }
0x9e: {  	s25 =	spop (v2sf);
	s3 =	simm.s32 @p0 $0x1;
	vm10 =	vlt.s32 v9, v1;
	vm8 =	vge.s32 v9, v0;
	v2 =	vsel vm5, $0xFFFFFFFF, v2  }
0x9f: {  	v36 =	vlaneseq.u32 @p0;
	[smem:$0x7F3] =	sst s3;
	s3 =	sadd.s32 @p0 $0xFFFFFF70, s0;
	p0 =	sgt.f32 s25, $0.0e+00;
	vm8 =	vmand vm8, vm10;
	[tilespmem:$0x1FEF0] =	vst v2;
	v2 =	vimm.s32 $0x0  }
0xa0: {  	v47 =	vld [tilespmem:s15+$0x40];
	vm6 =	vge.s32 v10, v0;
	vm9 =	vlt.s32 v10, v1;
	v2 =	vsel vm8, $0xFFFFFFFF, v2  }
0xa1: {  	v46 =	vsub.s32 @p0 v8, v0;
	v8 =	vld [tilespmem:s15+$0x30];
	vm6 =	vmand vm6, vm9;
	[tilespmem:$0x1FF10] =	vst v2;
	v2 =	vimm.s32 $0x0  }
0xa2: {  	v44 =	vld [tilespmem:s15+$0x60];
	v2 =	vsel vm6, $0xFFFFFFFF, v2  }
0xa3: {  	[tilespmem:$0x1FF30] =	vst v2;
	v2 =	vld [tilespmem:$0x1FE20];
	_ =	sdelay $0x1  }
0xa4: {  	vm14 =	vlt.s32 v47, v1;
	(xrf0) =	vmax.scan.msk.f32 $0xffff, v7;
	v7 =	vld [tilespmem:s15+$0x20]  }
0xa5: {  	s8 =	sld [smem:$0x7F9];
	v43 =	vld [tilespmem:s15+$0x50];
	vm13 =	vlt.s32 v8, v1;
	vm10 =	vge.s32 v8, v0;
	vm9 =	vge.s32 v47, v0  }
0xa6: {  	s9 =	sld [smem:$0x7FA];
	v42 =	vld [tilespmem:s15+$0xFFFFFF80];
	s4 =	simm.s32 @!p3 $0x0;
	vm1 =	vmand vm10, vm13;
	vm13 =	vge.s32 v44, v0;
	vm10 =	vlt.s32 v44, v1  }
0xa7: {  	s10 =	sld [smem:$0x7FD];
	s4 =	simm.s32 @p3 $0x1;
	s26 =	spop (v2sf);
	vm14 =	vmand vm9, vm14;
	vm9 =	vmand vm13, vm10;
	vm10 =	vnez.u8 v2;
	v2 =	vld [tilespmem:$0x1FE30]  }
0xa8: {  	p1 =	seq.s32 s8, $0x1;
	[smem:$0x7EF] =	sst s4;
	p4 =	sgt.f32 s26, $0.0e+00  }
0xa9: {  	s5 =	spop (v2sf);
	s2 =	simm.s32 @!p1 $0x0;
	s21 =	sadd.s32 @p5 $0xFFFFFF80, s0;
	vm11 =	vge.s32 v7, v0;
	vm12 =	vlt.s32 v7, v1  }
0xaa: {  	v39 =	vlaneseq.u32 @p3;
	s4 =	simm.s32 @!p5 $0x0;
	s7 =	spop (v2sf);
	s2 =	simm.s32 @p1 $0x1;
	vm2 =	vmand vm11, vm12;
	vm3 =	vge.s32 v43, v0  }
0xab: {  	s4 =	simm.s32 @p5 $0x1;
	p5 =	por p2, p2;
	[smem:$0x7F9] =	sst s2;
	vm12 =	vlt.s32 v43, v1;
	vm11 =	vge.s32 v42, v0;
	vm0 =	vlt.s32 v42, v1  }
0xac: {  	s25 =	sadd.s32 @p3 $0xFFFFFF90, s0;
	p3 =	sgt.f32 s5, $0.0e+00;
	s5 =	sld [smem:$0x7FB];
	vm11 =	vmand vm11, vm0;
	vm0 =	vmand vm3, vm12;
	vm12 =	vnez.u8 v2;
	v2 =	vld [tilespmem:$0x1FEA0]  }
0xad: {  	[smem:$0x7EE] =	sst s4;
	s4 =	simm.s32 @!p6 $0x0;
	s26 =	sadd.s32 @p5 $0xFFFFFFB0, s0  }
0xae: {  	v41 =	vlaneseq.u32 @p2;
	p2 =	por p0, p0;
	s4 =	simm.s32 @p6 $0x1;
	p0 =	por p5, p5  }
0xaf: {  	[smem:$0x7F4] =	sst s4;
	s4 =	simm.s32 @p1 $0x0;
	p1 =	seq.s32 s9, $0x1  }
0xb0: {  	p5 =	sgt.f32 s7, $0.0e+00;
	s7 =	sld [smem:$0x7FC];
	s2 =	simm.s32 @!p1 $0x0  }
0xb1: {  	s14 =	simm.s32 @p1 $0x0;
	s2 =	simm.s32 @p1 $0x1;
	p1 =	seq.s32 s5, $0x1;
	vm3 =	vnez.u8 v2;
	v2 =	vimm.s32 $0x0  }
0xb2: {  	s11 =	sld [smem:$0x7F2];
	s5 =	simm.s32 @!p1 $0x0;
	v2 =	vsel vm2, $0xFFFFFFFF, v2  }
0xb3: {  	s8 =	sld [smem:$0x7F3];
	s5 =	simm.s32 @p1 $0x1;
	[tilespmem:$0x1FF40] =	vst v2;
	v2 =	vimm.s32 $0x0  }
0xb4: {  	[smem:$0x7FB] =	sst s5;
	s5 =	simm.s32 @p1 $0x0;
	p1 =	seq.s32 s7, $0x1;
	v2 =	vsel vm1, $0xFFFFFFFF, v2  }
0xb5: {  	s16 =	sld [smem:$0x7EE];
	s7 =	simm.s32 @!p1 $0x0;
	[tilespmem:$0x1FF50] =	vst v2;
	v2 =	vimm.s32 $0x0  }
0xb6: {  	s19 =	simm.s32 @p1 $0x0;
	s7 =	simm.s32 @p1 $0x1;
	p1 =	seq.s32 s10, $0x1;
	v48, _, _ =	vpop (xrf0);
	v2 =	vsel vm14, $0xFFFFFFFF, v2  }
0xb7: {  	[smem:$0x7FC] =	sst s7;
	s7 =	simm.s32 @!p1 $0x0;
	(v2sf) =	vpush v48, $0xF;
	[tilespmem:$0x1FF60] =	vst v2;
	v2 =	vld [tilespmem:$0x1FE40]  }
0xb8: {  	s22 =	simm.s32 @p1 $0x0;
	s7 =	simm.s32 @p1 $0x1;
	p1 =	seq.s32 s11, $0x1  }
0xb9: {  	[smem:$0x7FD] =	sst s7;
	s7 =	simm.s32 @p1 $0x0;
	p1 =	seq.s32 s8, $0x1  }
0xba: {  	s20 =	simm.s32 @p1 $0x0;
	p1 =	seq.s32 s16, $0x1;
	s16 =	simm.s32 @!p0 $0x0  }
0xbb: {  	s16 =	simm.s32 @p0 $0x1  }
0xbc: {  	[smem:$0x7F0] =	sst s16;
	s16 =	simm.s32 @p4 $0x0;
	vm13 =	vnez.u8 v2;
	v2 =	vld [tilespmem:$0x1FE50]  }
0xbd: {  	[dreg:$0x6] =	wrdreg s16;
	s16 =	simm.s32 @!p3 $0x0  }
0xbe: {  	s16 =	simm.s32 @p3 $0x1;
	v62 =	vsel vm11, $0x3F800000, v3  }
0xbf: {  	[smem:$0x7F6] =	sst s16;
	s16 =	simm.s32 @p3 $0x0;
	(xrf0) =	vmax.scan.msk.f32 $0xffff, v62;
	v49 =	vsel vm10, $0x3F800000, v3  }
0xc0: {  	[dreg:$0x5] =	wrdreg s16;
	s16 =	simm.s32 @p5 $0x0;
	(xrf0) =	vmax.scan.msk.f32 $0xffff, v49;
	v50 =	vsel vm12, $0x3F800000, v3  }
0xc1: {  	[dreg:$0x3] =	wrdreg s16;
	s16 =	simm.s32 @!p2 $0x0;
	v56 =	vsel vm6, $0x3F800000, v3;
	(xrf0) =	vmax.scan.msk.f32 $0xffff, v50;
	v51 =	vsel vm3, $0x3F800000, v3;
	vm6 =	vnez.u8 v2;
	v2 =	vld [tilespmem:$0x1FE60]  }
0xc2: {  	s17 =	sld [smem:$0x7EF];
	s16 =	simm.s32 @p2 $0x1;
	v52 =	vsel vm15, $0x3F800000, v3;
	(xrf0) =	vmax.scan.msk.f32 $0xffff, v51  }
0xc3: {  	[smem:$0x7F1] =	sst s16;
	s16 =	simm.s32 @!p4 $0x0;
	v53 =	vsel vm4, $0x3F800000, v3;
	(xrf0) =	vmax.scan.msk.f32 $0xffff, v52  }
0xc4: {  	[smem:$0x7FA] =	sst s2;
	s16 =	simm.s32 @p4 $0x1;
	v48 =	vsel vm7, $0x3F800000, v3;
	v54 =	vsel vm5, $0x3F800000, v3;
	(xrf0) =	vmax.scan.msk.f32 $0xffff, v53  }
0xc5: {  	s23 =	sadd.s32 @p6 $0xFFFFFFA0, s0;
	s13 =	sadd.s32 @p4 $0xFFFFFFD0, s0;
	[smem:$0x7F5] =	sst s16;
	v55 =	vsel vm8, $0x3F800000, v3;
	v51 =	vsub.s32 @p4 v6, v0;
	v6 =	vmov v47;
	v47, _, _ =	vpop (xrf0);
	(xrf0) =	vmax.scan.msk.f32 $0xffff, v48  }
0xc6: {  	s24 =	sadd.s32 @p3 $0xFFFFFFE0, s0;
	s16 =	spop (v2sf);
	(v2sf) =	vpush v47, $0xF;
	v49 =	vnsel @p0 vm13, $0x0, v45;
	v45, _, _ =	vpop (xrf0);
	(xrf0) =	vmax.scan.msk.f32 $0xffff, v54;
	vm8 =	vnez.u8 v2;
	v2 =	vld [tilespmem:$0x1FFA0];
	[smem:$0x7ED] =	sst s0  }
0xc7: {  	s12 =	sadd.s32 @p2 $0xFFFFFFC0, s0;
	s2 =	sadd.s32 @p5 $0xFFFFFFF0, s0;
	s0 =	sld [smem:$0x7F9]  }
0xc8: {  	_ = 	snop  }
0xc9: {  	s11 =	simm.s32 @p1 $0x0;
	p1 =	seq.s32 s17, $0x1  }
0xca: {  	s8 =	simm.s32 @p1 $0x0;
	p1 =	seq.s32 s0, $0x1;
	s0 =	sld [smem:$0x7ED]  }
0xcb: {  	_ =	sdelay $0x1  }
0xcc: {  	[smem:$0x7ED] =	sst s0  }
0xcd: {  	s0 =	sld [smem:$0x7FD];
	_ =	sdelay $0x2  }
0xce: {  	v53 =	vlaneseq.u32 @p4;
	v47 =	vnsel @p4 vm8, $0x0, v51;
	p4 =	seq.s32 s0, $0x1;
	s0 =	sld [smem:$0x7ED];
	_ =	sdelay $0x2  }
0xcf: {  	[smem:$0x7ED] =	sst s0  }
0xd0: {  	s0 =	sld [smem:$0x7FC];
	_ =	sdelay $0x1  }
0xd1: {  	v13 =	vsub.s32 @p3 v13, v0;
	vm3 =	vnez.u8 v2  }
0xd2: {  	v61 =	vlaneseq.u32 @p3;
	v48 =	vnsel @p2 vm6, $0x0, v46;
	v46 =	vnsel @p3 vm3, $0x0, v13;
	p3 =	seq.s32 s0, $0x1;
	s0 =	sld [smem:$0x7ED];
	_ =	sdelay $0x2  }
0xd3: {  	[smem:$0x7ED] =	sst s0  }
0xd4: {  	s0 =	sld [smem:$0x7FB];
	_ =	sdelay $0x2  }
0xd5: {  	s17 =	simm.s32 @p2 $0x0;
	v52 =	vlaneseq.u32 @p2;
	p2 =	seq.s32 s0, $0x1;
	s0 =	sld [smem:$0x7ED]  }
0xd6: {  	_ =	sdelay $0x1  }
0xd7: {  	[smem:$0x7ED] =	sst s0  }
0xd8: {  	s0 =	sld [smem:$0x7FA];
	_ =	sdelay $0x2  }
0xd9: {  	s9 =	simm.s32 @p0 $0x0;
	p0 =	seq.s32 s0, $0x1;
	s0 =	sld [smem:$0x7ED];
	v2 =	vld [tilespmem:$0x1FFB0]  }
0xda: {  	_ =	sdelay $0x3  }
0xdb: {  	vm5 =	vnez.u8 v2;
	v2 =	vld [tilespmem:$0x1FE70];
	_ =	sdelay $0x4  }
0xdc: {  	v57 =	vsel vm2, $0x3F800000, v3;
	vm2 =	vnez.u8 v2;
	v2 =	vld [tilespmem:$0x1FFC0]  }
0xdd: {  	v40 =	vlaneseq.u32 @p6;
	s10 =	simm.s32 @p6 $0x0;
	p6 =	sgt.f32 s16, $0.0e+00;
	s16 =	simm.s32 @!p5 $0x0  }
0xde: {  	s16 =	simm.s32 @p5 $0x1;
	v20 =	vadd.s32 @p1 s18, v20;
	s18 =	sld [smem:$0x7F2]  }
0xdf: {  	[smem:$0x7F7] =	sst s16  }
0xe0: {  	v14 =	vsub.s32 @p5 v14, v0;
	v58 =	vsel vm1, $0x3F800000, v3;
	(v2sf) =	vpush v45, $0xF;
	s16 =	sld [smem:$0x7F3]  }
0xe1: {  	v45 =	vnsel @p5 vm5, $0x0, v14;
	v14 =	vadd.s32 @p0 s28, v25;
	p0 =	seq.s32 s18, $0x1;
	s18 =	sld [smem:$0x7EE];
	vm1 =	vnez.u8 v2  }
0xe2: {  	v2 =	vld [tilespmem:$0x1FFD0]  }
0xe3: {  	v30 =	vadd.s32 @p0 s6, v30;
	p0 =	seq.s32 s16, $0x1  }
0xe4: {  	s6 =	sld [smem:$0x7F4];
	v36 =	vadd.s32 @p0 s3, v36;
	p0 =	seq.s32 s18, $0x1  }
0xe5: {  	v37 =	vadd.s32 @p0 s21, v37;
	s21 =	sld [smem:$0x7EF];
	_ =	sdelay $0x1  }
0xe6: {  	[tilespmem:v18+s4+$0x0] =	vst.idx.msk @p1 vm1, v20;
	vm1 =	vnez.u8 v2  }
0xe7: {  	v29 =	vadd.s32 @p4 s31, v29;
	v13, _, _ =	vpop (xrf0);
	(xrf0) =	vmax.scan.msk.f32 $0xffff, v55;
	v25 =	vadd.s32 @p2 s29, v27;
	p4 =	seq.s32 s6, $0x1;
	p2 =	seq.s32 s21, $0x1;
	s21 =	sld [smem:$0x7F5];
	v2 =	vld [tilespmem:$0x1FFE0]  }
0xe8: {  	(v2sf) =	vpush v13, $0xF;
	v13, _, _ =	vpop (xrf0);
	(xrf0) =	vmax.scan.msk.f32 $0xffff, v56;
	v40 =	vadd.s32 @p4 s23, v40;
	s23 =	sld [smem:$0x7FA]  }
0xe9: {  	(v2sf) =	vpush v13, $0xF;
	v13, _, _ =	vpop (xrf0);
	(xrf0) =	vmax.scan.msk.f32 $0xffff, v57  }
0xea: {  	v50 =	vsel vm14, $0x3F800000, v3;
	(v2sf) =	vpush v13, $0xF;
	v13, _, _ =	vpop (xrf0);
	(xrf0) =	vmax.scan.msk.f32 $0xffff, v58;
	s16 =	sld [smem:$0x7F0];
	p1 =	seq.s32 s21, $0x1  }
0xeb: {  	(v2sf) =	vpush v13, $0xF;
	v13, _, _ =	vpop (xrf0);
	(xrf0) =	vmax.scan.msk.f32 $0xffff, v50;
	v50 =	vadd.s32 @p1 s13, v53;
	p1 =	seq.s32 s23, $0x1  }
0xec: {  	[tilespmem:v15+s14+$0x0] =	vst.idx.msk @p1 vm1, v14;
	vm1 =	vnez.u8 v2  }
0xed: {  	v27 =	vsub.s32 @p6 v38, v0;
	p4 =	seq.s32 s16, $0x1;
	v38 =	vadd.s32 @p2 s25, v39;
	s25 =	sld [smem:$0x7F6];
	v2 =	vld [tilespmem:$0x1FE80]  }
0xee: {  	v41 =	vadd.s32 @p4 s26, v41;
	s26 =	sld [smem:$0x7FB]  }
0xef: {  	v27 =	vnsel @p6 vm2, $0x0, v27  }
0xf0: {  	p1 =	seq.s32 s25, $0x1  }
0xf1: {  	v51 =	vadd.s32 @p1 s24, v61;
	p1 =	seq.s32 s26, $0x1  }
0xf2: {  	s0 =	sadd.s32 $0x100, s0;
	v39 =	vlaneseq.u32 @p6;
	[tilespmem:v16+s5+$0x0] =	vst.idx.msk @p1 vm1, v25;
	vm1 =	vnez.u8 v2  }
0xf3: {  	s3 =	simm.s32 @p6 $0x0;
	v39 =	vadd.s32 @p6 s0, v39;
	v2 =	vld [tilespmem:$0x1FE90]  }
0xf4: {  	[tilespmem:v27+s3+$0x0] =	vst.idx.msk @p6 vm2, v39;
	s3 =	sld [smem:$0x7FC];
	_ =	sdelay $0x2  }
0xf5: {  	v28 =	vadd.s32 @p3 s30, v28;
	p1 =	seq.s32 s3, $0x1  }
0xf6: {  	[tilespmem:v17+s19+$0x0] =	vst.idx.msk @p1 vm1, v28;
	vm1 =	vnez.u8 v2  }
0xf7: {  	v2 =	vld [tilespmem:$0x1FEA0]  }
0xf8: {  	s4 =	sld [smem:$0x7FD];
	_ =	sdelay $0x2  }
0xf9: {  	p1 =	seq.s32 s4, $0x1  }
0xfa: {  	[tilespmem:v19+s22+$0x0] =	vst.idx.msk @p1 vm1, v29;
	vm1 =	vnez.u8 v2;
	v2 =	vld [tilespmem:$0x1FEB0];
	_ =	sdelay $0x4  }
0xfb: {  	vm15 =	vmmov vm1;
	vm1 =	vnez.u8 v2;
	v2 =	vld [tilespmem:$0x1FEC0];
	_ =	sdelay $0x4  }
0xfc: {  	vm2 =	vmmov vm10;
	vm10 =	vmmov vm1;
	vm1 =	vnez.u8 v2  }
0xfd: {  	v2 =	vld [tilespmem:$0x1FED0]  }
0xfe: {  	s5 =	sld [smem:$0x7F2];
	_ =	sdelay $0x2  }
0xff: {  	p1 =	seq.s32 s5, $0x1  }
0x100: {  	[tilespmem:v31+s7+$0x0] =	vst.idx.msk @p1 vm1, v30;
	vm1 =	vnez.u8 v2;
	_ =	sdelay $0x1  }
0x101: {  	s7 =	sld [smem:$0x7F3];
	_ =	sdelay $0x2  }
0x102: {  	p1 =	seq.s32 s7, $0x1  }
0x103: {  	v2 =	vimm.s32 $0x0;
	[tilespmem:v32+s20+$0x0] =	vst.idx.msk @p1 vm1, v36;
	vm1 =	vmmov vm3;
	vm3 =	vmmov vm0  }
0x104: {  	v2 =	vsel vm3, $0xFFFFFFFF, v2  }
0x105: {  	[tilespmem:$0x1FFA0] =	vst v2;
	v2 =	vld [tilespmem:$0x1FEE0];
	_ =	sdelay $0x4  }
0x106: {  	v59 =	vsel vm0, $0x3F800000, v3;
	vm0 =	vnez.u8 v2  }
0x107: {  	v2 =	vld [tilespmem:$0x1FEF0];
	_ =	sdelay $0x2  }
0x108: {  	vm14 =	vmmov vm12  }
0x109: {  	vm12 =	vmmov vm4;
	vm4 =	vmmov vm11;
	vm11 =	vmmov vm7  }
0x10a: {  	vm7 =	vmmov vm9;
	[tilespmem:v33+s11+$0x0] =	vst.idx.msk @p0 vm0, v37;
	vm0 =	vnez.u8 v2;
	v2 =	vimm.s32 $0x0  }
0x10b: {  	v2 =	vsel vm7, $0xFFFFFFFF, v2  }
0x10c: {  	[tilespmem:$0x1FFB0] =	vst v2;
	v2 =	vld [tilespmem:$0x1FF00];
	_ =	sdelay $0x4  }
0x10d: {  	vm3 =	vmmov vm0;
	vm0 =	vmmov vm5;
	vm5 =	vnez.u8 v2  }
0x10e: {  	v2 =	vld [tilespmem:$0x1FF10];
	_ =	sdelay $0x4  }
0x10f: {  	s18 =	sld [smem:$0x7F1];
	[tilespmem:v34+s8+$0x0] =	vst.idx.msk @p2 vm5, v38;
	vm5 =	vnez.u8 v2;
	v2 =	vld [tilespmem:$0x1FF20];
	_ =	sdelay $0x1  }
0x110: {  	v60 =	vsel vm9, $0x3F800000, v3;
	(v2sf) =	vpush v13, $0xF;
	v13, _, _ =	vpop (xrf0);
	(xrf0) =	vmax.scan.msk.f32 $0xffff, v59;
	s6 =	spop (v2sf)  }
0x111: {  	(v2sf) =	vpush v13, $0xF;
	v13, _, _ =	vpop (xrf0);
	(xrf0) =	vmax.scan.msk.f32 $0xffff, v60;
	p6 =	seq.s32 s18, $0x1;
	p1 =	sgt.f32 s6, $0.0e+00  }
0x112: {  	(v2sf) =	vpush v13, $0xF;
	v13, _, _ =	vpop (xrf0);
	v39 =	vadd.s32 @p6 s12, v52;
	s12 =	spop (v2sf)  }
0x113: {  	(v2sf) =	vpush v13, $0xF;
	v13, _, _ =	vpop (xrf0);
	s16 =	sld [smem:$0x7F4];
	s3 =	simm.s32 @!p1 $0x0;
	p0 =	sgt.f32 s12, $0.0e+00;
	vm7 =	vmmov vm5;
	vm5 =	vnez.u8 v2  }
0x114: {  	(v2sf) =	vpush v13, $0xF;
	v13, _, _ =	vpop (xrf0);
	s13 =	spop (v2sf);
	s24 =	sld [smem:$0x7F6];
	s3 =	simm.s32 @p1 $0x1  }
0x115: {  	(v2sf) =	vpush v13, $0xF;
	v15, _, _ =	vpop (xrf0);
	[smem:$0x7F9] =	sst s3;
	s3 =	simm.s32 @!p0 $0x0;
	p2 =	sgt.f32 s13, $0.0e+00  }
0x116: {  	p3 =	seq.s32 s16, $0x1;
	(v2sf) =	vpush v15, $0xF;
	v15, _, _ =	vpop (xrf0);
	s22 =	sld [smem:$0x7F5];
	s3 =	simm.s32 @p0 $0x1  }
0x117: {  	s14 =	spop (v2sf);
	(v2sf) =	vpush v15, $0xF;
	v15, _, _ =	vpop (xrf0);
	[smem:$0x7FA] =	sst s3;
	s3 =	simm.s32 @!p2 $0x0;
	v2 =	vld [tilespmem:$0x1FF30]  }
0x118: {  	s26 =	sld [smem:$0x7F8];
	(v2sf) =	vpush v15, $0xF;
	s19 =	spop (v2sf);
	v15 =	vsub.s32 @p1 v42, v0;
	s3 =	simm.s32 @p2 $0x1  }
0x119: {  	v18 =	vnsel @p1 vm4, $0x0, v15;
	v15 =	vsub.s32 @p0 v21, v0;
	[smem:$0x7FB] =	sst s3;
	[tilespmem:v35+s10+$0x0] =	vst.idx.msk @p3 vm5, v40;
	p3 =	sgt.f32 s14, $0.0e+00  }
0x11a: {  	[tilespmem:v49+s9+$0x0] =	vst.idx.msk @p4 vm13, v41;
	s28 =	sadd.s32 @p0 $0xFFFFFF20, s0;
	v25 =	vlaneseq.u32 @p0;
	v15 =	vnsel @p0 vm2, $0x0, v15;
	p0 =	seq.s32 s22, $0x1;
	s3 =	rddreg [dreg:$0x6]  }
0x11b: {  	v62 =	vlaneseq.u32 @p5;
	p4 =	sgt.f32 s19, $0.0e+00;
	s20 =	spop (v2sf);
	v27 =	vlaneseq.u32 @p2;
	v16 =	vsub.s32 @p2 v22, v0;
	[tilespmem:v47+s3+$0x0] =	vst.idx.msk @p0 vm8, v50;
	s3 =	simm.s32 @!p3 $0x0  }
0x11c: {  	s29 =	sadd.s32 @p2 $0xFFFFFF30, s0;
	v16 =	vnsel @p2 vm14, $0x0, v16;
	p2 =	sgt.f32 s20, $0.0e+00;
	vm5 =	vnez.u8 v2;
	v2 =	vimm.s32 $0x0;
	s3 =	simm.s32 @p3 $0x1  }
0x11d: {  	v52 =	vadd.s32 @p5 s2, v62;
	s18 =	sadd.s32 @p1 $0xFFFFFF10, s0;
	v20 =	vlaneseq.u32 @p1;
	p1 =	seq.s32 s24, $0x1;
	v2 =	vsel vm4, $0xFFFFFFFF, v2;
	[smem:$0x7FC] =	sst s3  }
0x11e: {  	v30 =	vlaneseq.u32 @p2;
	p5 =	por p2, p2;
	v21 =	vsub.s32 @p2 v26, v0;
	p2 =	seq.s32 s26, $0x1;
	[tilespmem:$0x1FFC0] =	vst v2;
	v2 =	vimm.s32 $0x0;
	s3 =	rddreg [dreg:$0x5]  }
.Ltmp1:
0x11f: {  	s25 =	sld [smem:$0x7F7];
	v2 =	vsel vm2, $0xFFFFFFFF, v2;
	[tilespmem:v46+s3+$0x0] =	vst.idx.msk @p1 vm1, v51;
	s3 =	simm.s32 @!p4 $0x0;
	(pc) =	sbr.rel @p2 .LBB2_5-.Ltmp1, $4  }
0x120: {  	s15 =	sadd.s32 $0x100, s15;
	s21 =	spop (v2sf);
	[tilespmem:$0x1FFD0] =	vst v2;
	v2 =	vimm.s32 $0x0;
	s3 =	simm.s32 @p4 $0x1  }
0x121: {  	[tilespmem:v48+s17+$0x0] =	vst.idx.msk @p6 vm6, v39;
	s31 =	sadd.s32 @p4 $0xFFFFFF50, s0;
	v29 =	vlaneseq.u32 @p4;
	v19 =	vsub.s32 @p4 v24, v0;
	s23 =	spop (v2sf);
	v2 =	vsel vm14, $0xFFFFFFFF, v2;
	[smem:$0x7FD] =	sst s3  }
0x122: {  	v19 =	vnsel @p4 vm10, $0x0, v19;
	p6 =	sgt.f32 s23, $0.0e+00;
	vm9 =	vmmov vm5;
	v17 =	vsub.s32 @p3 v23, v0;
	p1 =	seq.s32 s25, $0x1;
	[tilespmem:$0x1FFE0] =	vst v2;
	s3 =	rddreg [dreg:$0x3]  }
0x123: {  	v13 =	vmovc v43;
	v14 =	vmovc v44;
	s2 =	spop (v2sf);
	p0 =	sgt.f32 s21, $0.0e+00;
	vm4 =	vmmov vm10;
	s30 =	sadd.s32 @p3 $0xFFFFFF40, s0;
	v28 =	vlaneseq.u32 @p3;
	v17 =	vnsel @p3 vm15, $0x0, v17;
	[tilespmem:v45+s3+$0x0] =	vst.idx.msk @p1 vm0, v52  }
0x124: {  	v2 =	vld [tilespmem:$0x1FF40];
	_ =	sdelay $0x4  }
0x125: {  	vm0 =	vnez.u8 v2;
	v2 =	vld [tilespmem:$0x1FF50];
	_ =	sdelay $0x4  }
0x126: {  	vm5 =	vmmov vm0;
	vm0 =	vnez.u8 v2;
	v2 =	vld [tilespmem:$0x1FF60];
	_ =	sdelay $0x4  }
0x127: {  	vm1 =	vmmov vm0;
	vm0 =	vnez.u8 v2;
	v2 =	vld [tilespmem:$0x1FFC0];
	_ =	sdelay $0x4  }
0x128: {  	vm2 =	vnez.u8 v2  }
0x129: {  	s4 =	sld [smem:$0x7F9];
	_ =	sdelay $0x1  }
0x12a: {  	s3 =	simm.s32 @!p6 $0x0  }
0x12b: {  	s3 =	simm.s32 @p6 $0x1;
	p1 =	seq.s32 s4, $0x1  }
0x12c: {  	[smem:$0x7EE] =	sst s3;
	v20 =	vadd.s32 @p1 s18, v20;
	s4 =	simm.s32 @p1 $0x0  }
0x12d: {  	[tilespmem:v18+s4+$0x0] =	vst.idx.msk @p1 vm2, v20  }
0x12e: {  	v2 =	vld [tilespmem:$0x1FFD0];
	_ =	sdelay $0x4  }
0x12f: {  	vm2 =	vnez.u8 v2  }
0x130: {  	p2 =	sgt.f32 s2, $0.0e+00;
	s5 =	sld [smem:$0x7FA]  }
0x131: {  	_ = 	snop  }
0x132: {  	s4 =	simm.s32 @!p2 $0x0  }
0x133: {  	s4 =	simm.s32 @p2 $0x1;
	p1 =	seq.s32 s5, $0x1  }
0x134: {  	[smem:$0x7E5] =	sst s4;
	v20 =	vadd.s32 @p1 s28, v25;
	s5 =	simm.s32 @p1 $0x0  }
0x135: {  	[tilespmem:v15+s5+$0x0] =	vst.idx.msk @p1 vm2, v20  }
0x136: {  	v2 =	vld [tilespmem:$0x1FFE0];
	_ =	sdelay $0x3  }
0x137: {  	s1 =	spop (v2sf)  }
0x138: {  	s24 =	spop (v2sf);
	vm2 =	vnez.u8 v2  }
0x139: {  	p3 =	sgt.f32 s1, $0.0e+00;
	s6 =	sld [smem:$0x7FB]  }
0x13a: {  	s25 =	spop (v2sf)  }
0x13b: {  	v9 =	vsub.s32 @p2 v9, v0;
	s26 =	spop (v2sf);
	s5 =	simm.s32 @!p3 $0x0  }
0x13c: {  	v9 =	vnsel @p2 vm7, $0x0, v9;
	s5 =	simm.s32 @p3 $0x1;
	s7 =	sld [smem:$0x7FD];
	p1 =	seq.s32 s6, $0x1  }
0x13d: {  	v10 =	vsub.s32 @p3 v10, v0;
	v18 =	vlaneseq.u32 @p2;
	p2 =	por p3, p3;
	[smem:$0x7E6] =	sst s5;
	v15 =	vadd.s32 @p1 s29, v27;
	s6 =	simm.s32 @p1 $0x0  }
0x13e: {  	v10 =	vnsel @p2 vm9, $0x0, v10;
	s9 =	sld [smem:$0x7FC];
	[tilespmem:v16+s6+$0x0] =	vst.idx.msk @p1 vm2, v15;
	v15 =	vlaneseq.u32 @p2;
	p2 =	sgt.f32 s26, $0.0e+00  }
0x13f: {  	_ = 	snop  }
0x140: {  	v21 =	vnsel @p5 vm12, $0x0, v21;
	s2 =	simm.s32 @!p2 $0x0  }
0x141: {  	v11 =	vsub.s32 @p6 v11, v0;
	p4 =	seq.s32 s9, $0x1;
	s2 =	simm.s32 @p2 $0x1  }
0x142: {  	v23 =	vlaneseq.u32 @p6;
	v11 =	vnsel @p6 vm3, $0x0, v11;
	p6 =	seq.s32 s7, $0x1;
	s3 =	simm.s32 @p4 $0x0;
	v16 =	vadd.s32 @p4 s30, v28;
	[smem:$0x7E7] =	sst s2  }
0x143: {  	s1 =	sadd.s32 @p5 $0xFFFFFF60, s0;
	[tilespmem:v17+s3+$0x0] =	vst.idx.msk @p4 vm15, v16;
	s3 =	simm.s32 @p6 $0x0;
	v17 =	vadd.s32 @p6 s31, v29  }
0x144: {  	s4 =	simm.s32 @p5 $0x0;
	[tilespmem:v19+s3+$0x0] =	vst.idx.msk @p6 vm4, v17;
	v17 =	vadd.s32 @p5 s1, v30  }
0x145: {  	v12 =	vsub.s32 @p0 v12, v0;
	s11 =	sld [smem:$0x7E7];
	[tilespmem:v21+s4+$0x0] =	vst.idx.msk @p5 vm12, v17  }
0x146: {  	v12 =	vnsel @p0 vm11, $0x0, v12;
	s12 =	sld [smem:$0x7EE]  }
0x147: {  	s8 =	spop (v2sf)  }
0x148: {  	s10 =	spop (v2sf);
	p4 =	seq.s32 s11, $0x1  }
0x149: {  	v22 =	vlaneseq.u32 @p0;
	s3 =	sadd.s32 @p0 $0xFFFFFF70, s0;
	v6 =	vsub.s32 @p4 v6, v0;
	p4 =	sgt.f32 s10, $0.0e+00;
	p6 =	seq.s32 s12, $0x1  }
0x14a: {  	s2 =	simm.s32 @p0 $0x0;
	v17 =	vadd.s32 @p0 s3, v22;
	s1 =	sadd.s32 @p6 $0xFFFFFF80, s0  }
0x14b: {  	[tilespmem:v12+s2+$0x0] =	vst.idx.msk @p0 vm11, v17;
	s3 =	simm.s32 @p6 $0x0;
	v12 =	vsub.s32 @p4 v14, v0;
	v14 =	vadd.s32 @p6 s1, v23  }
0x14c: {  	s2 =	sld [smem:$0x7E5];
	[tilespmem:v11+s3+$0x0] =	vst.idx.msk @p6 vm3, v14  }
0x14d: {  	v2 =	vld [tilespmem:$0x1FFA0];
	_ =	sdelay $0x3  }
0x14e: {  	p1 =	sgt.f32 s25, $0.0e+00;
	s13 =	sld [smem:$0x7E6]  }
0x14f: {  	p3 =	sgt.f32 s24, $0.0e+00;
	s4 =	sld [smem:$0x7E7];
	vm2 =	vnez.u8 v2;
	v2 =	vld [tilespmem:$0x1FFB0]  }
0x150: {  	v8 =	vsub.s32 @p1 v8, v0;
	p2 =	sgt.f32 s8, $0.0e+00;
	p5 =	seq.s32 s2, $0x1  }
0x151: {  	vm0 =	vmmov vm0;
	v7 =	vsub.s32 @p3 v7, v0;
	v8 =	vnsel @p1 vm1, $0x0, v8;
	s2 =	sadd.s32 @p5 $0xFFFFFF90, s0;
	p6 =	seq.s32 s13, $0x1  }
0x152: {  	v7 =	vnsel @p3 vm5, $0x0, v7;
	v13 =	vsub.s32 @p2 v13, v0;
	v11 =	vadd.s32 @p5 s2, v18;
	p0 =	seq.s32 s4, $0x1;
	s1 =	sadd.s32 @p6 $0xFFFFFFA0, s0  }
0x153: {  	s3 =	simm.s32 @p5 $0x0;
	v6 =	vnsel @p0 vm0, $0x0, v6;
	v14 =	vadd.s32 @p6 s1, v15;
	vm3 =	vmmov vm2  }
0x154: {  	s4 =	simm.s32 @p6 $0x0;
	[tilespmem:v9+s3+$0x0] =	vst.idx.msk @p5 vm7, v11;
	s1 =	sadd.s32 @p1 $0xFFFFFFC0, s0;
	v9 =	vlaneseq.u32 @p1;
	v13 =	vnsel @p2 vm2, $0x0, v13;
	vm2 =	vnez.u8 v2  }
0x155: {  	v16 =	vlaneseq.u32 @p3;
	s2 =	sadd.s32 @p3 $0xFFFFFFB0, s0;
	[tilespmem:v10+s4+$0x0] =	vst.idx.msk @p6 vm9, v14;
	s4 =	simm.s32 @p1 $0x0;
	v9 =	vadd.s32 @p1 s1, v9;
	v11 =	vnsel @p4 vm2, $0x0, v12  }
0x156: {  	s3 =	simm.s32 @p3 $0x0;
	v10 =	vlaneseq.u32 @p0;
	[tilespmem:v8+s4+$0x0] =	vst.idx.msk @p1 vm1, v9;
	v12 =	vadd.s32 @p3 s2, v16;
	s2 =	sadd.s32 @p0 $0xFFFFFFD0, s0  }
0x157: {  	s1 =	sadd.s32 @p2 $0xFFFFFFE0, s0;
	[tilespmem:v7+s3+$0x0] =	vst.idx.msk @p3 vm5, v12;
	s3 =	simm.s32 @p0 $0x0;
	v7 =	vlaneseq.u32 @p2;
	v10 =	vadd.s32 @p0 s2, v10  }
0x158: {  	v8 =	vlaneseq.u32 @p4;
	s0 =	sadd.s32 @p4 $0xFFFFFFF0, s0;
	s2 =	simm.s32 @p2 $0x0;
	v7 =	vadd.s32 @p2 s1, v7;
	[tilespmem:v6+s3+$0x0] =	vst.idx.msk @p0 vm0, v10  }
0x159: {  	s1 =	simm.s32 @p4 $0x0;
	v6 =	vadd.s32 @p4 s0, v8;
	[tilespmem:v13+s2+$0x0] =	vst.idx.msk @p2 vm3, v7  }
0x15a: {  	s14 =	rddreg [dreg:$0x13];
	[tilespmem:v11+s1+$0x0] =	vst.idx.msk @p4 vm2, v6  }
0x15b: {  	s0 =	rddreg [dreg:$0xf]  }
0x15c: {  	s15 =	simm.s32 $0x2;
	p0 =	seq.s32 s14, $0x18;
	s1 =	rddreg [dreg:$0x16]  }
0x15d: {  	s2 =	simm.s32 @!p0 $0x3100;
	s0 =	sadd.s32 @!p0 s1, s0;
	s1 =	simm.s32 @!p0 $0x0  }
0x15e: {  	[tilespmem:s2], [sflag:$0x1] =	stream.linear.gather @!p0 [hbm4b:s0+s1], $0x2000, $0x200038;
	[tilespmem:$0x13480] =	vst v63  }
0x15f: {  	_ =	swait.ge [sflag:s15], $0x2000  }
0x160: {  	[sflag:s15] =	ssyncset.done $0x0  }
0x161: {  	s16 =	simm.s32 $0x5180;
	[sflag:s15] =	ssyncadd.s32 $0xFFFFE000  }
0x162: {  	v20 =	vld [tilespmem:s16+$0x70]  }
0x163: {  	v15 =	vld [tilespmem:s16+$0xFFFFFF90]  }
0x164: {  	v16 =	vld [tilespmem:s16+$0xFFFFFFA0]  }
0x165: {  	v17 =	vld [tilespmem:s16+$0xFFFFFFB0]  }
0x166: {  	v21 =	vld [tilespmem:s16+$0xFFFFFFD0];
	_ =	sdelay $0x1  }
0x167: {  	v2 =	vimm.s32 $0x0;
	v12 =	vld [tilespmem:s16+$0xFFFFFFE0];
	vm0 =	vge.s32 v20, v0;
	vm1 =	vlt.s32 v20, v1  }
0x168: {  	vm4 =	vmmov vm2;
	vm2 =	vge.s32 v15, v0;
	vm0 =	vmand vm0, vm1  }
0x169: {  	v19 =	vld [tilespmem:s16+$0xFFFFFFC0];
	vm3 =	vlt.s32 v15, v1;
	vm4 =	vge.s32 v16, v0;
	v2 =	vsel vm0, $0xFFFFFFFF, v2  }
0x16a: {  	vm5 =	vlt.s32 v16, v1;
	vm6 =	vlt.s32 v17, v1;
	vm7 =	vlt.s32 v21, v1;
	[tilespmem:$0x1FDA0] =	vst v2  }
0x16b: {  	v6 =	vsel vm0, $0x3F800000, v3;
	vm0 =	vmand vm2, vm3;
	v2 =	vimm.s32 $0x0;
	v18 =	vld [tilespmem:s16+$0xFFFFFF80]  }
0x16c: {  	vm8 =	vge.s32 v12, v0;
	vm3 =	vge.s32 v17, v0;
	(xrf0) =	vmax.scan.msk.f32 $0xffff, v6;
	v11 =	vld [tilespmem:s16+$0xFFFFFFF0];
	v2 =	vsel vm0, $0xFFFFFFFF, v2  }
0x16d: {  	vm1 =	vmand vm4, vm5;
	vm2 =	vmand vm3, vm6;
	[tilespmem:$0x1FDB0] =	vst v2;
	v2 =	vimm.s32 $0x0  }
0x16e: {  	vm4 =	vge.s32 v19, v0;
	vm5 =	vlt.s32 v19, v1;
	v2 =	vsel vm2, $0xFFFFFFFF, v2  }
0x16f: {  	vm9 =	vlt.s32 v12, v1;
	vm4 =	vmand vm4, vm5;
	vm6 =	vge.s32 v21, v0;
	v9 =	vld [tilespmem:s16+$0x0];
	[tilespmem:$0x1FDC0] =	vst v2  }
0x170: {  	vm5 =	vmand vm6, vm7;
	v22 =	vsel vm2, $0x3F800000, v3;
	v2 =	vimm.s32 $0x0;
	v10 =	vld [tilespmem:s16+$0x10]  }
0x171: {  	v7 =	vld [tilespmem:s16+$0x20];
	vm6 =	vge.s32 v18, v0;
	vm7 =	vlt.s32 v18, v1;
	vm10 =	vge.s32 v11, v0  }
0x172: {  	v8 =	vld [tilespmem:s16+$0x30];
	vm11 =	vlt.s32 v11, v1;
	v13, _, _ =	vpop (xrf0);
	vm6 =	vmand vm6, vm7;
	vm7 =	vmand vm8, vm9  }
0x173: {  	(v2sf) =	vpush v13, $0xF;
	v13 =	vsel vm0, $0x3F800000, v3;
	vm8 =	vmand vm10, vm11  }
0x174: {  	v6 =	vld [tilespmem:s16+$0x40];
	vm9 =	vge.s32 v9, v0;
	v14 =	vsel vm6, $0x3F800000, v3;
	vm12 =	vlt.s32 v9, v1  }
0x175: {  	v23 =	vsel vm7, $0x3F800000, v3;
	(xrf0) =	vmax.scan.msk.f32 $0xffff, v14;
	v14 =	vsel vm1, $0x3F800000, v3;
	vm9 =	vmand vm9, vm12  }
0x176: {  	vm10 =	vge.s32 v10, v0;
	vm11 =	vlt.s32 v10, v1;
	vm13 =	vge.s32 v7, v0  }
0x177: {  	(xrf0) =	vmax.scan.msk.f32 $0xffff, v13;
	vm14 =	vlt.s32 v7, v1;
	vm15 =	vge.s32 v8, v0;
	vm0 =	vlt.s32 v8, v1  }
0x178: {  	(xrf0) =	vmax.scan.msk.f32 $0xffff, v14;
	v14 =	vsel vm4, $0x3F800000, v3;
	vm10 =	vmand vm10, vm11;
	vm2 =	vmand vm13, vm14  }
0x179: {  	v13 =	vld [tilespmem:s16+$0x50];
	vm11 =	vge.s32 v6, v0;
	vm12 =	vmand vm15, vm0;
	(xrf0) =	vmax.scan.msk.f32 $0xffff, v22;
	v2 =	vsel vm2, $0xFFFFFFFF, v2  }
0x17a: {  	v22 =	vsel vm5, $0x3F800000, v3;
	(xrf0) =	vmax.scan.msk.f32 $0xffff, v14;
	v14 =	vld [tilespmem:s16+$0x60];
	[tilespmem:$0x1FD70] =	vst v2;
	v2 =	vimm.s32 $0x0  }
0x17b: {  	vm14 =	vlt.s32 v6, v1;
	(xrf0) =	vmax.scan.msk.f32 $0xffff, v22;
	v22 =	vsel vm8, $0x3F800000, v3;
	v2 =	vsel vm12, $0xFFFFFFFF, v2;
	v24, _, _ =	vpop (xrf0)  }
0x17c: {  	vm13 =	vmand vm11, vm14;
	[tilespmem:$0x1FD80] =	vst v2;
	v2 =	vimm.s32 $0x0;
	(v2sf) =	vpush v24, $0xF  }
0x17d: {  	(xrf0) =	vmax.scan.msk.f32 $0xffff, v23;
	v24, _, _ =	vpop (xrf0);
	v2 =	vsel vm13, $0xFFFFFFFF, v2  }
0x17e: {  	(xrf0) =	vmax.scan.msk.f32 $0xffff, v22;
	(v2sf) =	vpush v24, $0xF;
	v22, _, _ =	vpop (xrf0);
	[tilespmem:$0x1FD90] =	vst v2;
	v2 =	vld [tilespmem:$0x1FDA0]  }
0x17f: {  	(v2sf) =	vpush v22, $0xF;
	v22, _, _ =	vpop (xrf0)  }
0x180: {  	v23 =	vsel vm9, $0x3F800000, v3;
	(v2sf) =	vpush v22, $0xF  }
0x181: {  	(xrf0) =	vmax.scan.msk.f32 $0xffff, v23;
	v23 =	vsel vm10, $0x3F800000, v3;
	v22, _, _ =	vpop (xrf0)  }
0x182: {  	v24 =	vsel vm2, $0x3F800000, v3;
	(xrf0) =	vmax.scan.msk.f32 $0xffff, v23;
	(v2sf) =	vpush v22, $0xF  }
0x183: {  	v23 =	vsel vm12, $0x3F800000, v3;
	(xrf0) =	vmax.scan.msk.f32 $0xffff, v24;
	v24 =	vsel vm13, $0x3F800000, v3;
	v22, _, _ =	vpop (xrf0);
	vm13 =	vnez.u8 v2;
	v2 =	vld [tilespmem:$0x1FDB0]  }
0x184: {  	vm0 =	vge.s32 v13, v0;
	vm11 =	vlt.s32 v13, v1;
	(xrf0) =	vmax.scan.msk.f32 $0xffff, v23;
	(v2sf) =	vpush v22, $0xF  }
0x185: {  	vm3 =	vmand vm0, vm11;
	vm0 =	vge.s32 v14, v0;
	vm15 =	vlt.s32 v14, v1;
	v22, _, _ =	vpop (xrf0);
	(xrf0) =	vmax.scan.msk.f32 $0xffff, v24  }
0x186: {  	vm15 =	vmand vm0, vm15;
	v23 =	vsel vm3, $0x3F800000, v3;
	(v2sf) =	vpush v22, $0xF;
	v22, _, _ =	vpop (xrf0);
	s17 =	spop (v2sf)  }
0x187: {  	v24 =	vsel vm15, $0x3F800000, v3;
	(xrf0) =	vmax.scan.msk.f32 $0xffff, v23;
	(v2sf) =	vpush v22, $0xF;
	v22, _, _ =	vpop (xrf0);
	p0 =	sgt.f32 s17, $0.0e+00  }
0x188: {  	vm14 =	vmmov vm1;
	(xrf0) =	vmax.scan.msk.f32 $0xffff, v24;
	(v2sf) =	vpush v22, $0xF;
	v22, _, _ =	vpop (xrf0);
	vm0 =	vnez.u8 v2;
	v2 =	vld [tilespmem:$0x1FDC0]  }
0x189: {  	vm11 =	vmmov vm7;
	(v2sf) =	vpush v22, $0xF;
	v22, _, _ =	vpop (xrf0);
	v20 =	vsub.s32 @p0 v20, v0  }
0x18a: {  	s4 =	rddreg [dreg:$0x15];
	(v2sf) =	vpush v22, $0xF;
	v22, _, _ =	vpop (xrf0);
	v23 =	vnsel @p0 vm13, $0x0, v20;
	v20 =	vlaneseq.u32 @p0  }
0x18b: {  	vm7 =	vmmov vm9;
	vm12 =	vmmov vm5;
	s0 =	sadd.s32 @p0 $0xF0, s4;
	(v2sf) =	vpush v22, $0xF;
	v22, _, _ =	vpop (xrf0);
	s18 =	spop (v2sf)  }
0x18c: {  	s1 =	simm.s32 $0x0;
	vm3 =	vmmov vm3;
	v24 =	vadd.s32 @p0 s0, v20;
	(v2sf) =	vpush v22, $0xF;
	p1 =	sgt.f32 s18, $0.0e+00  }
0x18d: {  	s15 =	simm.s32 $0x5280;
	s2 =	simm.s32 @p0 $0x0;
	vm2 =	vmmov vm0;
	v20, _, _ =	vpop (xrf0);
	vm0 =	vnez.u8 v2;
	v2 =	vimm.s32 $0x0;
	s19 =	spop (v2sf)  }
0x18e: {  	vm5 =	vmmov vm15;
	(v2sf) =	vpush v20, $0xF;
	v20, _, _ =	vpop (xrf0);
	v2 =	vsel vm3, $0xFFFFFFFF, v2;
	p4 =	sgt.f32 s19, $0.0e+00;
	s20 =	spop (v2sf);
	s31 =	simm.s32 @p1 $0x0  }
0x18f: {  	(v2sf) =	vpush v20, $0xF;
	vm1 =	vmmov vm0;
	[tilespmem:$0x1FDD0] =	vst v2;
	v2 =	vimm.s32 $0x0;
	p2 =	sgt.f32 s20, $0.0e+00;
	s21 =	spop (v2sf);
	s3 =	simm.s32 @!p1 $0x0  }
0x190: {  	vm0 =	vmmov vm4;
	vm4 =	vmmov vm6;
	v2 =	vsel vm5, $0xFFFFFFFF, v2;
	s3 =	simm.s32 @p1 $0x1;
	s26 =	sadd.s32 @p4 $0x10, s4;
	p3 =	sgt.f32 s21, $0.0e+00  }
0x191: {  	vm3 =	vmmov vm8;
	v18 =	vsub.s32 @p1 v18, v0;
	s22 =	spop (v2sf);
	[tilespmem:$0x1FDE0] =	vst v2;
	v2 =	vimm.s32 $0x0;
	[smem:$0x7E8] =	sst s3;
	s3 =	simm.s32 @!p4 $0x0  }
0x192: {  	v20 =	vlaneseq.u32 @p1;
	v18 =	vnsel @p1 vm4, $0x0, v18;
	s28 =	sadd.s32 @p2 $0x20, s4;
	p1 =	sgt.f32 s22, $0.0e+00;
	v2 =	vsel vm4, $0xFFFFFFFF, v2;
	s3 =	simm.s32 @p4 $0x1  }
0x193: {  	vm8 =	vmmov vm10;
	vm15 =	vmmov vm1;
	s23 =	spop (v2sf);
	[tilespmem:$0x1FDF0] =	vst v2;
	v2 =	vimm.s32 $0x0;
	[smem:$0x7E9] =	sst s3;
	s3 =	simm.s32 @!p2 $0x0  }
0x194: {  	v26 =	vlaneseq.u32 @p4;
	v15 =	vsub.s32 @p4 v15, v0;
	s29 =	sadd.s32 @p3 $0x30, s4;
	p5 =	sgt.f32 s23, $0.0e+00;
	v2 =	vsel vm2, $0xFFFFFFFF, v2;
	s3 =	simm.s32 @p2 $0x1  }
0x195: {  	v15 =	vnsel @p4 vm2, $0x0, v15;
	v16 =	vsub.s32 @p2 v16, v0;
	s24 =	spop (v2sf);
	[tilespmem:$0x1FE00] =	vst v2;
	v2 =	vimm.s32 $0x0;
	[smem:$0x7EA] =	sst s3;
	s3 =	simm.s32 @!p3 $0x0  }
0x196: {  	v27 =	vlaneseq.u32 @p2;
	v16 =	vnsel @p2 vm14, $0x0, v16;
	s30 =	sadd.s32 @p1 $0x40, s4;
	s0 =	simm.s32 @!p1 $0x0;
	v2 =	vsel vm14, $0xFFFFFFFF, v2;
	s3 =	simm.s32 @p3 $0x1  }
0x197: {  	v28 =	vlaneseq.u32 @p3;
	v17 =	vsub.s32 @p3 v17, v0;
	vm4 =	vmmov vm0;
	s25 =	spop (v2sf);
	s0 =	simm.s32 @p1 $0x1;
	[tilespmem:$0x1FE10] =	vst v2;
	[smem:$0x7EB] =	sst s3  }
0x198: {  	v17 =	vnsel @p3 vm1, $0x0, v17;
	v29 =	vlaneseq.u32 @p1;
	v19 =	vsub.s32 @p1 v19, v0;
	p2 =	por p5, p5;
	p3 =	sgt.f32 s24, $0.0e+00;
	[tilespmem:v23+s2+$0x0] =	vst.idx.msk @p0 vm13, v24;
	s2 =	spop (v2sf)  }
0x199: {  	v19 =	vnsel @p1 vm0, $0x0, v19;
	v30 =	vlaneseq.u32 @p5;
	v21 =	vsub.s32 @p5 v21, v0;
	p0 =	sgt.f32 s25, $0.0e+00;
	[smem:$0x7EC] =	sst s0;
	s0 =	smov.u32 s4  }
.LBB2_7:
0x19a: {  	v2 =	vimm.s32 $0x0  }
0x19b: {  	v2 =	vsel vm4, $0xFFFFFFFF, v2  }
0x19c: {  	[tilespmem:$0x1FCB0] =	vst v2;
	v2 =	vimm.s32 $0x0  }
0x19d: {  	v2 =	vsel vm8, $0xFFFFFFFF, v2  }
0x19e: {  	[tilespmem:$0x1FD50] =	vst v2;
	v2 =	vimm.s32 $0x0  }
0x19f: {  	v2 =	vsel vm7, $0xFFFFFFFF, v2  }
0x1a0: {  	[tilespmem:$0x1FD30] =	vst v2;
	v2 =	vimm.s32 $0x0  }
0x1a1: {  	v2 =	vsel vm15, $0xFFFFFFFF, v2  }
0x1a2: {  	[tilespmem:$0x1FCA0] =	vst v2;
	v2 =	vimm.s32 $0x0  }
0x1a3: {  	v2 =	vsel vm3, $0xFFFFFFFF, v2  }
0x1a4: {  	[tilespmem:$0x1FD10] =	vst v2;
	v2 =	vimm.s32 $0x0  }
0x1a5: {  	v2 =	vsel vm12, $0xFFFFFFFF, v2  }
0x1a6: {  	[tilespmem:$0x1FCE0] =	vst v2;
	v2 =	vld [tilespmem:$0x1FD70];
	_ =	sdelay $0x4  }
0x1a7: {  	vm0 =	vnez.u8 v2  }
0x1a8: {  	v2 =	vimm.s32 $0x0;
	vm1 =	vmmov vm0  }
0x1a9: {  	v2 =	vsel vm1, $0xFFFFFFFF, v2  }
0x1aa: {  	[tilespmem:$0x1FC60] =	vst v2;
	v2 =	vld [tilespmem:$0x1FD80];
	_ =	sdelay $0x4  }
0x1ab: {  	vm0 =	vnez.u8 v2  }
0x1ac: {  	v2 =	vimm.s32 $0x0;
	vm1 =	vmmov vm0  }
0x1ad: {  	v2 =	vsel vm1, $0xFFFFFFFF, v2  }
0x1ae: {  	[tilespmem:$0x1FC70] =	vst v2;
	v2 =	vld [tilespmem:$0x1FD90];
	_ =	sdelay $0x3  }
0x1af: {  	v38 =	vld [tilespmem:s15+$0x70]  }
0x1b0: {  	vm0 =	vnez.u8 v2  }
0x1b1: {  	v2 =	vimm.s32 $0x0;
	vm1 =	vmmov vm0  }
0x1b2: {  	v2 =	vsel vm1, $0xFFFFFFFF, v2  }
0x1b3: {  	[tilespmem:$0x1FC80] =	vst v2;
	v2 =	vimm.s32 $0x0  }
0x1b4: {  	vm0 =	vge.s32 v38, v0;
	vm1 =	vlt.s32 v38, v1;
	v2 =	vsel vm11, $0xFFFFFFFF, v2  }
0x1b5: {  	vm0 =	vmand vm0, vm1;
	[tilespmem:$0x1FD00] =	vst v2;
	v2 =	vimm.s32 $0x0  }
0x1b6: {  	v2 =	vsel vm0, $0xFFFFFFFF, v2  }
0x1b7: {  	[tilespmem:$0x1FC90] =	vst v2;
	v2 =	vld [tilespmem:$0x1FDD0];
	_ =	sdelay $0x4  }
0x1b8: {  	v31 =	vnsel @p2 vm12, $0x0, v21;
	v21 =	vld [tilespmem:s15+$0xFFFFFF90];
	vm1 =	vnez.u8 v2;
	v2 =	vimm.s32 $0x0  }
0x1b9: {  	v22 =	vld [tilespmem:s15+$0xFFFFFFA0];
	v2 =	vsel vm1, $0xFFFFFFFF, v2  }
0x1ba: {  	s3 =	simm.s32 @!p2 $0x0;
	[tilespmem:$0x1FDD0] =	vst v2;
	v2 =	vld [tilespmem:$0x1FDE0]  }
0x1bb: {  	p1 =	por p2, p2;
	s3 =	simm.s32 @p2 $0x1;
	p2 =	sgt.f32 s2, $0.0e+00  }
0x1bc: {  	v36 =	vlaneseq.u32 @p3;
	v12 =	vsub.s32 @p3 v12, v0;
	s4 =	spop (v2sf)  }
0x1bd: {  	v25 =	vld [tilespmem:s15+$0xFFFFFFD0];
	v11 =	vsub.s32 @p0 v11, v0;
	v32 =	vnsel @p3 vm11, $0x0, v12;
	v9 =	vsub.s32 @p2 v9, v0;
	s5 =	spop (v2sf)  }
0x1be: {  	s1 =	sadd.s32 $0x10, s1;
	v33 =	vnsel @p0 vm3, $0x0, v11;
	v34 =	vnsel @p2 vm7, $0x0, v9;
	p6 =	sgt.f32 s5, $0.0e+00;
	vm2 =	vge.s32 v21, v0  }
0x1bf: {  	v23 =	vld [tilespmem:s15+$0xFFFFFFB0];
	p5 =	slt.u32 s1, $0x1F0;
	vm4 =	vge.s32 v22, v0;
	vm1 =	vnez.u8 v2;
	v2 =	vimm.s32 $0x0  }
0x1c0: {  	[smem:$0x7DA] =	sst s3;
	s3 =	simm.s32 @!p5 $0x0;
	v45 =	vsub.s32 @p6 v7, v0;
	vm3 =	vlt.s32 v21, v1;
	v2 =	vsel vm1, $0xFFFFFFFF, v2  }
0x1c1: {  	v24 =	vld [tilespmem:s15+$0xFFFFFFC0];
	s3 =	simm.s32 @p5 $0x1;
	v7 =	vsel vm0, $0x3F800000, v3;
	vm0 =	vmand vm2, vm3;
	[tilespmem:$0x1FDE0] =	vst v2;
	v2 =	vimm.s32 $0x0  }
0x1c2: {  	[smem:$0x7E4] =	sst s3;
	s3 =	simm.s32 @!p3 $0x0;
	vm5 =	vlt.s32 v22, v1;
	vm6 =	vge.s32 v25, v0;
	v2 =	vsel vm0, $0xFFFFFFFF, v2  }
0x1c3: {  	p4 =	por p3, p3;
	s3 =	simm.s32 @p3 $0x1;
	p3 =	sgt.f32 s4, $0.0e+00;
	vm7 =	vlt.s32 v25, v1;
	vm0 =	vmand vm4, vm5;
	[tilespmem:$0x1FC40] =	vst v2;
	v2 =	vimm.s32 $0x0  }
0x1c4: {  	v11 =	vld [tilespmem:s15+$0xFFFFFFF0];
	vm2 =	vge.s32 v23, v0;
	vm3 =	vlt.s32 v23, v1;
	v2 =	vsel vm0, $0xFFFFFFFF, v2  }
0x1c5: {  	v12 =	vld [tilespmem:s15+$0xFFFFFFE0];
	v9 =	vsub.s32 @p3 v10, v0;
	vm0 =	vmand vm2, vm3;
	[tilespmem:$0x1FC50] =	vst v2;
	v2 =	vimm.s32 $0x0  }
0x1c6: {  	vm4 =	vge.s32 v24, v0;
	vm5 =	vlt.s32 v24, v1;
	v2 =	vsel vm0, $0xFFFFFFFF, v2  }
0x1c7: {  	v35 =	vnsel @p3 vm8, $0x0, v9;
	v9 =	vld [tilespmem:s15+$0x0];
	vm0 =	vmand vm4, vm5;
	[tilespmem:$0x1FCC0] =	vst v2;
	v2 =	vimm.s32 $0x0  }
0x1c8: {  	vm15 =	vmand vm6, vm7;
	v2 =	vsel vm0, $0xFFFFFFFF, v2  }
0x1c9: {  	v10 =	vld [tilespmem:s15+$0x10];
	vm6 =	vge.s32 v11, v0;
	vm9 =	vlt.s32 v11, v1;
	[tilespmem:$0x1FCD0] =	vst v2;
	v2 =	vimm.s32 $0x0  }
0x1ca: {  	vm8 =	vlt.s32 v12, v1;
	vm5 =	vge.s32 v12, v0;
	v2 =	vsel vm15, $0xFFFFFFFF, v2  }
0x1cb: {  	s6 =	sadd.s32 @p1 $0x50, s0;
	vm7 =	vmand vm5, vm8;
	vm5 =	vmand vm6, vm9;
	[tilespmem:$0x1FCF0] =	vst v2;
	v2 =	vimm.s32 $0x0  }
0x1cc: {  	s7 =	spop (v2sf);
	[smem:$0x7DE] =	sst s3;
	s3 =	simm.s32 @!p0 $0x0;
	vm10 =	vlt.s32 v9, v1;
	vm8 =	vge.s32 v9, v0;
	v2 =	vsel vm5, $0xFFFFFFFF, v2  }
0x1cd: {  	v37 =	vlaneseq.u32 @p0;
	p1 =	por p0, p0;
	s3 =	simm.s32 @p0 $0x1;
	p0 =	sgt.f32 s7, $0.0e+00;
	vm4 =	vmand vm8, vm10;
	[tilespmem:$0x1FD20] =	vst v2;
	v2 =	vimm.s32 $0x0  }
0x1ce: {  	vm6 =	vge.s32 v10, v0;
	vm9 =	vlt.s32 v10, v1;
	v2 =	vsel vm4, $0xFFFFFFFF, v2  }
0x1cf: {  	v46 =	vsub.s32 @p0 v8, v0;
	v8 =	vld [tilespmem:s15+$0x30];
	vm6 =	vmand vm6, vm9;
	[tilespmem:$0x1FD40] =	vst v2;
	v2 =	vimm.s32 $0x0  }
0x1d0: {  	v44 =	vld [tilespmem:s15+$0x60];
	v2 =	vsel vm6, $0xFFFFFFFF, v2  }
0x1d1: {  	[tilespmem:$0x1FD60] =	vst v2;
	v2 =	vld [tilespmem:$0x1FC40];
	_ =	sdelay $0x1  }
0x1d2: {  	(xrf0) =	vmax.scan.msk.f32 $0xffff, v7;
	v7 =	vld [tilespmem:s15+$0x20]  }
0x1d3: {  	v43 =	vld [tilespmem:s15+$0x50];
	vm13 =	vlt.s32 v8, v1;
	vm10 =	vge.s32 v8, v0  }
0x1d4: {  	v42 =	vld [tilespmem:s15+$0xFFFFFF80];
	vm1 =	vmand vm10, vm13;
	vm13 =	vge.s32 v44, v0;
	vm10 =	vlt.s32 v44, v1  }
0x1d5: {  	vm8 =	vmand vm13, vm10;
	vm10 =	vnez.u8 v2;
	v2 =	vld [tilespmem:$0x1FC50];
	_ =	sdelay $0x1  }
0x1d6: {  	vm11 =	vge.s32 v7, v0;
	vm12 =	vlt.s32 v7, v1  }
0x1d7: {  	vm2 =	vmand vm11, vm12;
	vm3 =	vge.s32 v43, v0  }
0x1d8: {  	vm12 =	vlt.s32 v43, v1;
	vm11 =	vge.s32 v42, v0;
	vm0 =	vlt.s32 v42, v1  }
0x1d9: {  	vm11 =	vmand vm11, vm0;
	vm0 =	vmand vm3, vm12;
	vm12 =	vnez.u8 v2;
	v2 =	vld [tilespmem:$0x1FCC0];
	_ =	sdelay $0x4  }
0x1da: {  	vm3 =	vnez.u8 v2;
	v2 =	vld [tilespmem:$0x1FCD0]  }
0x1db: {  	s12 =	sld [smem:$0x7E9]  }
0x1dc: {  	s13 =	sld [smem:$0x7EA];
	v47 =	vld [tilespmem:s15+$0x40]  }
0x1dd: {  	s16 =	sld [smem:$0x7EC]  }
0x1de: {  	s11 =	sadd.s32 @p4 $0x60, s0;
	s17 =	sld [smem:$0x7DA];
	s4 =	simm.s32 @!p2 $0x0  }
0x1df: {  	s21 =	sadd.s32 @p1 $0x70, s0;
	s5 =	sld [smem:$0x7EB];
	s4 =	simm.s32 @p2 $0x1;
	v51 =	vsel vm3, $0x3F800000, v3;
	vm3 =	vnez.u8 v2;
	v2 =	vimm.s32 $0x0  }
0x1e0: {  	p1 =	por p2, p2;
	s8 =	spop (v2sf);
	[smem:$0x7E0] =	sst s4;
	v2 =	vsel vm2, $0xFFFFFFFF, v2  }
0x1e1: {  	vm14 =	vlt.s32 v47, v1;
	p4 =	por p3, p3;
	s9 =	spop (v2sf);
	s7 =	sld [smem:$0x7DE];
	[tilespmem:$0x1FD70] =	vst v2;
	v2 =	vimm.s32 $0x0  }
0x1e2: {  	v40 =	vlaneseq.u32 @p3;
	[smem:$0x7DF] =	sst s3;
	s3 =	simm.s32 @!p6 $0x0;
	p3 =	sgt.f32 s9, $0.0e+00;
	vm9 =	vge.s32 v47, v0;
	v2 =	vsel vm1, $0xFFFFFFFF, v2  }
0x1e3: {  	s4 =	simm.s32 @!p4 $0x0;
	s3 =	simm.s32 @p6 $0x1;
	s18 =	sld [smem:$0x7DF];
	vm14 =	vmand vm9, vm14;
	[tilespmem:$0x1FD80] =	vst v2;
	v2 =	vimm.s32 $0x0  }
0x1e4: {  	s4 =	simm.s32 @p4 $0x1;
	s25 =	sadd.s32 @p0 $0xB0, s0;
	[smem:$0x7DC] =	sst s3;
	v2 =	vsel vm14, $0xFFFFFFFF, v2  }
0x1e5: {  	v39 =	vlaneseq.u32 @p2;
	s3 =	sadd.s32 @p2 $0x80, s0;
	p2 =	por p0, p0;
	p0 =	seq.s32 s12, $0x1;
	[tilespmem:$0x1FD90] =	vst v2;
	v2 =	vld [tilespmem:$0x1FC60]  }
0x1e6: {  	s10 =	spop (v2sf);
	[smem:$0x7DB] =	sst s4;
	s2 =	simm.s32 @!p0 $0x0;
	v48, _, _ =	vpop (xrf0)  }
0x1e7: {  	s14 =	simm.s32 @p0 $0x0;
	s2 =	simm.s32 @p0 $0x1;
	p0 =	seq.s32 s13, $0x1;
	(v2sf) =	vpush v48, $0xF  }
0x1e8: {  	s4 =	sadd.s32 @p6 $0xA0, s0;
	[smem:$0x7E9] =	sst s2;
	s2 =	simm.s32 @!p0 $0x0  }
0x1e9: {  	s12 =	simm.s32 @p0 $0x0;
	s2 =	simm.s32 @p0 $0x1;
	p0 =	seq.s32 s5, $0x1  }
0x1ea: {  	v41 =	vlaneseq.u32 @p6;
	p6 =	sgt.f32 s10, $0.0e+00;
	s5 =	simm.s32 @!p0 $0x0;
	s13 =	simm.s32 @p0 $0x0;
	vm13 =	vnez.u8 v2;
	v2 =	vld [tilespmem:$0x1FC70]  }
0x1eb: {  	s5 =	simm.s32 @p0 $0x1;
	p0 =	seq.s32 s16, $0x1;
	s16 =	simm.s32 @p3 $0x0  }
0x1ec: {  	[dreg:$0x4] =	wrdreg s16;
	s16 =	simm.s32 @p6 $0x0  }
0x1ed: {  	p5 =	sgt.f32 s8, $0.0e+00;
	[dreg:$0x2] =	wrdreg s16;
	s16 =	simm.s32 @!p2 $0x0  }
0x1ee: {  	s8 =	sld [smem:$0x7DC];
	s16 =	simm.s32 @p2 $0x1;
	v62 =	vsel vm11, $0x3F800000, v3  }
0x1ef: {  	[smem:$0x7DD] =	sst s16;
	s16 =	simm.s32 @!p5 $0x0;
	v56 =	vsel vm6, $0x3F800000, v3;
	(xrf0) =	vmax.scan.msk.f32 $0xffff, v62;
	v49 =	vsel vm10, $0x3F800000, v3;
	vm6 =	vnez.u8 v2;
	v2 =	vld [tilespmem:$0x1FC80]  }
0x1f0: {  	[smem:$0x7EA] =	sst s2;
	s16 =	simm.s32 @p5 $0x1;
	(xrf0) =	vmax.scan.msk.f32 $0xffff, v49;
	v50 =	vsel vm12, $0x3F800000, v3  }
0x1f1: {  	[smem:$0x7E1] =	sst s16;
	s16 =	simm.s32 @!p3 $0x0;
	(xrf0) =	vmax.scan.msk.f32 $0xffff, v50  }
0x1f2: {  	[smem:$0x7EB] =	sst s5;
	s5 =	simm.s32 @!p0 $0x0;
	s16 =	simm.s32 @p3 $0x1;
	(xrf0) =	vmax.scan.msk.f32 $0xffff, v51;
	v52 =	vsel vm3, $0x3F800000, v3  }
0x1f3: {  	v53 =	vsel vm15, $0x3F800000, v3;
	s5 =	simm.s32 @p0 $0x1;
	[smem:$0x7E2] =	sst s16;
	s16 =	simm.s32 @!p6 $0x0;
	(xrf0) =	vmax.scan.msk.f32 $0xffff, v52  }
0x1f4: {  	s23 =	sadd.s32 @p4 $0x90, s0;
	[smem:$0x7EC] =	sst s5;
	s16 =	simm.s32 @p6 $0x1;
	v48 =	vsel vm7, $0x3F800000, v3;
	(xrf0) =	vmax.scan.msk.f32 $0xffff, v53;
	vm9 =	vnez.u8 v2;
	v2 =	vld [tilespmem:$0x1FDD0]  }
0x1f5: {  	s10 =	simm.s32 @p1 $0x0;
	p1 =	seq.s32 s8, $0x1;
	[smem:$0x7E3] =	sst s16;
	v54 =	vsel vm5, $0x3F800000, v3;
	v51 =	vsub.s32 @p5 v6, v0;
	v6 =	vmov v47;
	v47, _, _ =	vpop (xrf0);
	(xrf0) =	vmax.scan.msk.f32 $0xffff, v48  }
0x1f6: {  	s19 =	sadd.s32 @p5 $0xC0, s0;
	s16 =	spop (v2sf);
	(v2sf) =	vpush v47, $0xF;
	v49 =	vnsel @p1 vm13, $0x0, v45;
	v45, _, _ =	vpop (xrf0);
	(xrf0) =	vmax.scan.msk.f32 $0xffff, v54;
	[smem:$0x7ED] =	sst s0  }
0x1f7: {  	s24 =	sadd.s32 @p3 $0xD0, s0;
	s2 =	sadd.s32 @p6 $0xE0, s0;
	s0 =	sld [smem:$0x7EB]  }
0x1f8: {  	_ = 	snop  }
0x1f9: {  	v13 =	vsub.s32 @p3 v13, v0;
	vm3 =	vnez.u8 v2  }
0x1fa: {  	v61 =	vlaneseq.u32 @p3;
	v48 =	vnsel @p2 vm6, $0x0, v46;
	v46 =	vnsel @p3 vm3, $0x0, v13;
	p3 =	seq.s32 s0, $0x1;
	s0 =	sld [smem:$0x7ED];
	_ =	sdelay $0x2  }
0x1fb: {  	[smem:$0x7ED] =	sst s0  }
0x1fc: {  	s0 =	sld [smem:$0x7EA];
	_ =	sdelay $0x1  }
0x1fd: {  	s22 =	simm.s32 @p0 $0x0;
	p0 =	seq.s32 s17, $0x1  }
0x1fe: {  	s17 =	simm.s32 @p2 $0x0;
	v52 =	vlaneseq.u32 @p2;
	p2 =	seq.s32 s0, $0x1;
	s0 =	sld [smem:$0x7ED]  }
0x1ff: {  	_ =	sdelay $0x1  }
0x200: {  	[smem:$0x7ED] =	sst s0  }
0x201: {  	s0 =	sld [smem:$0x7E9]  }
0x202: {  	s5 =	simm.s32 @p0 $0x0;
	p0 =	seq.s32 s7, $0x1  }
0x203: {  	s8 =	simm.s32 @p1 $0x0;
	s20 =	simm.s32 @p0 $0x0  }
0x204: {  	p0 =	seq.s32 s18, $0x1;
	p1 =	seq.s32 s0, $0x1;
	s0 =	sld [smem:$0x7ED];
	v2 =	vld [tilespmem:$0x1FDE0]  }
0x205: {  	s18 =	simm.s32 @p5 $0x0;
	v53 =	vlaneseq.u32 @p5;
	v47 =	vnsel @p5 vm9, $0x0, v51;
	p5 =	sgt.f32 s16, $0.0e+00;
	s16 =	sld [smem:$0x7DA]  }
0x206: {  	_ =	sdelay $0x1  }
0x207: {  	s9 =	simm.s32 @p4 $0x0;
	p4 =	seq.s32 s16, $0x1;
	s16 =	sld [smem:$0x7E8]  }
0x208: {  	v14 =	vsub.s32 @p6 v14, v0;
	vm5 =	vnez.u8 v2  }
0x209: {  	(v2sf) =	vpush v45, $0xF;
	v45 =	vnsel @p6 vm5, $0x0, v14;
	v14 =	vadd.s32 @p1 s26, v26;
	s26 =	sld [smem:$0x7EC]  }
0x20a: {  	s7 =	simm.s32 @p0 $0x0;
	p0 =	seq.s32 s16, $0x1  }
0x20b: {  	s16 =	simm.s32 @!p0 $0x0  }
0x20c: {  	v2 =	vld [tilespmem:$0x1FC90];
	v20 =	vadd.s32 @p0 s0, v20;
	s16 =	simm.s32 @p0 $0x1;
	p0 =	seq.s32 s26, $0x1;
	s26 =	sld [smem:$0x7DE]  }
0x20d: {  	_ =	sdelay $0x1  }
0x20e: {  	v29 =	vadd.s32 @p0 s30, v29;
	p0 =	seq.s32 s26, $0x1  }
0x20f: {  	v36 =	vadd.s32 @p0 s11, v36;
	s11 =	sld [smem:$0x7DF]  }
0x210: {  	v57 =	vsel vm2, $0x3F800000, v3;
	vm2 =	vnez.u8 v2;
	v2 =	vld [tilespmem:$0x1FDF0]  }
0x211: {  	[smem:$0x7E8] =	sst s16  }
0x212: {  	s16 =	sld [smem:$0x7E0];
	p0 =	seq.s32 s11, $0x1  }
0x213: {  	v37 =	vadd.s32 @p0 s21, v37;
	s21 =	sld [smem:$0x7DB];
	_ =	sdelay $0x1  }
0x214: {  	v58 =	vsel vm1, $0x3F800000, v3;
	v30 =	vadd.s32 @p4 s6, v30;
	p1 =	por p4, p4;
	p4 =	seq.s32 s16, $0x1;
	vm1 =	vnez.u8 v2  }
0x215: {  	v26 =	vadd.s32 @p2 s28, v27;
	v27 =	vsub.s32 @p5 v38, v0;
	v38 =	vadd.s32 @p4 s3, v39;
	v2 =	vld [tilespmem:$0x1FE00];
	p4 =	seq.s32 s21, $0x1  }
0x216: {  	v40 =	vadd.s32 @p4 s23, v40;
	s23 =	sld [smem:$0x7E8];
	_ =	sdelay $0x2  }
0x217: {  	p0 =	seq.s32 s23, $0x1  }
0x218: {  	v55 =	vsel vm4, $0x3F800000, v3;
	v27 =	vnsel @p5 vm2, $0x0, v27;
	[tilespmem:v18+s31+$0x0] =	vst.idx.msk @p0 vm1, v20;
	vm1 =	vnez.u8 v2  }
0x219: {  	v13, _, _ =	vpop (xrf0);
	(xrf0) =	vmax.scan.msk.f32 $0xffff, v55;
	s16 =	sld [smem:$0x7E1];
	v2 =	vld [tilespmem:$0x1FE10]  }
0x21a: {  	(v2sf) =	vpush v13, $0xF;
	v13, _, _ =	vpop (xrf0);
	(xrf0) =	vmax.scan.msk.f32 $0xffff, v56;
	s0 =	sadd.s32 $0x100, s0;
	s21 =	sld [smem:$0x7E9]  }
0x21b: {  	(v2sf) =	vpush v13, $0xF;
	v13, _, _ =	vpop (xrf0);
	(xrf0) =	vmax.scan.msk.f32 $0xffff, v57;
	s3 =	sadd.s32 @p5 $0xF0, s0;
	v39 =	vlaneseq.u32 @p5;
	s11 =	sld [smem:$0x7DD]  }
0x21c: {  	v50 =	vsel vm14, $0x3F800000, v3;
	(v2sf) =	vpush v13, $0xF;
	v13, _, _ =	vpop (xrf0);
	(xrf0) =	vmax.scan.msk.f32 $0xffff, v58;
	v39 =	vadd.s32 @p5 s3, v39;
	s3 =	simm.s32 @p5 $0x0;
	p0 =	seq.s32 s16, $0x1  }
0x21d: {  	(v2sf) =	vpush v13, $0xF;
	v13, _, _ =	vpop (xrf0);
	(xrf0) =	vmax.scan.msk.f32 $0xffff, v50;
	s26 =	sld [smem:$0x7DC];
	[tilespmem:v27+s3+$0x0] =	vst.idx.msk @p5 vm2, v39;
	v50 =	vadd.s32 @p0 s19, v53;
	p0 =	seq.s32 s21, $0x1  }
0x21e: {  	p5 =	seq.s32 s11, $0x1;
	s23 =	sld [smem:$0x7E2];
	[tilespmem:v15+s14+$0x0] =	vst.idx.msk @p0 vm1, v14;
	vm1 =	vnez.u8 v2  }
0x21f: {  	v39 =	vadd.s32 @p5 s25, v52;
	s25 =	sld [smem:$0x7E3];
	v2 =	vld [tilespmem:$0x1FCA0]  }
0x220: {  	v62 =	vlaneseq.u32 @p6;
	p6 =	seq.s32 s26, $0x1;
	s26 =	sld [smem:$0x7EA]  }
0x221: {  	p0 =	seq.s32 s23, $0x1  }
0x222: {  	v51 =	vadd.s32 @p0 s24, v61;
	p0 =	seq.s32 s25, $0x1  }
0x223: {  	v52 =	vadd.s32 @p0 s2, v62;
	p0 =	seq.s32 s26, $0x1  }
0x224: {  	[tilespmem:v16+s12+$0x0] =	vst.idx.msk @p0 vm1, v26;
	vm1 =	vnez.u8 v2  }
0x225: {  	v2 =	vld [tilespmem:$0x1FCB0];
	_ =	sdelay $0x3  }
0x226: {  	v28 =	vadd.s32 @p3 s29, v28  }
0x227: {  	[tilespmem:v17+s13+$0x0] =	vst.idx.msk @p3 vm1, v28;
	vm1 =	vnez.u8 v2  }
0x228: {  	v2 =	vld [tilespmem:$0x1FCC0]  }
0x229: {  	s3 =	sld [smem:$0x7EC];
	_ =	sdelay $0x2  }
0x22a: {  	p0 =	seq.s32 s3, $0x1  }
0x22b: {  	[tilespmem:v19+s22+$0x0] =	vst.idx.msk @p0 vm1, v29;
	vm1 =	vnez.u8 v2;
	v2 =	vld [tilespmem:$0x1FCD0];
	_ =	sdelay $0x4  }
0x22c: {  	vm15 =	vmmov vm1;
	vm1 =	vnez.u8 v2;
	v2 =	vld [tilespmem:$0x1FCE0];
	_ =	sdelay $0x4  }
0x22d: {  	vm2 =	vmmov vm10;
	vm10 =	vmmov vm1;
	vm1 =	vnez.u8 v2  }
0x22e: {  	v2 =	vld [tilespmem:$0x1FCF0];
	_ =	sdelay $0x4  }
0x22f: {  	[tilespmem:v31+s5+$0x0] =	vst.idx.msk @p1 vm1, v30;
	vm1 =	vnez.u8 v2;
	v2 =	vld [tilespmem:$0x1FD00];
	_ =	sdelay $0x4  }
0x230: {  	vm14 =	vmmov vm12;
	vm12 =	vmmov vm1;
	vm1 =	vnez.u8 v2;
	_ =	sdelay $0x1  }
0x231: {  	s5 =	sld [smem:$0x7DE];
	_ =	sdelay $0x2  }
0x232: {  	p0 =	seq.s32 s5, $0x1  }
0x233: {  	v2 =	vimm.s32 $0x0;
	[tilespmem:v32+s20+$0x0] =	vst.idx.msk @p0 vm1, v36;
	vm1 =	vmmov vm3;
	vm3 =	vmmov vm0  }
0x234: {  	v2 =	vsel vm3, $0xFFFFFFFF, v2  }
0x235: {  	[tilespmem:$0x1FDD0] =	vst v2;
	v2 =	vld [tilespmem:$0x1FD10];
	_ =	sdelay $0x4  }
0x236: {  	v59 =	vsel vm0, $0x3F800000, v3;
	vm0 =	vnez.u8 v2  }
0x237: {  	v2 =	vld [tilespmem:$0x1FD20]  }
0x238: {  	s11 =	sld [smem:$0x7DF];
	_ =	sdelay $0x2  }
0x239: {  	vm4 =	vmmov vm11;
	vm11 =	vmmov vm7;
	p1 =	seq.s32 s11, $0x1  }
0x23a: {  	vm7 =	vmmov vm8;
	[tilespmem:v33+s7+$0x0] =	vst.idx.msk @p1 vm0, v37;
	vm0 =	vnez.u8 v2;
	v2 =	vimm.s32 $0x0  }
0x23b: {  	v2 =	vsel vm7, $0xFFFFFFFF, v2  }
0x23c: {  	[tilespmem:$0x1FDE0] =	vst v2;
	v2 =	vld [tilespmem:$0x1FD30];
	_ =	sdelay $0x4  }
0x23d: {  	vm3 =	vmmov vm0;
	vm0 =	vmmov vm5;
	vm5 =	vnez.u8 v2  }
0x23e: {  	v2 =	vld [tilespmem:$0x1FD40]  }
0x23f: {  	s13 =	sld [smem:$0x7E0]  }
0x240: {  	(v2sf) =	vpush v13, $0xF  }
0x241: {  	v13, _, _ =	vpop (xrf0)  }
0x242: {  	(v2sf) =	vpush v13, $0xF;
	v41 =	vadd.s32 @p6 s4, v41;
	s4 =	spop (v2sf);
	p2 =	seq.s32 s13, $0x1  }
0x243: {  	v60 =	vsel vm8, $0x3F800000, v3;
	(xrf0) =	vmax.scan.msk.f32 $0xffff, v59;
	v13, _, _ =	vpop (xrf0);
	p0 =	sgt.f32 s4, $0.0e+00;
	[tilespmem:v34+s10+$0x0] =	vst.idx.msk @p2 vm5, v38;
	vm5 =	vnez.u8 v2;
	v2 =	vld [tilespmem:$0x1FD50]  }
0x244: {  	(xrf0) =	vmax.scan.msk.f32 $0xffff, v60;
	(v2sf) =	vpush v13, $0xF;
	s6 =	spop (v2sf)  }
0x245: {  	v13, _, _ =	vpop (xrf0);
	s21 =	sld [smem:$0x7E1];
	s3 =	simm.s32 @!p0 $0x0;
	p1 =	sgt.f32 s6, $0.0e+00  }
0x246: {  	(v2sf) =	vpush v13, $0xF;
	v13, _, _ =	vpop (xrf0);
	s25 =	sld [smem:$0x7E4];
	s12 =	spop (v2sf);
	s3 =	simm.s32 @p0 $0x1  }
0x247: {  	(v2sf) =	vpush v13, $0xF;
	v13, _, _ =	vpop (xrf0);
	[smem:$0x7E8] =	sst s3;
	s3 =	simm.s32 @!p1 $0x0;
	p2 =	sgt.f32 s12, $0.0e+00  }
0x248: {  	(v2sf) =	vpush v13, $0xF;
	v15, _, _ =	vpop (xrf0);
	s23 =	sld [smem:$0x7E2];
	s14 =	spop (v2sf);
	s3 =	simm.s32 @p1 $0x1;
	vm7 =	vmmov vm5;
	vm5 =	vnez.u8 v2  }
0x249: {  	(v2sf) =	vpush v15, $0xF;
	v15, _, _ =	vpop (xrf0);
	p3 =	sgt.f32 s14, $0.0e+00;
	[smem:$0x7E9] =	sst s3;
	s3 =	simm.s32 @!p2 $0x0;
	v2 =	vld [tilespmem:$0x1FD60]  }
0x24a: {  	[tilespmem:v48+s17+$0x0] =	vst.idx.msk @p5 vm6, v39;
	s24 =	sld [smem:$0x7E3];
	(v2sf) =	vpush v15, $0xF;
	v15, _, _ =	vpop (xrf0);
	p5 =	seq.s32 s25, $0x1;
	s3 =	simm.s32 @p2 $0x1  }
0x24b: {  	(v2sf) =	vpush v15, $0xF;
	s16 =	spop (v2sf);
	v16 =	vsub.s32 @p2 v22, v0;
	[smem:$0x7EA] =	sst s3;
	s3 =	simm.s32 @!p3 $0x0  }
0x24c: {  	v15 =	vsub.s32 @p0 v42, v0;
	s28 =	sadd.s32 @p2 $0x20, s0;
	v27 =	vlaneseq.u32 @p2;
	v16 =	vnsel @p2 vm14, $0x0, v16;
	p2 =	seq.s32 s21, $0x1;
	s3 =	simm.s32 @p3 $0x1  }
0x24d: {  	v20 =	vlaneseq.u32 @p0;
	s31 =	simm.s32 @p0 $0x0;
	v18 =	vnsel @p0 vm4, $0x0, v15;
	p0 =	sgt.f32 s16, $0.0e+00;
	[tilespmem:v47+s18+$0x0] =	vst.idx.msk @p2 vm9, v50;
	[smem:$0x7EB] =	sst s3  }
0x24e: {  	s19 =	spop (v2sf);
	p2 =	seq.s32 s23, $0x1;
	s3 =	rddreg [dreg:$0x4];
	[tilespmem:v35+s9+$0x0] =	vst.idx.msk @p4 vm5, v40;
	vm5 =	vnez.u8 v2;
	v2 =	vimm.s32 $0x0  }
0x24f: {  	v17 =	vsub.s32 @p3 v23, v0;
	s20 =	spop (v2sf);
	s26 =	sadd.s32 @p1 $0x10, s0;
	v15 =	vsub.s32 @p1 v21, v0;
	[tilespmem:v46+s3+$0x0] =	vst.idx.msk @p2 vm1, v51;
	s3 =	simm.s32 @!p0 $0x0;
	v2 =	vsel vm4, $0xFFFFFFFF, v2  }
.Ltmp2:
0x250: {  	v26 =	vlaneseq.u32 @p1;
	v15 =	vnsel @p1 vm2, $0x0, v15;
	p1 =	sgt.f32 s19, $0.0e+00;
	s3 =	simm.s32 @p0 $0x1;
	[tilespmem:$0x1FDF0] =	vst v2;
	v2 =	vimm.s32 $0x0;
	(pc) =	sbr.rel @p5 .LBB2_7-.Ltmp2, $4  }
0x251: {  	[tilespmem:v49+s8+$0x0] =	vst.idx.msk @p6 vm13, v41;
	v28 =	vlaneseq.u32 @p3;
	v17 =	vnsel @p3 vm15, $0x0, v17;
	s22 =	spop (v2sf);
	[smem:$0x7EC] =	sst s3;
	v2 =	vsel vm2, $0xFFFFFFFF, v2  }
0x252: {  	v30 =	vlaneseq.u32 @p1;
	v21 =	vsub.s32 @p1 v25, v0;
	p2 =	por p1, p1;
	p1 =	seq.s32 s24, $0x1;
	s3 =	rddreg [dreg:$0x2];
	[tilespmem:$0x1FE00] =	vst v2;
	v2 =	vimm.s32 $0x0  }
0x253: {  	s15 =	sadd.s32 $0x100, s15;
	s29 =	sadd.s32 @p3 $0x30, s0;
	s2 =	spop (v2sf);
	v29 =	vlaneseq.u32 @p0;
	v19 =	vsub.s32 @p0 v24, v0;
	[tilespmem:v45+s3+$0x0] =	vst.idx.msk @p1 vm0, v52;
	v2 =	vsel vm14, $0xFFFFFFFF, v2  }
0x254: {  	v13 =	vmovc v43;
	v14 =	vmovc v44;
	s30 =	sadd.s32 @p0 $0x40, s0;
	v19 =	vnsel @p0 vm10, $0x0, v19;
	p3 =	sgt.f32 s20, $0.0e+00;
	p0 =	sgt.f32 s22, $0.0e+00;
	vm8 =	vmmov vm5;
	vm4 =	vmmov vm10;
	[tilespmem:$0x1FE10] =	vst v2  }
0x255: {  	v2 =	vld [tilespmem:$0x1FD70];
	_ =	sdelay $0x4  }
0x256: {  	vm0 =	vnez.u8 v2;
	v2 =	vld [tilespmem:$0x1FD80];
	_ =	sdelay $0x4  }
0x257: {  	vm10 =	vnez.u8 v2;
	v2 =	vld [tilespmem:$0x1FD90];
	_ =	sdelay $0x4  }
0x258: {  	vm13 =	vnez.u8 v2;
	v2 =	vld [tilespmem:$0x1FDF0];
	_ =	sdelay $0x4  }
0x259: {  	vm2 =	vnez.u8 v2  }
0x25a: {  	s4 =	sld [smem:$0x7E8];
	_ =	sdelay $0x1  }
0x25b: {  	p1 =	por p2, p2;
	s1 =	simm.s32 @!p2 $0x0  }
0x25c: {  	s1 =	simm.s32 @p2 $0x1;
	s3 =	sadd.s32 @p1 $0x50, s0;
	p1 =	seq.s32 s4, $0x1  }
0x25d: {  	[smem:$0x7DA] =	sst s1;
	v20 =	vadd.s32 @p1 s0, v20  }
0x25e: {  	[tilespmem:v18+s31+$0x0] =	vst.idx.msk @p1 vm2, v20  }
0x25f: {  	v2 =	vld [tilespmem:$0x1FE00];
	_ =	sdelay $0x4  }
0x260: {  	vm2 =	vnez.u8 v2  }
0x261: {  	s5 =	sld [smem:$0x7E9];
	_ =	sdelay $0x2  }
0x262: {  	p1 =	seq.s32 s5, $0x1  }
0x263: {  	v20 =	vadd.s32 @p1 s26, v26;
	s5 =	simm.s32 @p1 $0x0  }
0x264: {  	[tilespmem:v15+s5+$0x0] =	vst.idx.msk @p1 vm2, v20  }
0x265: {  	v2 =	vld [tilespmem:$0x1FE10];
	_ =	sdelay $0x4  }
0x266: {  	vm2 =	vnez.u8 v2  }
0x267: {  	p4 =	sgt.f32 s2, $0.0e+00;
	s6 =	sld [smem:$0x7EA]  }
0x268: {  	_ = 	snop  }
0x269: {  	s5 =	simm.s32 @!p4 $0x0  }
0x26a: {  	s5 =	simm.s32 @p4 $0x1;
	p1 =	seq.s32 s6, $0x1  }
0x26b: {  	[smem:$0x7D9] =	sst s5;
	v15 =	vadd.s32 @p1 s28, v27;
	s6 =	simm.s32 @p1 $0x0  }
0x26c: {  	s22 =	spop (v2sf);
	[tilespmem:v16+s6+$0x0] =	vst.idx.msk @p1 vm2, v15  }
0x26d: {  	p5 =	sgt.f32 s22, $0.0e+00;
	s6 =	sld [smem:$0x7EB]  }
0x26e: {  	_ = 	snop  }
0x26f: {  	s2 =	simm.s32 @!p5 $0x0  }
0x270: {  	s2 =	simm.s32 @p5 $0x1;
	p1 =	seq.s32 s6, $0x1  }
0x271: {  	[smem:$0x7D8] =	sst s2;
	v16 =	vadd.s32 @p1 s29, v28;
	s6 =	simm.s32 @p1 $0x0  }
0x272: {  	[tilespmem:v17+s6+$0x0] =	vst.idx.msk @p1 vm15, v16  }
0x273: {  	v21 =	vnsel @p2 vm12, $0x0, v21;
	s6 =	sld [smem:$0x7EC]  }
0x274: {  	v22 =	vlaneseq.u32 @p3;
	v12 =	vsub.s32 @p3 v12, v0;
	v11 =	vsub.s32 @p0 v11, v0;
	s23 =	spop (v2sf);
	s7 =	sld [smem:$0x7DA]  }
0x275: {  	p2 =	por p3, p3;
	v23 =	vlaneseq.u32 @p0;
	v12 =	vnsel @p3 vm11, $0x0, v12;
	v11 =	vnsel @p0 vm3, $0x0, v11;
	p3 =	por p0, p0;
	p0 =	sgt.f32 s23, $0.0e+00  }
0x276: {  	p6 =	por p3, p3;
	s2 =	sadd.s32 @p3 $0x70, s0  }
0x277: {  	p3 =	por p0, p0;
	v16 =	vlaneseq.u32 @p0;
	p0 =	seq.s32 s6, $0x1;
	p1 =	seq.s32 s7, $0x1  }
0x278: {  	v17 =	vadd.s32 @p0 s30, v29;
	v20 =	vadd.s32 @p1 s3, v30;
	s3 =	simm.s32 @p0 $0x0  }
0x279: {  	[tilespmem:v19+s3+$0x0] =	vst.idx.msk @p0 vm4, v17;
	s3 =	simm.s32 @p1 $0x0;
	p0 =	por p1, p1  }
0x27a: {  	[tilespmem:v21+s3+$0x0] =	vst.idx.msk @p0 vm12, v20  }
0x27b: {  	s3 =	sld [smem:$0x7D9]  }
0x27c: {  	s4 =	sadd.s32 @p2 $0x60, s0  }
0x27d: {  	v17 =	vadd.s32 @p2 s4, v22;
	v19 =	vadd.s32 @p6 s2, v23;
	s2 =	simm.s32 @p2 $0x0;
	p0 =	por p6, p6  }
0x27e: {  	[tilespmem:v12+s2+$0x0] =	vst.idx.msk @p2 vm11, v17;
	p6 =	seq.s32 s3, $0x1;
	s3 =	simm.s32 @p0 $0x0  }
0x27f: {  	v9 =	vsub.s32 @p4 v9, v0;
	s2 =	sld [smem:$0x7D8];
	[tilespmem:v11+s3+$0x0] =	vst.idx.msk @p0 vm3, v19  }
0x280: {  	v9 =	vnsel @p4 vm7, $0x0, v9;
	s29 =	sld [smem:$0x7D9]  }
0x281: {  	s24 =	spop (v2sf);
	v10 =	vsub.s32 @p5 v10, v0;
	v2 =	vld [tilespmem:$0x1FDD0]  }
0x282: {  	s25 =	spop (v2sf);
	v10 =	vnsel @p5 vm8, $0x0, v10  }
0x283: {  	vm5 =	vmmov vm0;
	v18 =	vlaneseq.u32 @p4;
	v15 =	vlaneseq.u32 @p5;
	p5 =	sgt.f32 s24, $0.0e+00;
	s6 =	sadd.s32 @p4 $0x80, s0;
	p0 =	seq.s32 s29, $0x1  }
0x284: {  	vm1 =	vmmov vm10;
	v7 =	vsub.s32 @p3 v7, v0;
	p4 =	por p3, p3;
	p1 =	sgt.f32 s25, $0.0e+00;
	v18 =	vadd.s32 @p6 s6, v18;
	s1 =	simm.s32 @p0 $0x0  }
0x285: {  	vm0 =	vmmov vm13;
	v8 =	vsub.s32 @p5 v8, v0;
	v7 =	vnsel @p4 vm5, $0x0, v7;
	[tilespmem:v9+s1+$0x0] =	vst.idx.msk @p0 vm7, v18  }
0x286: {  	s26 =	spop (v2sf);
	v8 =	vnsel @p5 vm1, $0x0, v8;
	v6 =	vsub.s32 @p1 v6, v0;
	p6 =	seq.s32 s2, $0x1;
	vm2 =	vnez.u8 v2;
	v2 =	vld [tilespmem:$0x1FDE0]  }
0x287: {  	s28 =	spop (v2sf);
	p3 =	sgt.f32 s26, $0.0e+00;
	v6 =	vnsel @p1 vm0, $0x0, v6;
	s2 =	sadd.s32 @p6 $0x90, s0  }
0x288: {  	p2 =	sgt.f32 s28, $0.0e+00;
	v11 =	vadd.s32 @p6 s2, v15;
	s2 =	simm.s32 @p6 $0x0;
	s1 =	sadd.s32 @p4 $0xA0, s0  }
0x289: {  	v12 =	vsub.s32 @p3 v13, v0;
	[tilespmem:v10+s2+$0x0] =	vst.idx.msk @p6 vm8, v11;
	s2 =	sadd.s32 @p5 $0xB0, s0;
	v10 =	vadd.s32 @p4 s1, v16;
	s1 =	simm.s32 @p4 $0x0;
	v11 =	vlaneseq.u32 @p5  }
0x28a: {  	v9 =	vsub.s32 @p2 v14, v0;
	[tilespmem:v7+s1+$0x0] =	vst.idx.msk @p4 vm5, v10;
	s1 =	sadd.s32 @p1 $0xC0, s0;
	v7 =	vadd.s32 @p5 s2, v11;
	s2 =	simm.s32 @p5 $0x0;
	v10 =	vlaneseq.u32 @p1  }
0x28b: {  	v12 =	vnsel @p3 vm2, $0x0, v12;
	[tilespmem:v8+s2+$0x0] =	vst.idx.msk @p5 vm1, v7;
	v7 =	vadd.s32 @p1 s1, v10;
	s1 =	simm.s32 @p1 $0x0;
	vm11 =	vnez.u8 v2  }
0x28c: {  	[tilespmem:v6+s1+$0x0] =	vst.idx.msk @p1 vm0, v7;
	v9 =	vnsel @p2 vm11, $0x0, v9  }
0x28d: {  	s2 =	sadd.s32 @p3 $0xD0, s0;
	v8 =	vlaneseq.u32 @p3;
	s30 =	rddreg [dreg:$0x13]  }
0x28e: {  	v6 =	vadd.s32 @p3 s2, v8;
	s2 =	sadd.s32 $0x1, s30  }
0x28f: {  	s0 =	sadd.s32 @p2 $0xE0, s0;
	s1 =	simm.s32 @p3 $0x0;
	v7 =	vlaneseq.u32 @p2;
	p0 =	sne.s32 s2, $0x19  }
.Ltmp3:
0x290: {  	v7 =	vadd.s32 @p2 s0, v7;
	s0 =	simm.s32 @p2 $0x0;
	[tilespmem:v12+s1+$0x0] =	vst.idx.msk @p3 vm2, v6;
	(pc) =	sbr.rel @p0 .LBB2_4-.Ltmp3, $4  }
0x291: {  	[tilespmem:v9+s0+$0x0] =	vst.idx.msk @p2 vm11, v7  }
0x292: {  	s0 =	rddreg [dreg:$0x15]  }
0x293: {  	s31 =	rddreg [dreg:$0x14];
	s0 =	sadd.s32 $0x4000, s0  }
0x294: {  	s7 =	simm.s32 $0x0;
	vm14 =	vmmov vm2;
	vm15 =	vmmov vm11;
	s4 =	sadd.s32 $0x4000, s31;
	[dreg:$0x15] =	wrdreg s0  }
0x295: {  	_ =	strace $0x90000049;
	s6 =	simm.s32 $0x3  }
0x296: {  	_ =	swait.ge [sflag:s6], $0x3100  }
0x297: {  	[sflag:s6] =	ssyncset.done $0x0  }
0x298: {  	[sflag:s6] =	ssyncadd.s32 $0xFFFFCF00  }
0x299: {  	_ =	swait.ge [sflag:s6], $0x1880  }
0x29a: {  	[sflag:s6] =	ssyncset.done $0x0  }
0x29b: {  	[sflag:s6] =	ssyncadd.s32 $0xFFFFE780  }
0x29c: {  	_ =	swait.ge [sflag:s6], $0x1880  }
0x29d: {  	[sflag:s6] =	ssyncset.done $0x0  }
0x29e: {  	s13 =	simm.s32 $0x0;
	s19 =	simm.s32 $0xA230;
	[sflag:s6] =	ssyncadd.s32 $0xFFFFE780  }
0x29f: {  	s25 =	simm.s32 $0xBAB0;
	s26 =	simm.s32 $0xD330;
	_ =	swait.ge [sflag:s6], $0x1880  }
0x2a0: {  	s28 =	simm.s32 $0x0;
	s29 =	simm.s32 $0x0;
	[sflag:s6] =	ssyncset.done $0x0  }
0x2a1: {  	s5 =	simm.s32 $0x7100;
	s11 =	simm.s32 $0xEB80;
	[sflag:s6] =	ssyncadd.s32 $0xFFFFE780  }
0x2a2: {  	s12 =	simm.s32 $0x310;
	s14 =	simm.s32 $0xF500;
	_ =	strace $0x8000004A  }
0x2a3: {  	s18 =	simm.s32 $0x11100;
	s20 =	simm.s32 $0xF880;
	s8 =	rddreg [dreg:$0x8]  }
0x2a4: {  	s21 =	simm.s32 $0x11480;
	s22 =	simm.s32 $0xFC00;
	s9 =	rddreg [dreg:$0x9]  }
0x2a5: {  	v5 =	vimm.f32 $0.0e+00;
	s23 =	simm.s32 $0x11800;
	s24 =	simm.s32 $0xFF80;
	s10 =	rddreg [dreg:$0xa]  }
.LBB2_10:
0x2a6: {  	s30 =	smul.u32 $0x310, s29;
	_ =	sdelay $0x1  }
0x2a7: {  	s31 =	sadd.s32 s9, s30  }
0x2a8: {  	v15 =	vor.u32 s28, v4;
	s1 =	sadd.s32 $0x60, s28;
	s0 =	smul.u32 $0x3, s31  }
0x2a9: {  	s2 =	sadd.s32 $0x20, s28;
	v11 =	vor.u32 s1, v4  }
0x2aa: {  	v7 =	vor.u32 $0x1, v4;
	v18 =	vor.u32 s2, v4;
	s0 =	sshrl.u32 s0, $0x3  }
0x2ab: {  	v8 =	vor.u32 s1, v7;
	s0 =	sadd.s32 s10, s0  }
0x2ac: {  	v16 =	vor.u32 s28, v7;
	[tilespmem:s11], [sflag:$0x3] =	stream.linear.gather [hbm4b:s0+s13], $0x930, $0x200038;
	[tilespmem:$0x13480] =	vst v63  }
0x2ad: {  	s4 =	sadd.s32 $0x40, s28;
	v19 =	vor.u32 s2, v7;
	v21 =	vld.idx.msk [tilespmem:v15+s7+$0x0], $0xffff  }
0x2ae: {  	v17 =	vor.u32 s4, v4;
	v9 =	vld.idx.msk [tilespmem:v11+s7+$0x0], $0xffff  }
0x2af: {  	v14 =	vor.u32 s4, v7;
	v12 =	vld.idx.msk [tilespmem:v18+s7+$0x0], $0xffff  }
0x2b0: {  	v10 =	vld.idx.msk [tilespmem:v8+s7+$0x0], $0xffff  }
0x2b1: {  	v13 =	vld.idx.msk [tilespmem:v16+s7+$0x0], $0xffff  }
0x2b2: {  	v22 =	vld.idx.msk [tilespmem:v19+s7+$0x0], $0xffff  }
0x2b3: {  	v23 =	vld.idx.msk [tilespmem:v17+s7+$0x0], $0xffff  }
0x2b4: {  	v25 =	vld.idx.msk [tilespmem:v14+s7+$0x0], $0xffff;
	_ =	sdelay $0x2  }
0x2b5: {  	s3 =	sadd.s32 $0x80, s28;
	v20 =	vadd.s32 $0xFFFFFFFF, v21;
	v24 =	vadd.s32 $0xFFFFFFFF, v9;
	v26 =	vadd.s32 $0xFFFFFFFF, v12  }
0x2b6: {  	s1 =	simm.s32 $0x0;
	s16 =	sadd.s32 $0x20, s3;
	v27 =	vadd.s32 $0xFFFFFFFF, v10;
	v28 =	vadd.s32 $0xFFFFFFFF, v13;
	v30 =	vadd.s32 $0xFFFFFFFF, v22  }
0x2b7: {  	s17 =	sadd.s32 $0x40, s3;
	v31 =	vadd.s32 $0xFFFFFFFF, v23;
	v33 =	vadd.s32 $0xFFFFFFFF, v25;
	[tilespmem:s1+$0x12D10] =	vst v12;
	v12 =	vor.u32 s16, v7  }
0x2b8: {  	[tilespmem:s1+$0x13080] =	vst v13;
	v13 =	vor.u32 s17, v7;
	vm0 =	vgt.s32 v20, $0x0;
	vm13 =	vgt.s32 v24, $0x0  }
0x2b9: {  	vm1 =	vgt.s32 v26, $0x0;
	vm14 =	vgt.s32 v27, $0x0;
	vm2 =	vgt.s32 v28, $0x0  }
0x2ba: {  	vm15 =	vgt.s32 v30, $0x0;
	vm3 =	vgt.s32 v31, $0x0;
	v24 =	vnsel vm13, $0x0, v24  }
0x2bb: {  	vm4 =	vgt.s32 v33, $0x0;
	v27 =	vnsel vm14, $0x0, v27;
	v29 =	vmulhi.u32 $0x14F8B589, v24  }
0x2bc: {  	v20 =	vnsel vm0, $0x0, v20;
	v28 =	vnsel vm2, $0x0, v28;
	v32 =	vmulhi.u32 $0x14F8B589, v27  }
0x2bd: {  	[tilespmem:s1+$0x12D30] =	vst v9;
	v26 =	vnsel vm1, $0x0, v26;
	v30 =	vnsel vm15, $0x0, v30;
	v9 =	vmulhi.u32 $0x14F8B589, v28  }
0x2be: {  	[tilespmem:s1+$0x130B0] =	vst v10;
	v31 =	vnsel vm3, $0x0, v31;
	v50 =	vnsel vm4, $0x0, v33;
	v10 =	vmulhi.u32 $0x14F8B589, v26  }
0x2bf: {  	v54 =	vmulhi.u32 $0x14F8B589, v50;
	v29 =	vshrl.u32 v29, $0xD;
	v32 =	vshrl.u32 v32, $0xD  }
0x2c0: {  	v9 =	vshrl.u32 v9, $0xD;
	v10 =	vshrl.u32 v10, $0xD;
	v34 =	vmul.u32 $0xFFFE7960, v29  }
0x2c1: {  	v49 =	vmul.u32 $0xFFFE7960, v32;
	v29 =	vmul.u32 $0x3, v29;
	v53 =	vmul.u32 $0xFFFE7960, v9  }
0x2c2: {  	v35 =	vmul.u32 $0xFFFE7960, v10;
	v9 =	vmul.u32 $0x3, v9;
	v10 =	vmul.u32 $0x3, v10  }
0x2c3: {  	v24 =	vadd.s32 v24, v34;
	v27 =	vadd.s32 v27, v49;
	v34 =	vshrl.u32 v54, $0xD  }
0x2c4: {  	v28 =	vadd.s32 v28, v53;
	v26 =	vadd.s32 v26, v35;
	v24 =	vmul.u32 $0xF, v24  }
0x2c5: {  	v27 =	vmul.u32 $0xF, v27;
	v55 =	vmul.u32 $0xFFFE7960, v34;
	v28 =	vmul.u32 $0xF, v28  }
0x2c6: {  	v26 =	vmul.u32 $0xF, v26;
	v34 =	vmul.u32 $0x3, v34;
	v24 =	vadd.s32 v29, v24  }
0x2c7: {  	v29 =	vmul.u32 $0x3, v32;
	v32 =	vadd.s32 v50, v55;
	v28 =	vadd.s32 v9, v28  }
0x2c8: {  	v9 =	vor.u32 s16, v4;
	v26 =	vadd.s32 v10, v26;
	v10 =	vor.u32 s3, v7  }
0x2c9: {  	v51 =	vadd.s32 $0x3, v24;
	v24 =	vadd.s32 $0x4, v24;
	v32 =	vmul.u32 $0xF, v32  }
0x2ca: {  	v61 =	vadd.s32 $0x3, v28;
	v27 =	vadd.s32 v29, v27;
	[tilespmem:s1+$0xF530] =	vst v51;
	v29 =	vmulhi.u32 $0x14F8B589, v30  }
0x2cb: {  	[tilespmem:s1+$0xF8B0] =	vst v24;
	v24 =	vmulhi.u32 $0x14F8B589, v31;
	v52 =	vadd.s32 $0x3, v27;
	v27 =	vadd.s32 $0x4, v27  }
0x2cc: {  	v28 =	vadd.s32 $0x4, v28;
	v62 =	vadd.s32 $0x3, v26;
	[tilespmem:s1+$0xFFB0] =	vst v27;
	v27 =	vmulhi.u32 $0x14F8B589, v20  }
0x2cd: {  	v26 =	vadd.s32 $0x4, v26;
	v32 =	vadd.s32 v34, v32;
	[tilespmem:s1+$0xFC30] =	vst v52;
	v29 =	vshrl.u32 v29, $0xD  }
0x2ce: {  	v24 =	vshrl.u32 v24, $0xD;
	v8 =	vld.idx.msk [tilespmem:v8+s5+$0x0], $0xffff;
	v36 =	vmul.u32 $0xFFFE7960, v29;
	v27 =	vshrl.u32 v27, $0xD  }
0x2cf: {  	v37 =	vmul.u32 $0xFFFE7960, v24;
	v29 =	vmul.u32 $0x3, v29;
	v38 =	vmul.u32 $0xFFFE7960, v27  }
0x2d0: {  	v24 =	vmul.u32 $0x3, v24;
	v60 =	vld.idx.msk [tilespmem:v11+s5+$0x0], $0xffff;
	v11 =	vor.u32 s17, v4;
	v30 =	vadd.s32 v30, v36  }
0x2d1: {  	s15 =	sadd.s32 $0x60, s3;
	v31 =	vadd.s32 v31, v37;
	v30 =	vmul.u32 $0xF, v30;
	v20 =	vadd.s32 v20, v38  }
0x2d2: {  	v33 =	vld.idx.msk [tilespmem:v12+s7+$0x0], $0xffff;
	v31 =	vmul.u32 $0xF, v31;
	v57 =	vmul.u32 $0xF, v20;
	v20 =	vor.u32 s15, v4  }
0x2d3: {  	v34 =	vld.idx.msk [tilespmem:v13+s7+$0x0], $0xffff;
	v39 =	vadd.s32 $0x3, v32;
	v27 =	vmul.u32 $0x3, v27;
	v56 =	vmul.u32 $0xF, v8  }
0x2d4: {  	[tilespmem:s1+$0x12D20] =	vst v23;
	v38 =	vld.idx.msk [tilespmem:v9+s7+$0x0], $0xffff;
	v29 =	vadd.s32 v29, v30;
	v30 =	vor.u32 s15, v7;
	v24 =	vadd.s32 v24, v31  }
0x2d5: {  	[tilespmem:s1+$0x130A0] =	vst v25;
	v35 =	vmul.u32 $0xF, v60;
	v37 =	vld.idx.msk [tilespmem:v11+s7+$0x0], $0xffff;
	v23 =	vadd.s32 $0x3, v29;
	v25 =	vadd.s32 $0x4, v29  }
0x2d6: {  	[tilespmem:s1+$0x12D00] =	vst v21;
	v29 =	vadd.s32 $0x3, v24;
	v21 =	vadd.s32 $0x4, v24;
	v24 =	vadd.s32 $0x4, v32;
	v32 =	vld.idx.msk [tilespmem:v10+s7+$0x0], $0xffff  }
0x2d7: {  	v8 =	vor.u32 s3, v4;
	v58 =	vadd.s32 $0x1, v56;
	v27 =	vadd.s32 v27, v57;
	[tilespmem:s1+$0xFF90] =	vst v25;
	v59 =	vld.idx.msk [tilespmem:v20+s7+$0x0], $0xffff  }
0x2d8: {  	v43 =	vadd.s32 $0x1, v35;
	v25 =	vadd.s32 $0xFFFFFFFF, v33;
	[tilespmem:s1+$0xF8A0] =	vst v21;
	v21 =	vadd.s32 $0xFFFFFFFF, v34  }
0x2d9: {  	[tilespmem:s1+$0x13090] =	vst v22;
	v48 =	vadd.s32 $0x3, v27;
	v27 =	vadd.s32 $0x4, v27;
	vm13 =	vgt.s32 v25, $0x0;
	v40 =	vld.idx.msk [tilespmem:v30+s7+$0x0], $0xffff  }
0x2da: {  	[tilespmem:s1+$0xFC00] =	vst v61;
	vm15 =	vgt.s32 v21, $0x0;
	v49 =	vadd.s32 $0xFFFFFFFF, v38;
	v25 =	vnsel vm13, $0x0, v25  }
0x2db: {  	[tilespmem:s1+$0xFF80] =	vst v28;
	v21 =	vnsel vm15, $0x0, v21;
	vm12 =	vgt.s32 v49, $0x0;
	v52 =	vadd.s32 $0xFFFFFFFF, v37  }
0x2dc: {  	[tilespmem:s1+$0xF890] =	vst v26;
	v60 =	vmulhi.u32 $0x14F8B589, v25;
	v46 =	vadd.s32 $0xFFFFFFFF, v32;
	v41 =	vadd.s32 $0xFFFFFFFF, v59  }
0x2dd: {  	[tilespmem:s1+$0xF520] =	vst v29;
	v29 =	vnsel vm12, $0x0, v49;
	vm14 =	vgt.s32 v52, $0x0;
	vm8 =	vgt.s32 v41, $0x0  }
0x2de: {  	[tilespmem:s1+$0xFC20] =	vst v39;
	v22 =	vld.idx.msk [tilespmem:v8+s7+$0x0], $0xffff;
	vm11 =	vgt.s32 v46, $0x0;
	v45 =	vadd.s32 $0xFFFFFFFF, v40;
	v41 =	vnsel vm8, $0x0, v41  }
0x2df: {  	[tilespmem:s1+$0xFFA0] =	vst v24;
	v24 =	vnsel vm14, $0x0, v52;
	vm10 =	vgt.s32 v45, $0x0;
	v44 =	vmulhi.u32 $0x14F8B589, v41  }
0x2e0: {  	[tilespmem:s1+$0xF500] =	vst v48;
	v39 =	vshrl.u32 v60, $0xD;
	v48 =	vmulhi.u32 $0x14F8B589, v24;
	v26 =	vnsel vm10, $0x0, v45  }
0x2e1: {  	[tilespmem:s1+$0xFC10] =	vst v23;
	v23 =	vnsel vm11, $0x0, v46;
	v51 =	vmulhi.u32 $0x14F8B589, v26;
	v44 =	vshrl.u32 v44, $0xD  }
0x2e2: {  	s0 =	simm.s32 $0x40;
	[tilespmem:s1+$0x10DB0] =	vst v58;
	v52 =	vmul.u32 $0xFFFE7960, v39;
	v58 =	vmulhi.u32 $0x14F8B589, v23;
	v50 =	vmul.u32 $0xFFFE7960, v44  }
0x2e3: {  	v42 =	vadd.s32 $0xFFFFFFFF, v22;
	[tilespmem:s0+$0x12D30] =	vst v59;
	v59 =	vmulhi.u32 $0x14F8B589, v29;
	v53 =	vshrl.u32 v51, $0xD  }
0x2e4: {  	[tilespmem:s0+$0x130B0] =	vst v40;
	v40 =	vshrl.u32 v48, $0xD;
	v46 =	vmul.u32 $0xFFFE7960, v53;
	v41 =	vadd.s32 v41, v50  }
0x2e5: {  	[tilespmem:s1+$0xF510] =	vst v62;
	v25 =	vadd.s32 v25, v52;
	v55 =	vmul.u32 $0x3, v44;
	v54 =	vmul.u32 $0xF, v41  }
0x2e6: {  	[tilespmem:s0+$0x13090] =	vst v33;
	vm9 =	vgt.s32 v42, $0x0;
	v31 =	vshrl.u32 v58, $0xD;
	v26 =	vadd.s32 v26, v46  }
0x2e7: {  	[tilespmem:s1+$0x10A30] =	vst v56;
	v57 =	vmul.u32 $0x3, v53;
	v26 =	vmul.u32 $0xF, v26;
	v56 =	vadd.s32 v55, v54  }
0x2e8: {  	[tilespmem:s0+$0x130A0] =	vst v34;
	v25 =	vmul.u32 $0xF, v25;
	v60 =	vmul.u32 $0x3, v40;
	v41 =	vadd.s32 $0x3, v56  }
0x2e9: {  	v28 =	vnsel vm9, $0x0, v42;
	v26 =	vadd.s32 v57, v26;
	v36 =	vadd.s32 $0x4, v56;
	[tilespmem:s0+$0xF530] =	vst v41  }
0x2ea: {  	v62 =	vshrl.u32 v59, $0xD;
	v49 =	vmul.u32 $0xFFFE7960, v31;
	v61 =	vadd.s32 $0x3, v26;
	[tilespmem:s0+$0xF8B0] =	vst v36  }
0x2eb: {  	v59 =	vmul.u32 $0x3, v39;
	v50 =	vmulhi.u32 $0x14F8B589, v21;
	v26 =	vadd.s32 $0x4, v26;
	[tilespmem:s0+$0xFC30] =	vst v61  }
0x2ec: {  	v23 =	vadd.s32 v23, v49;
	v51 =	vmul.u32 $0xFFFE7960, v62;
	v53 =	vmul.u32 $0xFFFE7960, v40;
	[tilespmem:s0+$0xFFB0] =	vst v26  }
0x2ed: {  	[tilespmem:s1+$0xF880] =	vst v27;
	v23 =	vmul.u32 $0xF, v23;
	v42 =	vshrl.u32 v50, $0xD;
	v26 =	vmulhi.u32 $0x14F8B589, v28;
	v27 =	vld.idx.msk [tilespmem:v30+s5+$0x0], $0xffff  }
0x2ee: {  	[tilespmem:s1+$0x10330] =	vst v35;
	v29 =	vadd.s32 v29, v51;
	v24 =	vadd.s32 v24, v53;
	v54 =	vmul.u32 $0xFFFE7960, v42  }
0x2ef: {  	[tilespmem:s1+$0x106B0] =	vst v43;
	v18 =	vld.idx.msk [tilespmem:v18+s5+$0x0], $0xffff;
	v29 =	vmul.u32 $0xF, v29;
	v56 =	vmul.u32 $0xF, v24;
	v26 =	vshrl.u32 v26, $0xD  }
0x2f0: {  	v19 =	vld.idx.msk [tilespmem:v19+s5+$0x0], $0xffff;
	[tilespmem:s0+$0x12D10] =	vst v38;
	v24 =	vmul.u32 $0x3, v62;
	v21 =	vadd.s32 v21, v54;
	v55 =	vmul.u32 $0xFFFE7960, v26  }
0x2f1: {  	v17 =	vld.idx.msk [tilespmem:v17+s5+$0x0], $0xffff;
	[tilespmem:s0+$0x12D20] =	vst v37;
	v62 =	vmul.u32 $0x3, v42;
	v57 =	vmul.u32 $0xF, v21;
	v21 =	vmul.u32 $0x3, v31  }
0x2f2: {  	v14 =	vld.idx.msk [tilespmem:v14+s5+$0x0], $0xffff;
	[tilespmem:s0+$0x13080] =	vst v32;
	v24 =	vadd.s32 v24, v29;
	v28 =	vadd.s32 v28, v55;
	v58 =	vmul.u32 $0xF, v27  }
0x2f3: {  	v15 =	vld.idx.msk [tilespmem:v15+s5+$0x0], $0xffff;
	[tilespmem:s0+$0x12D00] =	vst v22;
	v26 =	vmul.u32 $0x3, v26;
	v28 =	vmul.u32 $0xF, v28;
	v27 =	vadd.s32 v21, v23  }
0x2f4: {  	v22 =	vld.idx.msk [tilespmem:v20+s5+$0x0], $0xffff;
	v21 =	vadd.s32 v59, v25;
	v25 =	vadd.s32 v60, v56;
	v61 =	vadd.s32 $0x1, v58;
	[tilespmem:s0+$0x10A30] =	vst v58  }
0x2f5: {  	s16 =	simm.s32 $0x100;
	s17 =	sadd.s32 $0x80, s3;
	s15 =	simm.s32 $0x4;
	v16 =	vld.idx.msk [tilespmem:v16+s5+$0x0], $0xffff;
	v20 =	vadd.s32 $0x3, v27;
	v23 =	vadd.s32 v26, v28;
	v26 =	vadd.s32 v62, v57;
	[tilespmem:s0+$0x10DB0] =	vst v61  }
.LBB2_11:
0x2f6: {  	v28 =	vor.u32 s17, v4;
	s2 =	sadd.s32 $0x20, s17;
	s3 =	sadd.s32 $0x40, s17;
	s4 =	sadd.s32 $0x60, s17;
	[tilespmem:s0+$0xFC00] =	vst v20;
	v27 =	vadd.s32 $0x4, v27;
	v29 =	vadd.s32 $0x3, v24  }
0x2f7: {  	v30 =	vor.u32 s2, v4;
	v31 =	vor.u32 s3, v4;
	v20 =	vor.u32 s4, v4;
	[tilespmem:s0+$0xFF80] =	vst v27  }
0x2f8: {  	v27 =	vadd.s32 $0x3, v21;
	[tilespmem:s0+$0xF510] =	vst v29;
	v29 =	vadd.s32 $0x4, v24  }
0x2f9: {  	v32 =	vor.u32 s17, v7;
	s15 =	sadd.s32 $0x4, s15;
	v33 =	vor.u32 s2, v7;
	v24 =	vor.u32 s4, v7;
	[tilespmem:s0+$0xF890] =	vst v29  }
0x2fa: {  	v34 =	vadd.s32 $0x3, v25;
	p0 =	slt.u32 s15, $0x2C;
	v29 =	vor.u32 s3, v7;
	[tilespmem:s0+$0xFC10] =	vst v27;
	v27 =	vadd.s32 $0x4, v21  }
0x2fb: {  	v25 =	vadd.s32 $0x4, v25;
	v35 =	vadd.s32 $0x4, v26;
	v21 =	vld.idx.msk [tilespmem:v28+s7+$0x0], $0xffff;
	[tilespmem:s0+$0xFF90] =	vst v27;
	v27 =	vadd.s32 $0x3, v26  }
0x2fc: {  	v37 =	vadd.s32 $0x3, v23;
	v38 =	vadd.s32 $0x4, v23;
	v36 =	vld.idx.msk [tilespmem:v20+s7+$0x0], $0xffff;
	[tilespmem:s0+$0xF520] =	vst v34;
	v34 =	vmul.u32 $0xF, v15  }
0x2fd: {  	v39 =	vmul.u32 $0xF, v16;
	v40 =	vmul.u32 $0xF, v18;
	v41 =	vmul.u32 $0xF, v19;
	v26 =	vld.idx.msk [tilespmem:v30+s7+$0x0], $0xffff;
	[tilespmem:s0+$0xF8A0] =	vst v25  }
0x2fe: {  	v23 =	vmul.u32 $0xF, v14;
	v22 =	vmul.u32 $0xF, v22;
	v25 =	vmul.u32 $0xF, v17;
	v42 =	vld.idx.msk [tilespmem:v24+s7+$0x0], $0xffff;
	[tilespmem:s0+$0xFC20] =	vst v27  }
0x2ff: {  	v16 =	vadd.s32 $0x1, v39;
	v17 =	vadd.s32 $0x1, v40;
	v14 =	vadd.s32 $0x1, v34;
	v27 =	vld.idx.msk [tilespmem:v32+s7+$0x0], $0xffff;
	[tilespmem:s0+$0xFFA0] =	vst v35  }
0x300: {  	v19 =	vadd.s32 $0x1, v41;
	v43 =	vadd.s32 $0x1, v23;
	v35 =	vld.idx.msk [tilespmem:v33+s7+$0x0], $0xffff;
	[tilespmem:s0+$0xF500] =	vst v37;
	v37 =	vadd.s32 $0x1, v25  }
0x301: {  	v15 =	vadd.s32 $0xFFFFFFFF, v21;
	v44 =	vld.idx.msk [tilespmem:v31+s7+$0x0], $0xffff;
	[tilespmem:s0+$0xF880] =	vst v38;
	v38 =	vadd.s32 $0x1, v22  }
0x302: {  	vm0 =	vgt.s32 v15, $0x0;
	v18 =	vadd.s32 $0xFFFFFFFF, v36;
	v45 =	vld.idx.msk [tilespmem:v29+s7+$0x0], $0xffff;
	[tilespmem:s1+$0x10680] =	vst v14  }
0x303: {  	v46 =	vnsel vm0, $0x0, v15;
	v47 =	vadd.s32 $0xFFFFFFFF, v26;
	vm1 =	vgt.s32 v18, $0x0;
	v15 =	vld.idx.msk [tilespmem:v8+s5+$0x0], $0xffff;
	[tilespmem:s1+$0x10D80] =	vst v16;
	v8 =	vmovc v28  }
0x304: {  	vm0 =	vgt.s32 v47, $0x0;
	v28 =	vnsel vm1, $0x0, v18;
	v14 =	vadd.s32 $0xFFFFFFFF, v42;
	v16 =	vld.idx.msk [tilespmem:v10+s5+$0x0], $0xffff;
	[tilespmem:s1+$0x10690] =	vst v17;
	v10 =	vmovc v32  }
0x305: {  	v32 =	vadd.s32 $0xFFFFFFFF, v27;
	vm1 =	vgt.s32 v14, $0x0;
	v17 =	vmulhi.u32 $0x14F8B589, v28;
	v18 =	vld.idx.msk [tilespmem:v9+s5+$0x0], $0xffff;
	[tilespmem:s1+$0x10D90] =	vst v19;
	v9 =	vmovc v30  }
0x306: {  	vm2 =	vgt.s32 v32, $0x0;
	v30 =	vadd.s32 $0xFFFFFFFF, v35;
	v48 =	vnsel vm1, $0x0, v14;
	v19 =	vld.idx.msk [tilespmem:v12+s5+$0x0], $0xffff;
	[tilespmem:s1+$0x106A0] =	vst v37;
	v12 =	vmovc v33  }
0x307: {  	v33 =	vadd.s32 $0xFFFFFFFF, v44;
	v37 =	vshrl.u32 v17, $0xD;
	v49 =	vmulhi.u32 $0x14F8B589, v48;
	v17 =	vld.idx.msk [tilespmem:v11+s5+$0x0], $0xffff;
	[tilespmem:s1+$0x10DA0] =	vst v43;
	v11 =	vmovc v31  }
0x308: {  	vm1 =	vgt.s32 v30, $0x0;
	v31 =	vadd.s32 $0xFFFFFFFF, v45;
	v43 =	vmul.u32 $0xFFFE7960, v37;
	v14 =	vld.idx.msk [tilespmem:v13+s5+$0x0], $0xffff;
	[tilespmem:s0+$0x106B0] =	vst v38;
	v13 =	vmovc v29  }
0x309: {  	vm3 =	vgt.s32 v33, $0x0;
	vm4 =	vgt.s32 v31, $0x0;
	v29 =	vshrl.u32 v49, $0xD;
	[tilespmem:s1+$0x10300] =	vst v34  }
0x30a: {  	v32 =	vnsel vm2, $0x0, v32;
	v28 =	vadd.s32 v28, v43;
	v34 =	vmul.u32 $0xFFFE7960, v29;
	[tilespmem:s1+$0x10A00] =	vst v39  }
0x30b: {  	s16 =	sadd.s32 $0x100, s16;
	v37 =	vmul.u32 $0x3, v37;
	v38 =	vnsel vm0, $0x0, v47;
	v28 =	vmul.u32 $0xF, v28;
	[tilespmem:s1+$0x10310] =	vst v40  }
0x30c: {  	s2 =	sshra.s32 s16, $0x2;
	v30 =	vnsel vm1, $0x0, v30;
	v33 =	vnsel vm3, $0x0, v33;
	v34 =	vadd.s32 v48, v34;
	[tilespmem:s1+$0x10A10] =	vst v41  }
0x30d: {  	v29 =	vmul.u32 $0x3, v29;
	v28 =	vadd.s32 v37, v28;
	v34 =	vmul.u32 $0xF, v34;
	[tilespmem:s2+$0x12D30] =	vst v36  }
0x30e: {  	v31 =	vnsel vm4, $0x0, v31;
	v36 =	vmulhi.u32 $0x14F8B589, v32;
	v37 =	vadd.s32 $0x3, v28;
	[tilespmem:s2+$0x130B0] =	vst v42  }
0x30f: {  	v39 =	vmulhi.u32 $0x14F8B589, v38;
	v28 =	vadd.s32 $0x4, v28;
	v29 =	vadd.s32 v29, v34;
	[tilespmem:s2+$0xF530] =	vst v37  }
0x310: {  	v34 =	vshrl.u32 v36, $0xD;
	v36 =	vmulhi.u32 $0x14F8B589, v30;
	v37 =	vadd.s32 $0x3, v29;
	[tilespmem:s2+$0xF8B0] =	vst v28  }
0x311: {  	v29 =	vadd.s32 $0x4, v29;
	v28 =	vshrl.u32 v39, $0xD;
	v39 =	vmulhi.u32 $0x14F8B589, v33;
	[tilespmem:s2+$0xFC30] =	vst v37  }
0x312: {  	v40 =	vmulhi.u32 $0x14F8B589, v31;
	v37 =	vmul.u32 $0xFFFE7960, v34;
	v36 =	vshrl.u32 v36, $0xD;
	[tilespmem:s2+$0xFFB0] =	vst v29  }
0x313: {  	v29 =	vmul.u32 $0xFFFE7960, v28;
	v39 =	vshrl.u32 v39, $0xD;
	[tilespmem:s2+$0x13080] =	vst v27;
	v27 =	vmulhi.u32 $0x14F8B589, v46;
	v24 =	vld.idx.msk [tilespmem:v24+s5+$0x0], $0xffff  }
0x314: {  	v40 =	vshrl.u32 v40, $0xD;
	v41 =	vmul.u32 $0xFFFE7960, v39;
	[tilespmem:s2+$0x12D10] =	vst v26;
	v26 =	vmul.u32 $0xFFFE7960, v36  }
0x315: {  	v32 =	vadd.s32 v32, v37;
	v27 =	vshrl.u32 v27, $0xD;
	[tilespmem:s2+$0x13090] =	vst v35;
	v35 =	vmul.u32 $0xFFFE7960, v40  }
0x316: {  	v29 =	vadd.s32 v38, v29;
	v37 =	vmul.u32 $0xFFFE7960, v27;
	v26 =	vadd.s32 v30, v26;
	[tilespmem:s2+$0x12D20] =	vst v44  }
0x317: {  	v30 =	vmul.u32 $0xF, v32;
	v32 =	vadd.s32 v33, v41;
	[tilespmem:s2+$0x130A0] =	vst v45;
	v31 =	vadd.s32 v31, v35  }
0x318: {  	v29 =	vmul.u32 $0xF, v29;
	v26 =	vmul.u32 $0xF, v26;
	[tilespmem:s2+$0x12D00] =	vst v21;
	v21 =	vadd.s32 v46, v37  }
0x319: {  	v32 =	vmul.u32 $0xF, v32;
	v31 =	vmul.u32 $0xF, v31;
	v33 =	vmul.u32 $0xF, v24;
	[tilespmem:s1+$0x10320] =	vst v25  }
.Ltmp4:
0x31a: {  	v24 =	vmul.u32 $0x3, v28;
	v35 =	vmul.u32 $0xF, v21;
	v21 =	vmul.u32 $0x3, v34;
	[tilespmem:s1+$0x10A20] =	vst v23;
	s1 =	smov.u32 s0;
	s0 =	smov.u32 s2;
	(pc) =	sbr.rel @p0 .LBB2_11-.Ltmp4, $4  }
0x31b: {  	v25 =	vmul.u32 $0x3, v39;
	v23 =	vmul.u32 $0x3, v36;
	v28 =	vadd.s32 $0x1, v33;
	[tilespmem:s1+$0x10330] =	vst v22  }
0x31c: {  	v34 =	vmul.u32 $0x3, v27;
	v27 =	vadd.s32 v21, v30;
	v30 =	vmul.u32 $0x3, v40;
	v22 =	vld.idx.msk [tilespmem:v20+s5+$0x0], $0xffff;
	[tilespmem:s0+$0x10DB0] =	vst v28  }
0x31d: {  	v24 =	vadd.s32 v24, v29;
	v25 =	vadd.s32 v25, v32;
	v21 =	vadd.s32 v23, v26;
	[tilespmem:s0+$0x10A30] =	vst v33  }
0x31e: {  	s17 =	sadd.s32 $0x80, s17;
	v23 =	vadd.s32 v34, v35;
	v20 =	vadd.s32 $0x3, v27;
	v26 =	vadd.s32 v30, v31  }
0x31f: {  	[tilespmem:s0+$0xFC00] =	vst v20;
	v20 =	vadd.s32 $0x4, v27  }
0x320: {  	v27 =	vadd.s32 $0x3, v24;
	[tilespmem:s0+$0xFF80] =	vst v20  }
0x321: {  	[tilespmem:s0+$0xF510] =	vst v27;
	v20 =	vadd.s32 $0x4, v24  }
0x322: {  	v15 =	vmul.u32 $0xF, v15;
	v24 =	vadd.s32 $0x3, v21;
	[tilespmem:s0+$0xF890] =	vst v20  }
0x323: {  	v16 =	vmul.u32 $0xF, v16;
	[tilespmem:s0+$0xFC10] =	vst v24  }
0x324: {  	v18 =	vmul.u32 $0xF, v18;
	[tilespmem:s1+$0x10300] =	vst v15  }
0x325: {  	v19 =	vmul.u32 $0xF, v19;
	[tilespmem:s1+$0x10A00] =	vst v16  }
0x326: {  	v17 =	vmul.u32 $0xF, v17;
	[tilespmem:s1+$0x10310] =	vst v18  }
0x327: {  	v14 =	vmul.u32 $0xF, v14;
	[tilespmem:s1+$0x10A10] =	vst v19  }
0x328: {  	[tilespmem:s1+$0x10320] =	vst v17  }
0x329: {  	v20 =	vadd.s32 $0x4, v21;
	[tilespmem:s1+$0x10A20] =	vst v14  }
0x32a: {  	v21 =	vadd.s32 $0x3, v25;
	[tilespmem:s0+$0xFF90] =	vst v20  }
0x32b: {  	v20 =	vadd.s32 $0x4, v25;
	[tilespmem:s0+$0xF520] =	vst v21  }
0x32c: {  	v21 =	vadd.s32 $0x3, v26;
	[tilespmem:s0+$0xF8A0] =	vst v20  }
0x32d: {  	v20 =	vadd.s32 $0x4, v26;
	[tilespmem:s0+$0xFC20] =	vst v21  }
0x32e: {  	v21 =	vadd.s32 $0x3, v23;
	[tilespmem:s0+$0xFFA0] =	vst v20  }
0x32f: {  	v20 =	vadd.s32 $0x4, v23;
	[tilespmem:s0+$0xF500] =	vst v21  }
0x330: {  	v21 =	vadd.s32 $0x1, v15;
	[tilespmem:s0+$0xF880] =	vst v20  }
0x331: {  	v20 =	vadd.s32 $0x1, v16;
	[tilespmem:s1+$0x10680] =	vst v21  }
0x332: {  	v9 =	vld.idx.msk [tilespmem:v9+s5+$0x0], $0xffff;
	v21 =	vadd.s32 $0x1, v18;
	[tilespmem:s1+$0x10D80] =	vst v20  }
0x333: {  	v12 =	vld.idx.msk [tilespmem:v12+s5+$0x0], $0xffff;
	v20 =	vadd.s32 $0x1, v19;
	[tilespmem:s1+$0x10690] =	vst v21  }
0x334: {  	v11 =	vld.idx.msk [tilespmem:v11+s5+$0x0], $0xffff;
	v21 =	vmul.u32 $0xF, v22;
	v22 =	vadd.s32 $0x1, v17;
	[tilespmem:s1+$0x10D90] =	vst v20  }
0x335: {  	v13 =	vld.idx.msk [tilespmem:v13+s5+$0x0], $0xffff;
	v20 =	vadd.s32 $0x1, v14;
	[tilespmem:s1+$0x106A0] =	vst v22  }
0x336: {  	v8 =	vld.idx.msk [tilespmem:v8+s5+$0x0], $0xffff;
	[tilespmem:s1+$0x10DA0] =	vst v20  }
0x337: {  	v10 =	vld.idx.msk [tilespmem:v10+s5+$0x0], $0xffff;
	v22 =	vadd.s32 $0x1, v21;
	[tilespmem:s0+$0x10330] =	vst v21;
	v9 =	vmul.u32 $0xF, v9  }
0x338: {  	v12 =	vmul.u32 $0xF, v12;
	[tilespmem:s0+$0x106B0] =	vst v22  }
0x339: {  	v11 =	vmul.u32 $0xF, v11;
	[tilespmem:s0+$0x10310] =	vst v9  }
0x33a: {  	v13 =	vmul.u32 $0xF, v13;
	[tilespmem:s0+$0x10A10] =	vst v12  }
0x33b: {  	v8 =	vmul.u32 $0xF, v8;
	[tilespmem:s0+$0x10320] =	vst v11  }
0x33c: {  	v10 =	vmul.u32 $0xF, v10;
	[tilespmem:s0+$0x10A20] =	vst v13  }
0x33d: {  	[tilespmem:s0+$0x10300] =	vst v8  }
0x33e: {  	s1 =	sadd.s32 $0x300, s30;
	v14 =	vadd.s32 $0x1, v8;
	[tilespmem:s0+$0x10A00] =	vst v10  }
0x33f: {  	s2 =	sshll.u32 s1, $0x1;
	v15 =	vadd.s32 $0x1, v10;
	[tilespmem:s0+$0x10680] =	vst v14  }
0x340: {  	v8 =	vor.u32 s2, v4;
	v14 =	vadd.s32 $0x1, v9;
	[tilespmem:s0+$0x10D80] =	vst v15  }
0x341: {  	v15 =	vadd.s32 $0x1, v12;
	[tilespmem:s0+$0x10690] =	vst v14  }
0x342: {  	v7 =	vor.u32 s2, v7;
	v14 =	vadd.s32 $0x1, v11;
	[tilespmem:s0+$0x10D90] =	vst v15  }
0x343: {  	v15 =	vadd.s32 $0x1, v13;
	[tilespmem:s0+$0x106A0] =	vst v14  }
0x344: {  	[tilespmem:s0+$0x10DA0] =	vst v15;
	s0 =	simm.s32 $0x0  }
0x345: {  	v9 =	vld.idx.msk [tilespmem:v8+s0+$0x0], $0xffff;
	_ =	sdelay $0x1  }
0x346: {  	v10 =	vld.idx.msk [tilespmem:v7+s0+$0x0], $0xffff;
	_ =	sdelay $0x2  }
0x347: {  	v11 =	vadd.s32 $0xFFFFFFFF, v9  }
0x348: {  	vm0 =	vgt.s32 v11, $0x0  }
0x349: {  	v12 =	vadd.s32 $0xFFFFFFFF, v10;
	v11 =	vnsel vm0, $0x0, v11  }
0x34a: {  	vm0 =	vgt.s32 v12, $0x0;
	v13 =	vmulhi.u32 $0x14F8B589, v11  }
0x34b: {  	v12 =	vnsel vm0, $0x0, v12  }
0x34c: {  	v14 =	vmulhi.u32 $0x14F8B589, v12;
	v13 =	vshrl.u32 v13, $0xD  }
0x34d: {  	v15 =	vmul.u32 $0xFFFE7960, v13  }
0x34e: {  	v14 =	vshrl.u32 v14, $0xD  }
0x34f: {  	v11 =	vadd.s32 v11, v15;
	v15 =	vmul.u32 $0xFFFE7960, v14  }
0x350: {  	v13 =	vmul.u32 $0x3, v13;
	v11 =	vmul.u32 $0xF, v11  }
0x351: {  	v12 =	vadd.s32 v12, v15  }
0x352: {  	[tilespmem:$0x13000] =	vst v9;
	v9 =	vadd.s32 v13, v11;
	v11 =	vmul.u32 $0xF, v12;
	v12 =	vmul.u32 $0x3, v14  }
0x353: {  	[tilespmem:$0x13380] =	vst v10;
	v10 =	vadd.s32 $0x3, v9  }
0x354: {  	v9 =	vadd.s32 $0x4, v9;
	v11 =	vadd.s32 v12, v11;
	[tilespmem:$0xF800] =	vst v10  }
0x355: {  	[tilespmem:$0xFB80] =	vst v9;
	v10 =	vadd.s32 $0x3, v11  }
0x356: {  	v9 =	vadd.s32 $0x4, v11;
	[tilespmem:$0xFF00] =	vst v10  }
0x357: {  	[tilespmem:$0x10280] =	vst v9  }
0x358: {  	v8 =	vld.idx.msk [tilespmem:v8+s5+$0x0], $0xffff  }
0x359: {  	v7 =	vld.idx.msk [tilespmem:v7+s5+$0x0], $0xffff;
	_ =	sdelay $0x3  }
0x35a: {  	v8 =	vmul.u32 $0xF, v8  }
0x35b: {  	v7 =	vmul.u32 $0xF, v7  }
0x35c: {  	[tilespmem:$0x10600] =	vst v8  }
0x35d: {  	v8 =	vadd.s32 $0x1, v8;
	[tilespmem:$0x10D00] =	vst v7  }
0x35e: {  	v7 =	vadd.s32 $0x1, v7;
	[tilespmem:$0x10980] =	vst v8  }
0x35f: {  	[tilespmem:$0x11080] =	vst v7  }
0x360: {  	[tilespmem:s18], [sflag:$0x4] =	stream.indirect.gather [hbm4b:s8+s12], $0x1, s14, s12, $0x2000b8;
	[tilespmem:$0x13480] =	vst v63  }
0x361: {  	_ = 	snop  }
0x362: {  	[tilespmem:s21], [sflag:$0x4] =	stream.indirect.gather [hbm4b:s8+s12], $0x1, s20, s12, $0x2000b8;
	[tilespmem:$0x13480] =	vst v63  }
0x363: {  	_ = 	snop  }
0x364: {  	[tilespmem:s23], [sflag:$0x4] =	stream.indirect.gather [hbm4b:s8+s12], $0x1, s22, s12, $0x2000b8;
	[tilespmem:$0x13480] =	vst v63  }
0x365: {  	s4 =	simm.s32 $0x11B80  }
0x366: {  	[tilespmem:s4], [sflag:$0x4] =	stream.indirect.gather [hbm4b:s8+s12], $0x1, s24, s12, $0x2000b8;
	[tilespmem:$0x13480] =	vst v63  }
0x367: {  	s15 =	simm.s32 $0x10300;
	s3 =	simm.s32 $0x11F00  }
0x368: {  	[tilespmem:s3], [sflag:$0x4] =	stream.indirect.gather [hbm4b:s8+s12], $0x1, s15, s12, $0x2000b8;
	[tilespmem:$0x13480] =	vst v63  }
0x369: {  	s16 =	simm.s32 $0x10680;
	s17 =	simm.s32 $0x12280  }
0x36a: {  	[tilespmem:s17], [sflag:$0x4] =	stream.indirect.gather [hbm4b:s8+s12], $0x1, s16, s12, $0x2000b8;
	[tilespmem:$0x13480] =	vst v63  }
0x36b: {  	s4 =	simm.s32 $0x10A00;
	s15 =	simm.s32 $0x12600  }
0x36c: {  	[tilespmem:s15], [sflag:$0x4] =	stream.indirect.gather [hbm4b:s8+s12], $0x1, s4, s12, $0x2000b8;
	[tilespmem:$0x13480] =	vst v63  }
0x36d: {  	s16 =	simm.s32 $0x10D80;
	s17 =	simm.s32 $0x12980  }
0x36e: {  	[tilespmem:s17], [sflag:$0x4] =	stream.indirect.gather [hbm4b:s8+s12], $0x1, s16, s12, $0x2000b8;
	[tilespmem:$0x13480] =	vst v63  }
0x36f: {  	_ =	swait.ge [sflag:s6], $0x930  }
0x370: {  	[sflag:s6] =	ssyncset.done $0x0  }
0x371: {  	s3 =	simm.s32 $0x4;
	[sflag:s6] =	ssyncadd.s32 $0xFFFFF6D0  }
0x372: {  	_ =	swait.ge [sflag:s3], $0x310  }
0x373: {  	[sflag:s3] =	ssyncset.done $0x0  }
0x374: {  	[sflag:s3] =	ssyncadd.s32 $0xFFFFFCF0  }
0x375: {  	_ =	swait.ge [sflag:s3], $0x310  }
0x376: {  	[sflag:s3] =	ssyncset.done $0x0  }
0x377: {  	[sflag:s3] =	ssyncadd.s32 $0xFFFFFCF0  }
0x378: {  	_ =	swait.ge [sflag:s3], $0x310  }
0x379: {  	[sflag:s3] =	ssyncset.done $0x0  }
0x37a: {  	[sflag:s3] =	ssyncadd.s32 $0xFFFFFCF0  }
0x37b: {  	_ =	swait.ge [sflag:s3], $0x310  }
0x37c: {  	[sflag:s3] =	ssyncset.done $0x0  }
0x37d: {  	[sflag:s3] =	ssyncadd.s32 $0xFFFFFCF0  }
0x37e: {  	_ =	swait.ge [sflag:s3], $0x310  }
0x37f: {  	[sflag:s3] =	ssyncset.done $0x0  }
0x380: {  	[sflag:s3] =	ssyncadd.s32 $0xFFFFFCF0  }
0x381: {  	_ =	swait.ge [sflag:s3], $0x310  }
0x382: {  	[sflag:s3] =	ssyncset.done $0x0  }
0x383: {  	[sflag:s3] =	ssyncadd.s32 $0xFFFFFCF0  }
0x384: {  	_ =	swait.ge [sflag:s3], $0x310  }
0x385: {  	[sflag:s3] =	ssyncset.done $0x0  }
0x386: {  	[sflag:s3] =	ssyncadd.s32 $0xFFFFFCF0  }
0x387: {  	_ =	swait.ge [sflag:s3], $0x310  }
0x388: {  	[sflag:s3] =	ssyncset.done $0x0  }
0x389: {  	s16 =	simm.s32 $0x0;
	[sflag:s3] =	ssyncadd.s32 $0xFFFFFCF0  }
0x38a: {  	v2 =	vld [tilespmem:s16+$0x114B0]  }
0x38b: {  	v42 =	vld [tilespmem:s16+$0x12D30]  }
0x38c: {  	v33 =	vld [tilespmem:s16+$0x130B0]  }
0x38d: {  	v45 =	vld [tilespmem:s16+$0x12D20]  }
0x38e: {  	v44 =	vld [tilespmem:s16+$0x130A0]  }
0x38f: {  	v6 =	vld [tilespmem:s16+$0x11130];
	[tilespmem:$0x1FC30] =	vst v2  }
0x390: {  	v2 =	vld [tilespmem:s16+$0x13090];
	_ =	sdelay $0x2  }
0x391: {  	v15 =	vld [tilespmem:s16+$0x11830]  }
0x392: {  	v16 =	vld [tilespmem:s16+$0x11BB0]  }
0x393: {  	v9 =	vmov s19;
	v34 =	vld [tilespmem:s16+$0x12D10];
	[tilespmem:$0x1FC20] =	vst v2  }
0x394: {  	v8 =	vmov s25;
	v17 =	vld [tilespmem:s16+$0x11120]  }
0x395: {  	v19 =	vld [tilespmem:s16+$0x114A0]  }
0x396: {  	v18 =	vld [tilespmem:s16+$0x11820]  }
0x397: {  	v20 =	vld [tilespmem:s16+$0x11BA0]  }
0x398: {  	v41 =	vld.idx.msk [tilespmem:v9+s16+$0x0 ss:$0x1], $0xffff  }
0x399: {  	v43 =	vld.idx.msk [tilespmem:v8+s16+$0x0 ss:$0x1], $0xffff  }
0x39a: {  	v54 =	vld [tilespmem:s16+$0x12D00]  }
0x39b: {  	v55 =	vld [tilespmem:s16+$0x13080]  }
0x39c: {  	v21 =	vld [tilespmem:s16+$0x11110]  }
0x39d: {  	v23 =	vld [tilespmem:s16+$0x11490]  }
0x39e: {  	v22 =	vld [tilespmem:s16+$0x11810]  }
0x39f: {  	v24 =	vld [tilespmem:s16+$0x11B90]  }
0x3a0: {  	v47 =	vld.idx.msk [tilespmem:v9+s16+$0xFFFFFFF0 ss:$0x1], $0xffff  }
0x3a1: {  	v48 =	vld.idx.msk [tilespmem:v8+s16+$0xFFFFFFF0 ss:$0x1], $0xffff  }
0x3a2: {  	v29 =	vld [tilespmem:s16+$0x12630]  }
0x3a3: {  	v31 =	vld [tilespmem:s16+$0x11F30]  }
0x3a4: {  	v26 =	vld [tilespmem:s16+$0x129B0]  }
0x3a5: {  	v27 =	vld [tilespmem:s16+$0x122B0]  }
0x3a6: {  	v49 =	vld [tilespmem:s16+$0x11100]  }
0x3a7: {  	v50 =	vld [tilespmem:s16+$0x11480]  }
0x3a8: {  	v51 =	vld [tilespmem:s16+$0x11800]  }
0x3a9: {  	v12 =	vmov s26;
	v52 =	vld [tilespmem:s16+$0x11B80]  }
0x3aa: {  	v35 =	vld [tilespmem:s16+$0x12620]  }
0x3ab: {  	v38 =	vld [tilespmem:s16+$0x11F20]  }
0x3ac: {  	v32 =	vld [tilespmem:s16+$0x129A0]  }
0x3ad: {  	v36 =	vld [tilespmem:s16+$0x122A0]  }
0x3ae: {  	v7 =	vmov s0;
	v39 =	vld.idx.msk [tilespmem:v12+s16+$0x0 ss:$0x1], $0xffff  }
0x3af: {  	v10 =	vmul.u32 $0x3, v63;
	v7 =	vmul.u32 $0x3, v7;
	v37 =	vld [tilespmem:s16+$0x12610]  }
0x3b0: {  	s15 =	simm.s32 $0x30;
	v40 =	vld.idx.msk [tilespmem:v12+s16+$0xFFFFFFF0 ss:$0x1], $0xffff  }
0x3b1: {  	v14 =	vadd.s32 $0x2, v10;
	v11 =	vor.u32 v10, v7;
	v13 =	vmov s15;
	v53 =	vld [tilespmem:s16+$0x12600]  }
0x3b2: {  	v46 =	vor.u32 v14, v7;
	v13 =	vmul.u32 $0x3, v13;
	s17 =	simm.s32 $0x10;
	v56 =	vld [tilespmem:s16+$0x11F00]  }
0x3b3: {  	v4 =	vmov s31;
	s4 =	simm.s32 $0x20;
	v62 =	vmov s17;
	v57 =	vld [tilespmem:s16+$0x12980]  }
0x3b4: {  	v7 =	vmov s4;
	v60 =	vadd.s32 v10, v13;
	v62 =	vmul.u32 $0x3, v62;
	v58 =	vld.idx.msk [tilespmem:v12+s16+$0xFFFFFFE0 ss:$0x1], $0xffff  }
0x3b5: {  	v3 =	vadd.s32 s0, v4;
	v59 =	vmul.u32 $0x3, v7;
	v28 =	vadd.s32 v14, v13;
	v61 =	vld.idx.msk [tilespmem:v12+s16+$0xFFFFFFD0 ss:$0x1], $0xffff  }
0x3b6: {  	vm0 =	vlt.u32 v3, $0x30D40;
	v3 =	vadd.s32 v10, v62;
	v2 =	vld.idx.msk [tilespmem:v11+s11+$0x0], $0xffff  }
0x3b7: {  	v25 =	vadd.s32 v10, v59;
	v63 =	vld.idx.msk [tilespmem:v46+s11+$0x0], $0xffff;
	[tilespmem:$0x1FC10] =	vst v4  }
0x3b8: {  	v30 =	vld [tilespmem:s16+$0x12280]  }
0x3b9: {  	v46 =	vld.idx.msk [tilespmem:v60+s11+$0x0], $0xffff  }
0x3ba: {  	(erf) = vrcp.f32 v39;
	v39 =	vld.idx.msk [tilespmem:v28+s11+$0x0], $0xffff  }
0x3bb: {  	v62 =	vadd.s32 v14, v62;
	vm4 =	vgt.s32 v33, $0x0;
	v33 =	vmul.f32 v43, v41;
	v43 =	vld.idx.msk [tilespmem:v3+s11+$0x0], $0xffff  }
0x3bc: {  	v59 =	vadd.s32 v14, v59;
	(erf) = vrcp.f32 v40;
	v40 =	vld.idx.msk [tilespmem:v25+s11+$0x0], $0xffff;
	v25 =	vsub.f32 v53, v56  }
0x3bd: {  	vm1 =	vgt.s32 v34, $0x0;
	v34 =	vmul.f32 v48, v47;
	v47 =	vmul.f32 v49, v2;
	v3 =	vld [tilespmem:$0x1FC20]  }
0x3be: {  	v13 =	vadd.s32 s17, v4;
	v49 =	vmul.f32 v51, v2;
	v51 =	vmul.f32 v25, v2;
	v2 =	vld [tilespmem:$0x1FC30]  }
0x3bf: {  	vm5 =	vgt.s32 v42, $0x0;
	vm3 =	vgt.s32 v45, $0x0;
	vm2 =	vgt.s32 v44, $0x0  }
0x3c0: {  	v11 =	vadd.s32 s4, v4;
	v42 =	vld.idx.msk [tilespmem:v62+s11+$0x0], $0xffff;
	v48 =	vmul.f32 v50, v63;
	v28 =	vsub.f32 v57, v30  }
0x3c1: {  	v44 =	vld [tilespmem:s16+$0x12990];
	v50 =	vmul.f32 v52, v63;
	vm7 =	vgt.s32 v54, $0x0;
	(erf) = vrcp.f32 v58  }
0x3c2: {  	v41 =	vld.idx.msk [tilespmem:v59+s11+$0x0], $0xffff;
	vm8 =	vgt.s32 v55, $0x0;
	(erf) = vrcp.f32 v61;
	v52 =	vmul.f32 v28, v63  }
0x3c3: {  	s31 =	simm.s32 $0x0;
	s17 =	simm.s32 $0x100;
	v7 =	vmovc v5;
	v53 =	vld [tilespmem:s16+$0x11F10];
	v28 =	vmul.f32 v6, v46;
	vm6 =	vgt.s32 v3, $0x0;
	v30 =	vmul.f32 v2, v39  }
.LBB2_13:
0x3c4: {  	v2 =	vld [tilespmem:s16+$0x12290]  }
0x3c5: {  	v61 =	vld.idx.msk [tilespmem:v9+s16+$0xFFFFFFD0 ss:$0x1], $0xffff  }
0x3c6: {  	v45 =	vld.idx.msk [tilespmem:v8+s16+$0xFFFFFFD0 ss:$0x1], $0xffff  }
0x3c7: {  	v56 =	vld.idx.msk [tilespmem:v8+s16+$0xFFFFFFE0 ss:$0x1], $0xffff  }
0x3c8: {  	s2 =	sshra.s32 s17, $0x2;
	v4 =	vld [tilespmem:$0x1FC10]  }
0x3c9: {  	v25 =	vld [tilespmem:s2+$0x12D30]  }
0x3ca: {  	v3 =	vsub.f32 v29, v31;
	v29 =	vld.idx.msk [tilespmem:v9+s16+$0xFFFFFFE0 ss:$0x1], $0xffff;
	s16 =	smov.u32 s2  }
0x3cb: {  	v60 =	vadd.f32 v30, v28;
	v28 =	vld [tilespmem:s16+$0x11130]  }
0x3cc: {  	v30 =	vld [tilespmem:s16+$0x114B0]  }
0x3cd: {  	v2 =	vsub.f32 v44, v2;
	v44 =	vld [tilespmem:s16+$0x12D00]  }
0x3ce: {  	v57 =	vadd.f32 v48, v47;
	v47 =	vld.idx.msk [tilespmem:v9+s16+$0xFFFFFFF0 ss:$0x1], $0xffff  }
0x3cf: {  	v48 =	vld.idx.msk [tilespmem:v8+s16+$0xFFFFFFF0 ss:$0x1], $0xffff  }
0x3d0: {  	v58 =	vadd.f32 v50, v49;
	v49 =	vld [tilespmem:s16+$0x11800]  }
0x3d1: {  	v50 =	vld [tilespmem:s16+$0x11B80]  }
0x3d2: {  	v31 =	vsub.f32 v35, v38;
	v38 =	vld [tilespmem:s16+$0x11F20]  }
0x3d3: {  	v32 =	vsub.f32 v32, v36;
	v36 =	vld [tilespmem:s16+$0x122A0]  }
0x3d4: {  	v59 =	vadd.f32 v52, v51;
	v51 =	vld.idx.msk [tilespmem:v12+s16+$0x0 ss:$0x1], $0xffff  }
0x3d5: {  	v15 =	vmul.f32 v15, v46;
	v16 =	vmul.f32 v16, v39;
	v52 =	vld.idx.msk [tilespmem:v12+s16+$0xFFFFFFF0 ss:$0x1], $0xffff  }
0x3d6: {  	v17 =	vmul.f32 v17, v40;
	v19 =	vmul.f32 v19, v41;
	v37 =	vsub.f32 v37, v53;
	v53 =	vld [tilespmem:s16+$0x12600]  }
0x3d7: {  	v26 =	vsub.f32 v26, v27;
	v18 =	vmul.f32 v18, v40;
	v20 =	vmul.f32 v20, v41;
	v54 =	vld [tilespmem:s16+$0x11F00]  }
0x3d8: {  	v21 =	vmul.f32 v21, v43;
	v23 =	vmul.f32 v23, v42;
	v55 =	vld [tilespmem:s16+$0x12980]  }
0x3d9: {  	v22 =	vmul.f32 v22, v43;
	v26 =	vmul.f32 v26, v39;
	v39 =	vld [tilespmem:s16+$0x130B0]  }
0x3da: {  	v24 =	vmul.f32 v24, v42;
	v31 =	vmul.f32 v31, v40;
	v40 =	vld [tilespmem:s16+$0x12D20]  }
0x3db: {  	v3 =	vmul.f32 v3, v46;
	v32 =	vmul.f32 v32, v41;
	v41 =	vld [tilespmem:s16+$0x130A0]  }
0x3dc: {  	v37 =	vmul.f32 v37, v43;
	v17 =	vadd.f32 v19, v17;
	v19 =	vadd.f32 v16, v15;
	v15 =	vld [tilespmem:s16+$0x11830]  }
0x3dd: {  	v27 =	vpop (erf);
	v18 =	vadd.f32 v20, v18;
	v20 =	vmul.f32 v45, v61;
	v21 =	vadd.f32 v23, v21;
	v16 =	vld [tilespmem:s16+$0x11BB0]  }
0x3de: {  	v35 =	vpop (erf);
	v22 =	vadd.f32 v24, v22;
	v43 =	vld [tilespmem:s16+$0x12D10];
	v2 =	vmul.f32 v2, v42;
	v3 =	vadd.f32 v26, v3  }
0x3df: {  	v45 =	vld [tilespmem:s16+$0x13080];
	v62 =	vpop (erf);
	v24 =	vadd.f32 v32, v31;
	v20 =	vmul.f32 v59, v20;
	v26 =	vnsel vm7, $0x0, v57  }
0x3e0: {  	v42 =	vld [tilespmem:s16+$0x13090];
	v63 =	vpop (erf);
	v31 =	vnsel vm4, $0x0, v19;
	v23 =	vmul.f32 v56, v29;
	v2 =	vadd.f32 v2, v37  }
0x3e1: {  	v61 =	vnsel vm3, $0x0, v17;
	v17 =	vld [tilespmem:s16+$0x11120];
	v20 =	vmul.f32 v20, v63;
	v3 =	vmul.f32 v3, v33  }
0x3e2: {  	v19 =	vld [tilespmem:s16+$0x114A0];
	v29 =	vnsel vm8, $0x0, v58;
	v24 =	vmul.f32 v24, v34;
	v2 =	vmul.f32 v2, v23  }
0x3e3: {  	v32 =	vld [tilespmem:s16+$0x129A0];
	v23 =	vnsel vm5, $0x0, v60;
	vm5 =	vgt.s32 v25, $0x0;
	v25 =	vsub.f32 v53, v54  }
0x3e4: {  	v57 =	vld.idx.msk [tilespmem:v12+s16+$0xFFFFFFE0 ss:$0x1], $0xffff;
	vm7 =	vgt.s32 v44, $0x0;
	v26 =	vadd.f32 v20, v26;
	v29 =	vsub.f32 v29, v20  }
0x3e5: {  	v59 =	vld.idx.msk [tilespmem:v12+s16+$0xFFFFFFD0 ss:$0x1], $0xffff;
	v20 =	vnsel vm1, $0x0, v21;
	v24 =	vmul.f32 v24, v35;
	v2 =	vmul.f32 v2, v62  }
0x3e6: {  	v37 =	vld [tilespmem:s16+$0x12610];
	v21 =	vnsel vm6, $0x0, v22;
	v3 =	vmul.f32 v3, v27;
	v26 =	vmul.f32 v26, v26  }
0x3e7: {  	v33 =	vld.idx.msk [tilespmem:v9+s16+$0x0 ss:$0x1], $0xffff;
	v29 =	vmul.f32 v29, v29;
	v22 =	vadd.f32 v2, v20;
	v2 =	vsub.f32 v21, v2  }
0x3e8: {  	v34 =	vld.idx.msk [tilespmem:v8+s16+$0x0 ss:$0x1], $0xffff;
	v62 =	vnsel vm2, $0x0, v18;
	v23 =	vadd.f32 v3, v23;
	v21 =	vadd.f32 v24, v61  }
0x3e9: {  	v44 =	vld [tilespmem:s16+$0x12990];
	v26 =	vadd.f32 v29, v26;
	v22 =	vmul.f32 v22, v22;
	v2 =	vmul.f32 v2, v2  }
0x3ea: {  	v53 =	vld [tilespmem:s16+$0x11F10];
	v3 =	vsub.f32 v31, v3;
	v24 =	vsub.f32 v62, v24  }
0x3eb: {  	v35 =	vld [tilespmem:s16+$0x12620];
	v27 =	vmul.f32 v21, v21;
	v26 =	vnsel vm0, $0x0, v26;
	v2 =	vadd.f32 v2, v22  }
0x3ec: {  	s0 =	sadd.s32 $0x40, s0;
	v18 =	vld [tilespmem:s16+$0x11820];
	vm0 =	vlt.u32 v13, $0x30D40;
	v22 =	vmul.f32 v24, v24;
	v6 =	vadd.f32 v26, v7  }
0x3ed: {  	v31 =	vld [tilespmem:s16+$0x11F30];
	v2 =	vnsel vm0, $0x0, v2;
	vm0 =	vlt.u32 v11, $0x30D40;
	v11 =	vadd.s32 s15, v4;
	s15 =	sadd.s32 $0x30, s0  }
0x3ee: {  	v20 =	vld [tilespmem:s16+$0x11BA0];
	v3 =	vmul.f32 v3, v3;
	v26 =	vadd.f32 v22, v27;
	v63 =	vmov s15  }
0x3ef: {  	v29 =	vld [tilespmem:s16+$0x12630];
	v13 =	vmul.f32 v23, v23;
	v2 =	vadd.f32 v2, v6;
	v46 =	vmul.u32 $0x3, v63  }
0x3f0: {  	v21 =	vld [tilespmem:s16+$0x11110];
	v6 =	vnsel vm0, $0x0, v26;
	vm0 =	vlt.u32 v11, $0x30D40;
	v11 =	vmov s0  }
0x3f1: {  	v23 =	vld [tilespmem:s16+$0x11490];
	v3 =	vadd.f32 v3, v13;
	v11 =	vmul.u32 $0x3, v11;
	v58 =	vadd.s32 v10, v46  }
0x3f2: {  	v24 =	vld [tilespmem:s16+$0x11B90];
	v2 =	vadd.f32 v6, v2;
	v61 =	vadd.s32 v14, v46  }
0x3f3: {  	v3 =	vnsel vm0, $0x0, v3;
	v6 =	vld [tilespmem:s16+$0x12280];
	v13 =	vor.u32 v10, v11  }
0x3f4: {  	s4 =	sadd.s32 $0x20, s0;
	v7 =	vadd.f32 v3, v2;
	v2 =	vld [tilespmem:s16+$0x11100];
	v11 =	vor.u32 v14, v11  }
0x3f5: {  	v56 =	vmov s4;
	v46 =	vadd.s32 s0, v4;
	v3 =	vld [tilespmem:s16+$0x11480]  }
0x3f6: {  	s3 =	sadd.s32 $0x10, s0;
	v56 =	vmul.u32 $0x3, v56;
	vm0 =	vlt.u32 v46, $0x30D40;
	v46 =	vld.idx.msk [tilespmem:v58+s11+$0x0], $0xffff  }
0x3f7: {  	(erf) = vrcp.f32 v51;
	v60 =	vmov s3;
	vm4 =	vgt.s32 v39, $0x0;
	v39 =	vld.idx.msk [tilespmem:v61+s11+$0x0], $0xffff  }
0x3f8: {  	(erf) = vrcp.f32 v52;
	v60 =	vmul.u32 $0x3, v60;
	v63 =	vadd.s32 v10, v56;
	v62 =	vld.idx.msk [tilespmem:v13+s11+$0x0], $0xffff  }
0x3f9: {  	(erf) = vrcp.f32 v57;
	v56 =	vadd.s32 v14, v56;
	v5 =	vld.idx.msk [tilespmem:v11+s11+$0x0], $0xffff  }
0x3fa: {  	s31 =	sadd.s32 $0x4, s31;
	v22 =	vld [tilespmem:s16+$0x11810];
	v13 =	vadd.s32 s3, v4;
	v11 =	vadd.s32 s4, v4;
	v4 =	vadd.s32 v10, v60  }
0x3fb: {  	p0 =	slt.u32 s31, $0x2C;
	vm3 =	vgt.s32 v40, $0x0;
	(erf) = vrcp.f32 v59;
	v27 =	vld [tilespmem:s16+$0x122B0];
	v60 =	vadd.s32 v14, v60  }
.Ltmp5:
0x3fc: {  	vm8 =	vgt.s32 v45, $0x0;
	v33 =	vmul.f32 v34, v33;
	v34 =	vmul.f32 v48, v47;
	v26 =	vld [tilespmem:s16+$0x129B0];
	(pc) =	sbr.rel @p0 .LBB2_13-.Ltmp5, $4  }
0x3fd: {  	vm2 =	vgt.s32 v41, $0x0;
	v40 =	vld.idx.msk [tilespmem:v63+s11+$0x0], $0xffff;
	v28 =	vmul.f32 v28, v46;
	v30 =	vmul.f32 v30, v39  }
0x3fe: {  	v41 =	vld.idx.msk [tilespmem:v56+s11+$0x0], $0xffff;
	v6 =	vsub.f32 v55, v6;
	v47 =	vmul.f32 v2, v62;
	v48 =	vmul.f32 v3, v5  }
0x3ff: {  	vm1 =	vgt.s32 v43, $0x0;
	v49 =	vmul.f32 v49, v62;
	v50 =	vmul.f32 v50, v5;
	v43 =	vld.idx.msk [tilespmem:v4+s11+$0x0], $0xffff  }
0x400: {  	s17 =	sadd.s32 $0x100, s17;
	vm6 =	vgt.s32 v42, $0x0;
	v51 =	vmul.f32 v25, v62;
	v52 =	vmul.f32 v6, v5;
	v42 =	vld.idx.msk [tilespmem:v60+s11+$0x0], $0xffff  }
0x401: {  	_ =	sdelay $0x1  }
0x402: {  	v3 =	vmul.f32 v15, v46;
	v4 =	vsub.f32 v29, v31;
	v14 =	vsub.f32 v26, v27  }
0x403: {  	v2 =	vld [tilespmem:s16+$0x12290];
	v5 =	vmul.f32 v16, v39;
	v63 =	vsub.f32 v35, v38;
	v45 =	vsub.f32 v32, v36  }
0x404: {  	v54 =	vld.idx.msk [tilespmem:v9+s16+$0xFFFFFFE0 ss:$0x1], $0xffff;
	v55 =	vsub.f32 v37, v53;
	v57 =	vor.u32 $0x900, v10;
	v59 =	vadd.f32 v48, v47  }
0x405: {  	v56 =	vld.idx.msk [tilespmem:v9+s16+$0xFFFFFFD0 ss:$0x1], $0xffff;
	v60 =	vadd.f32 v50, v49;
	v61 =	vadd.s32 $0x902, v10;
	v28 =	vadd.f32 v30, v28  }
0x406: {  	v25 =	vld.idx.msk [tilespmem:v8+s16+$0xFFFFFFD0 ss:$0x1], $0xffff;
	vm10 =	vlt.u32 v13, $0x30D40;
	v6 =	vmul.f32 v17, v40;
	v35 =	vmul.f32 v18, v40  }
0x407: {  	v58 =	vld.idx.msk [tilespmem:v8+s16+$0xFFFFFFE0 ss:$0x1], $0xffff;
	vm13 =	vlt.u32 v11, $0x30D40;
	v12 =	vmul.f32 v19, v41;
	v38 =	vmul.f32 v20, v41  }
0x408: {  	s0 =	sand.u32 $0x3F80, s1;
	s31 =	sand.u32 $0x70, s30;
	v47 =	vld [tilespmem:$0x12580];
	v62 =	vadd.f32 v52, v51;
	v4 =	vmul.f32 v4, v46;
	v14 =	vmul.f32 v14, v39  }
0x409: {  	v49 =	vld [tilespmem:$0x11400];
	s0 =	sor.u32 s31, s0;
	v15 =	vmul.f32 v63, v40;
	v18 =	vmul.f32 v45, v41;
	v3 =	vadd.f32 v5, v3  }
0x40a: {  	v39 =	vld [tilespmem:s0+$0xA200];
	v41 =	vnsel vm8, $0x0, v60;
	v21 =	vmul.f32 v21, v43;
	v22 =	vmul.f32 v22, v43  }
0x40b: {  	v45 =	vld [tilespmem:$0x12200];
	v20 =	vmul.f32 v55, v43;
	v23 =	vmul.f32 v23, v42;
	v6 =	vadd.f32 v12, v6  }
0x40c: {  	v46 =	vld [tilespmem:$0x12C80];
	v24 =	vmul.f32 v24, v42;
	v5 =	vadd.f32 v38, v35;
	v4 =	vadd.f32 v14, v4  }
0x40d: {  	v48 =	vld [tilespmem:s0+$0xBA80];
	v15 =	vadd.f32 v18, v15;
	v38 =	vnsel vm7, $0x0, v59;
	v3 =	vnsel vm4, $0x0, v3  }
0x40e: {  	v43 =	vld [tilespmem:s0+$0xD300];
	v2 =	vsub.f32 v44, v2;
	v9 =	vmul.f32 v25, v56;
	v8 =	vmul.f32 v58, v54  }
0x40f: {  	v63 =	vpop (erf);
	v32 =	vld.idx.msk [tilespmem:v57+s11+$0x0], $0xffff;
	v30 =	vadd.f32 v23, v21;
	v36 =	vadd.f32 v24, v22;
	v4 =	vmul.f32 v4, v33  }
0x410: {  	v35 =	vpop (erf);
	v10 =	vld.idx.msk [tilespmem:v61+s11+$0x0], $0xffff;
	v6 =	vnsel vm3, $0x0, v6;
	v15 =	vmul.f32 v15, v34;
	v2 =	vmul.f32 v2, v42  }
0x411: {  	v44 =	vld [tilespmem:$0x12900];
	v37 =	vpop (erf);
	v5 =	vnsel vm2, $0x0, v5;
	v9 =	vmul.f32 v62, v9;
	v17 =	vsub.f32 v46, v47  }
0x412: {  	v50 =	vld [tilespmem:$0x11780];
	v40 =	vpop (erf);
	v15 =	vmul.f32 v15, v35;
	v4 =	vmul.f32 v4, v63;
	v2 =	vadd.f32 v2, v20  }
0x413: {  	v14 =	vnsel vm1, $0x0, v30;
	(erf) = vrcp.f32 v43;
	v9 =	vmul.f32 v9, v40  }
0x414: {  	v21 =	vnsel vm6, $0x0, v36;
	v20 =	vmul.f32 v48, v39;
	v2 =	vmul.f32 v2, v8  }
0x415: {  	v6 =	vadd.f32 v15, v6;
	v5 =	vsub.f32 v5, v15;
	v17 =	vmul.f32 v17, v10  }
0x416: {  	v51 =	vld [tilespmem:$0x11B00];
	v19 =	vsub.f32 v44, v45;
	v12 =	vmul.f32 v49, v32;
	v2 =	vmul.f32 v2, v37  }
0x417: {  	v15 =	vmul.f32 v50, v10;
	v18 =	vadd.f32 v9, v38;
	v9 =	vsub.f32 v41, v9  }
0x418: {  	v52 =	vld [tilespmem:$0x11E80];
	v54 =	vmul.f32 v19, v32;
	v14 =	vadd.f32 v2, v14;
	v2 =	vsub.f32 v21, v2  }
0x419: {  	v42 =	vnsel vm5, $0x0, v28;
	v18 =	vmul.f32 v18, v18;
	v9 =	vmul.f32 v9, v9  }
0x41a: {  	v53 =	vld [tilespmem:$0x13000];
	v3 =	vsub.f32 v3, v4;
	v14 =	vmul.f32 v14, v14;
	v2 =	vmul.f32 v2, v2  }
0x41b: {  	v55 =	vld [tilespmem:$0x13380];
	v56 =	vmul.f32 v51, v32;
	v6 =	vmul.f32 v6, v6;
	v9 =	vadd.f32 v9, v18  }
0x41c: {  	v5 =	vmul.f32 v5, v5;
	v2 =	vadd.f32 v2, v14;
	v14 =	vadd.f32 v17, v54  }
0x41d: {  	v10 =	vmul.f32 v52, v10;
	v8 =	vadd.f32 v4, v42;
	v12 =	vadd.f32 v15, v12  }
0x41e: {  	v5 =	vadd.f32 v5, v6;
	v4 =	vnsel vm0, $0x0, v9;
	v6 =	vmul.f32 v14, v20  }
0x41f: {  	vm11 =	vgt.s32 v53, $0x0;
	v10 =	vadd.f32 v10, v56;
	v57 =	vpop (erf);
	v4 =	vadd.f32 v4, v7  }
0x420: {  	vm12 =	vgt.s32 v55, $0x0;
	v7 =	vld [tilespmem:$0x1FC10];
	v2 =	vnsel vm10, $0x0, v2;
	v6 =	vmul.f32 v6, v57  }
0x421: {  	v58 =	vnsel vm12, $0x0, v10;
	v2 =	vadd.f32 v2, v4;
	v4 =	vnsel vm11, $0x0, v12  }
0x422: {  	v63 =	vlaneseq.u32;
	v4 =	vadd.f32 v6, v4;
	v6 =	vsub.f32 v58, v6  }
0x423: {  	v62 =	vmul.u32 $0xFFFFFFFF, v63;
	v3 =	vmul.f32 v3, v3;
	v8 =	vmul.f32 v8, v8  }
0x424: {  	v5 =	vnsel vm13, $0x0, v5;
	v4 =	vmul.f32 v4, v4;
	v6 =	vmul.f32 v6, v6  }
0x425: {  	v3 =	vadd.f32 v3, v8;
	v59 =	vadd.s32 s15, v7;
	v2 =	vadd.f32 v5, v2  }
0x426: {  	s29 =	sadd.s32 $0x1, s29;
	vm14 =	vlt.u32 v59, $0x30D40;
	v5 =	vadd.s32 $0x30A40, v62;
	v4 =	vadd.f32 v6, v4  }
0x427: {  	p0 =	sne.s32 s29, $0x8;
	v3 =	vnsel vm14, $0x0, v3;
	vm15 =	vlt.u32 v7, v5  }
.Ltmp6:
0x428: {  	v2 =	vadd.f32 v3, v2;
	v3 =	vnsel vm15, $0x0, v4;
	v4 =	vld [tilespmem:$0x1FFF0];
	(pc) =	sbr.rel @p0 .LBB2_10-.Ltmp6, $3  }
0x429: {  	_ =	sdelay $0x1  }
0x42a: {  	s28 =	sadd.s32 $0x620, s28  }
0x42b: {  	s19 =	sadd.s32 $0x310, s19;
	s25 =	sadd.s32 $0x310, s25;
	s26 =	sadd.s32 $0x310, s26;
	v5 =	vadd.f32 v3, v2  }
0x42c: {  	_ = 	snop  }
0x42d: {  	s0 =	rddreg [dreg:$0x10];
	s1 =	simm.s32 $0x13400;
	s29 =	simm.s32 $0x5;
	[tilespmem:$0x13400] =	vst v5  }
0x42e: {  	[hbm4b:s0+s7] =	stream.linear.scatter [tilespmem:s1], [sflag:$0x5], $0x80, $0x200038;
	[tilespmem:$0x13480] =	vst v63  }
0x42f: {  	_ =	swait.ge [sflag:s29], $0x80  }
0x430: {  	s30 =	rddreg [dreg:$0x12]  }
0x431: {  	s31 =	rddreg [dreg:$0x11];
	s1 =	sadd.s32 $0x1, s30  }
0x432: {  	p0 =	sne.s32 s1, s31  }
.Ltmp7:
0x433: {  	_ = 	snop;
	(pc) =	sbr.rel @p0 .LBB2_1-.Ltmp7, $4  }
0x434: {  	_ = 	snop  }
0x435: {  	[sflag:s29] =	ssyncset.done $0x0  }
0x436: {  	[sflag:s29] =	ssyncadd.s32 $0xFFFFFF80  }
0x437: {  	v2 =	vimm.s32 $0x0;
	v3 =	vimm.f32 $0.0e+00;
	_ =	strace $0x9000004A  }
0x438: {  	_ =	sfence.sel $0x180000  }
0x439: {  	[bflag:$0x0] =	sbarrier.arrive $0xFFFF  }
0x43a: {  	_ =	strace $0x90000047  }
0x43b: {  	s0 =	stileid.u32;
	[bflag:$0x2] =	sbarrier.arrive $0xFFFF  }
0x43c: {  	p0 =	sne.s32 s0, $0x0;
	s0 =	rddreg [dreg:$0x1]  }
0x43d: {  	s0 =	sadd.s32 @!p0 $0x100000, s0  }
0x43e: {  	[sflag:s0] =	ssyncadd.tile.s32 @!p0 $0x1;
	_ =	shalt  }
.Lfunc_end2:
_tile_overlayer_lowered:
.L_overlay_start_2:
0x43f: {  	(tag) =	ssettag $0x2  }
0x440: {  	s0 =	rddreg [dreg:$0x0];
	s2 =	stileid.u32  }
0x441: {  	s1 =	rddreg [dreg:$0x1];
	p0 =	sne.s32 s2, $0x0  }
0x442: {  	s3 =	rddreg [dreg:$0x2];
	[bflag:$0x3] =	sbarrier.arrive $0xFFFF;
	s2 =	simm.s32 @!p0 $0x1C05  }
0x443: {  	[timem:s3], [sflag:s2] =	dma.local @!p0 [hbm:s0], s1  }
0x444: {  	s0 =	simm.s32 @!p0 $0x5  }
0x445: {  	_ =	swait.ge @!p0 [sflag:s0], s1  }
0x446: {  	s1 =	ssub.s32 @!p0 $0x0, s1;
	[sflag:s0] =	ssyncset.done @!p0 $0x0  }
0x447: {  	[sflag:s0] =	ssyncadd.s32 @!p0 s1  }
0x448: {  	[bflag:$0x3] =	sbarrier.arrive $0xFFFF  }
0x449: {  	_ =	shalt  }

</sc_bundles>
